<compile_context>
chip_gen: v7x
topology: tpu7x:2x2x1
jax: 0.10.2.dev20260603
libtpu: 0.0.44.dev20260713+nightly
codegen_flags: <defaults>
</compile_context>

<pallas_src>
import functools

import jax
import jax.numpy as jnp
from jax import lax
from jax.experimental import pallas as pl
from jax.experimental.pallas import tpu as pltpu
from jax.experimental.pallas import tpu_sc as plsc

_K = 64
_B = 4
_S = 4096
_C = 1024
_MININT = -(2**31)

_NC = 2
_NS = 16
_NW = _NC * _NS
_CPW = _C // (_NW // _B)
_TCW = 256
_GRP = _CPW // 16


def _tc_threshold_body(x_ref, thr_ref, neq_ref):
    x = x_ref[0]
    b = lax.bitcast_convert_type(x, jnp.int32)
    s = jnp.bitwise_xor(
        b, lax.shift_right_logical(jnp.right_shift(b, 31), jnp.int32(1)))

    hi = jnp.right_shift(s, 16).astype(jnp.int16).reshape(64, 64, _TCW)
    l16 = ((s & 0xFFFF) - 32768).astype(jnp.int16).reshape(64, 64, _TCW)

    def _cnt16(mask):
        vals = [mask[a].astype(jnp.int16) for a in range(64)]
        while len(vals) > 1:
            vals = [vals[i] + vals[i + 1] for i in range(0, len(vals), 2)]
        return jnp.sum(vals[0].astype(jnp.int32), axis=0, keepdims=True)

    def _descend(data, k_tgt):
        def bit_step(i, ph):
            bit = jnp.left_shift(jnp.int32(1), 15 - i)
            cand = jnp.bitwise_or(ph, bit)
            cand_s = (cand - 32768).astype(jnp.int16).reshape(1, 1, _TCW)
            cnt = _cnt16(data >= cand_s)
            return jnp.where(cnt >= k_tgt, cand, ph)

        return lax.fori_loop(0, 16, bit_step, jnp.zeros((1, _TCW), jnp.int32))

    ph = _descend(hi, _K)
    thi_s = (ph - 32768).astype(jnp.int16).reshape(1, 1, _TCW)
    n_hi_gt = _cnt16(hi > thi_s)
    k2 = _K - n_hi_gt
    loe = jnp.where(hi == thi_s, l16, jnp.int16(-32768))
    pl_ = _descend(loe, k2)

    t_s = jnp.left_shift(ph - 32768, 16) | pl_
    tlo_s = (pl_ - 32768).astype(jnp.int16).reshape(1, 1, _TCW)
    n_gt = n_hi_gt + _cnt16(loe > tlo_s)
    b_thr = jnp.where(t_s < 0, jnp.bitwise_not(jnp.bitwise_xor(t_s, _MININT)), t_s)
    thr_ref[...] = lax.bitcast_convert_type(b_thr, jnp.float32)[None, None]
    neq_ref[...] = (_K - n_gt)[None, None]


_CHUNK = 256


def _sc_select_body(x_hbm, thr_hbm, neq_hbm, out_hbm, xbufa, xbufb, obufs,
                    tbuf, nbuf, sema, semb):
    wid = lax.axis_index("c") * _NS + lax.axis_index("s")
    b = wid // (_NW // _B)
    cbase = (wid % (_NW // _B)) * _CPW
    coff = b * _C + cbase
    lane = lax.iota(jnp.int32, 16)

    pltpu.sync_copy(thr_hbm.at[pl.ds(coff, _CPW)], tbuf)
    pltpu.sync_copy(neq_hbm.at[pl.ds(coff, _CPW)], nbuf)

    thrs = [tbuf[pl.ds(g * 16, 16)] for g in range(_GRP)]
    st0 = tuple(
        [lane * _K for _ in range(_GRP)]
        + [nbuf[pl.ds(g * 16, 16)] for g in range(_GRP)])

    def _copy(ch, buf, sem):
        return pltpu.make_async_copy(
            x_hbm.at[b, pl.ds(ch * _CHUNK, _CHUNK), pl.ds(cbase, _CPW)],
            buf, sem)

    def _process(xbuf, st):
        @plsc.parallel_loop(0, _CHUNK, unroll=4, carry=st)
        def step(i, s2):
            vs = [xbuf[i, pl.ds(g * 16, 16)] for g in range(_GRP)]
            addrs, rems = list(s2[:_GRP]), list(s2[_GRP:])
            for g in range(_GRP):
                gt = vs[g] > thrs[g]
                eq = vs[g] == thrs[g]
                sel = jnp.logical_or(gt, jnp.logical_and(eq, rems[g] > 0))
                plsc.store_scatter(obufs[g], [addrs[g]], vs[g], mask=sel)
                rems[g] = rems[g] - eq.astype(jnp.int32)
                addrs[g] = addrs[g] + sel.astype(jnp.int32)
            return tuple(addrs + rems)

        return step

    npairs = _S // _CHUNK // 2
    _copy(0, xbufa, sema).start()

    def pair(p, st):
        _copy(2 * p, xbufa, sema).wait()
        _copy(2 * p + 1, xbufb, semb).start()
        st = _process(xbufa, st)
        _copy(2 * p + 1, xbufb, semb).wait()

        @pl.when(p < npairs - 1)
        def _():
            _copy(2 * p + 2, xbufa, sema).start()

        return _process(xbufb, st)

    lax.fori_loop(0, npairs, pair, st0)
    for g in range(_GRP):
        pltpu.sync_copy(
            obufs[g],
            out_hbm.at[pl.ds(wid * (_CPW * _K) + g * 16 * _K, 16 * _K)])


@functools.cache
def _sc_select():
    return pl.kernel(
        _sc_select_body,
        out_type=jax.ShapeDtypeStruct((_NW * _CPW * _K,), jnp.float32),
        mesh=plsc.VectorSubcoreMesh(
            core_axis_name="c", subcore_axis_name="s",
            num_cores=_NC, num_subcores=_NS,
        ),
        compiler_params=pltpu.CompilerParams(needs_layout_passes=False),
        scratch_types=[
            pltpu.VMEM((_CHUNK, _CPW), jnp.float32),
            pltpu.VMEM((_CHUNK, _CPW), jnp.float32),
            [pltpu.VMEM((16 * _K,), jnp.float32) for _ in range(_GRP)],
            pltpu.VMEM((_CPW,), jnp.float32),
            pltpu.VMEM((_CPW,), jnp.int32),
            pltpu.SemaphoreType.DMA,
            pltpu.SemaphoreType.DMA,
        ],
    )


def kernel(x):
    thr4, neq4 = pl.pallas_call(
        _tc_threshold_body,
        grid=(_B, _C // _TCW),
        in_specs=[pl.BlockSpec((1, _S, _TCW), lambda b, cb: (b, 0, cb))],
        out_specs=[
            pl.BlockSpec((1, 1, 1, _TCW), lambda b, cb: (b, cb, 0, 0)),
            pl.BlockSpec((1, 1, 1, _TCW), lambda b, cb: (b, cb, 0, 0)),
        ],
        out_shape=[
            jax.ShapeDtypeStruct((_B, _C // _TCW, 1, _TCW), jnp.float32),
            jax.ShapeDtypeStruct((_B, _C // _TCW, 1, _TCW), jnp.int32),
        ],
    )(x)
    thr = thr4.reshape(_B * _C)
    neq = neq4.reshape(_B * _C)
    out_flat = _sc_select()(x, thr, neq)
    out = out_flat.reshape(_B, _NW // _B, _CPW, _K)
    return out.transpose(0, 3, 1, 2).reshape(_B, _K, _C)

# --- scband reference (transcript-rebuilt; emitter-appended) ---
"""Pipeline reference for scband-kmax-pooling1-d-11295763988974 (READ-ONLY COPY).

The authoritative reference and input builder live on the scoring server;
editing this copy changes nothing except your own understanding.
"""

import jax, jax.numpy as jnp
import numpy as np

K = 64


def setup_inputs(seed: int = 0) -> dict:
    key = jax.random.key(seed)
    x = jax.random.normal(key, (4, 4096, 1024), dtype=jnp.float32)
    return {"x": x}


def kmax_pooling(x, dim, k):
    # Faithful port of the common torch kmax_pooling:
    #   index = x.topk(k, dim=dim)[1].sort(dim=dim)[0]
    #   return x.gather(dim, index)
    xt = jnp.moveaxis(x, dim, -1)
    _, idx = jax.lax.top_k(xt, k)
    idx = jnp.sort(idx, axis=-1)  # preserve original sequence order
    out = jnp.take_along_axis(xt, idx, axis=-1)
    return jnp.moveaxis(out, -1, dim)


def reference(x):
    return kmax_pooling(x, 1, K)

if __name__ == "__main__":
    import jax
    _d = setup_inputs()
    print(jax.jit(kernel)(*tuple(_d.values())))

</pallas_src>

<mosaic_0001>
#map = affine_map<(d0, d1) -> (0, 0, 0)>
#map1 = affine_map<(d0, d1) -> (0)>
module attributes {stable_mosaic.version = 14 : i64} {
  func.func @_sc_select_body(%arg0: i32, %arg1: i32, %arg2: memref<4x4096x1024xf32, #tpu.memory_space<hbm>>, %arg3: memref<4096xf32, #tpu.memory_space<hbm>>, %arg4: memref<4096xi32, #tpu.memory_space<hbm>>, %arg5: memref<262144xf32, #tpu.memory_space<hbm>>, %arg6: memref<256x128xf32, #tpu.memory_space<vmem>>, %arg7: memref<256x128xf32, #tpu.memory_space<vmem>>, %arg8: memref<1024xf32, #tpu.memory_space<vmem>>, %arg9: memref<1024xf32, #tpu.memory_space<vmem>>, %arg10: memref<1024xf32, #tpu.memory_space<vmem>>, %arg11: memref<1024xf32, #tpu.memory_space<vmem>>, %arg12: memref<1024xf32, #tpu.memory_space<vmem>>, %arg13: memref<1024xf32, #tpu.memory_space<vmem>>, %arg14: memref<1024xf32, #tpu.memory_space<vmem>>, %arg15: memref<1024xf32, #tpu.memory_space<vmem>>, %arg16: memref<128xf32, #tpu.memory_space<vmem>>, %arg17: memref<128xi32, #tpu.memory_space<vmem>>, %arg18: memref<!tpu.dma_semaphore, #tpu.memory_space<semaphore_mem>>, %arg19: memref<!tpu.dma_semaphore, #tpu.memory_space<semaphore_mem>>) attributes {dimension_semantics = [#tpu.dimension_semantics<core_parallel>, #tpu.dimension_semantics<subcore_parallel>], iteration_bounds = array<i64: 2, 16>, scalar_prefetch = 0 : i64, scratch_operands = 14 : i64, tpu.core_type = #tpu.core_type<sc_vector_subcore>, window_params = [{transform_indices = #map}, {transform_indices = #map1}, {transform_indices = #map1}, {transform_indices = #map1}]} {
    %mul3A = arith.constant 16 : i32
    %mul3A_0 = arith.muli %arg0, %mul3A : i32
    %add3A = arith.addi %mul3A_0, %arg1 : i32
    %jit3A = arith.constant 8 : i32
    %div3A = arith.divsi %add3A, %jit3A : i32
    %sign3A = arith.constant 0 : i32
    %sign3A_1 = arith.cmpi sgt, %add3A, %sign3A : i32
    %sign3A_2 = arith.extui %sign3A_1 : i1 to i32
    %sign3A_3 = arith.constant 0 : i32
    %sign3A_4 = arith.cmpi slt, %add3A, %sign3A_3 : i32
    %sign3A_5 = arith.extui %sign3A_4 : i1 to i32
    %sign3A_6 = arith.subi %sign3A_2, %sign3A_5 : i32
    %sign3A_7 = arith.constant 0 : i32
    %sign3A_8 = arith.cmpi sgt, %jit3A, %sign3A_7 : i32
    %sign3A_9 = arith.extui %sign3A_8 : i1 to i32
    %sign3A_10 = arith.constant 0 : i32
    %sign3A_11 = arith.cmpi slt, %jit3A, %sign3A_10 : i32
    %sign3A_12 = arith.extui %sign3A_11 : i1 to i32
    %sign3A_13 = arith.subi %sign3A_9, %sign3A_12 : i32
    %ne3A = arith.cmpi ne, %sign3A_6, %sign3A_13 : i32
    %rem3A = arith.remsi %add3A, %jit3A : i32
    %ne3A_14 = arith.constant 0 : i32
    %ne3A_15 = arith.cmpi ne, %rem3A, %ne3A_14 : i32
    %and3A = arith.andi %ne3A, %ne3A_15 : i1
    %sub3A = arith.constant 1 : i32
    %sub3A_16 = arith.subi %div3A, %sub3A : i32
    %select_n3A = arith.select %and3A, %sub3A_16, %div3A : i32
    %jit3A_17 = arith.constant 8 : i32
    %eq3A = arith.constant 0 : i32
    %eq3A_18 = arith.cmpi eq, %jit3A_17, %eq3A : i32
    %jit3A_19 = arith.constant 1 : i32
    %select_n3A_20 = arith.select %eq3A_18, %jit3A_19, %jit3A_17 : i32
    %rem3A_21 = arith.remsi %add3A, %select_n3A_20 : i32
    %ne3A_22 = arith.constant 0 : i32
    %ne3A_23 = arith.cmpi ne, %rem3A_21, %ne3A_22 : i32
    %lt3A = arith.constant 0 : i32
    %lt3A_24 = arith.cmpi slt, %rem3A_21, %lt3A : i32
    %lt3A_25 = arith.constant 0 : i32
    %lt3A_26 = arith.cmpi slt, %select_n3A_20, %lt3A_25 : i32
    %ne3A_27 = arith.xori %lt3A_24, %lt3A_26 : i1
    %and3A_28 = arith.andi %ne3A_27, %ne3A_23 : i1
    %add3A_29 = arith.addi %rem3A_21, %select_n3A_20 : i32
    %select_n3A_30 = arith.select %and3A_28, %add3A_29, %rem3A_21 : i32
    %mul3A_31 = arith.constant 128 : i32
    %mul3A_32 = arith.muli %select_n3A_30, %mul3A_31 : i32
    %mul3A_33 = arith.constant 1024 : i32
    %mul3A_34 = arith.muli %select_n3A, %mul3A_33 : i32
    %add3A_35 = arith.addi %mul3A_34, %mul3A_32 : i32
    %iota3A = tpu.iota {dimensions = array<i32: 0>} : vector<16xi32>
    "tpu.region"() ({
      %run_scoped3A = tpu.sem_alloc : memref<!tpu.dma_semaphore, #tpu.memory_space<semaphore_mem>>
      %dma_start3A_133 = tpu.memref_slice %arg3[%add3A_35] : memref<4096xf32, #tpu.memory_space<hbm>> -> memref<128xf32, #tpu.memory_space<hbm>>
      %dma_start3A_134 = tpu.memref_slice %arg3[%add3A_35] : memref<4096xf32, #tpu.memory_space<hbm>> -> memref<128xf32, #tpu.memory_space<hbm>>
      tpu.enqueue_dma source(%dma_start3A_134 : memref<128xf32, #tpu.memory_space<hbm>>) target(%arg16 : memref<128xf32, #tpu.memory_space<vmem>>) target_semaphore(%run_scoped3A : memref<!tpu.dma_semaphore, #tpu.memory_space<semaphore_mem>>)
      %dma_wait3A = tpu.memref_slice %arg3[%add3A_35] : memref<4096xf32, #tpu.memory_space<hbm>> -> memref<128xf32, #tpu.memory_space<hbm>>
      %dma_wait3A_135 = tpu.memref_slice %arg3[%add3A_35] : memref<4096xf32, #tpu.memory_space<hbm>> -> memref<128xf32, #tpu.memory_space<hbm>>
      tpu.wait_dma2 semaphore(%run_scoped3A : memref<!tpu.dma_semaphore, #tpu.memory_space<semaphore_mem>>) src(%dma_wait3A_135 : memref<128xf32, #tpu.memory_space<hbm>>) dst(%arg16 : memref<128xf32, #tpu.memory_space<vmem>>)
      tpu.yield
    }) : () -> ()
    "tpu.region"() ({
      %run_scoped3A = tpu.sem_alloc : memref<!tpu.dma_semaphore, #tpu.memory_space<semaphore_mem>>
      %dma_start3A_133 = tpu.memref_slice %arg4[%add3A_35] : memref<4096xi32, #tpu.memory_space<hbm>> -> memref<128xi32, #tpu.memory_space<hbm>>
      %dma_start3A_134 = tpu.memref_slice %arg4[%add3A_35] : memref<4096xi32, #tpu.memory_space<hbm>> -> memref<128xi32, #tpu.memory_space<hbm>>
      tpu.enqueue_dma source(%dma_start3A_134 : memref<128xi32, #tpu.memory_space<hbm>>) target(%arg17 : memref<128xi32, #tpu.memory_space<vmem>>) target_semaphore(%run_scoped3A : memref<!tpu.dma_semaphore, #tpu.memory_space<semaphore_mem>>)
      %dma_wait3A = tpu.memref_slice %arg4[%add3A_35] : memref<4096xi32, #tpu.memory_space<hbm>> -> memref<128xi32, #tpu.memory_space<hbm>>
      %dma_wait3A_135 = tpu.memref_slice %arg4[%add3A_35] : memref<4096xi32, #tpu.memory_space<hbm>> -> memref<128xi32, #tpu.memory_space<hbm>>
      tpu.wait_dma2 semaphore(%run_scoped3A : memref<!tpu.dma_semaphore, #tpu.memory_space<semaphore_mem>>) src(%dma_wait3A_135 : memref<128xi32, #tpu.memory_space<hbm>>) dst(%arg17 : memref<128xi32, #tpu.memory_space<vmem>>)
      tpu.yield
    }) : () -> ()
    %get3A = arith.constant 0 : index
    %get3A_36 = tpu.vector_load %arg16[%get3A] {strides = array<i32>} : memref<128xf32, #tpu.memory_space<vmem>>, vector<16xf32>,
    %get3A_37 = arith.constant 16 : index
    %get3A_38 = tpu.vector_load %arg16[%get3A_37] {strides = array<i32>} : memref<128xf32, #tpu.memory_space<vmem>>, vector<16xf32>,
    %get3A_39 = arith.constant 32 : index
    %get3A_40 = tpu.vector_load %arg16[%get3A_39] {strides = array<i32>} : memref<128xf32, #tpu.memory_space<vmem>>, vector<16xf32>,
    %get3A_41 = arith.constant 48 : index
    %get3A_42 = tpu.vector_load %arg16[%get3A_41] {strides = array<i32>} : memref<128xf32, #tpu.memory_space<vmem>>, vector<16xf32>,
    %get3A_43 = arith.constant 64 : index
    %get3A_44 = tpu.vector_load %arg16[%get3A_43] {strides = array<i32>} : memref<128xf32, #tpu.memory_space<vmem>>, vector<16xf32>,
    %get3A_45 = arith.constant 80 : index
    %get3A_46 = tpu.vector_load %arg16[%get3A_45] {strides = array<i32>} : memref<128xf32, #tpu.memory_space<vmem>>, vector<16xf32>,
    %get3A_47 = arith.constant 96 : index
    %get3A_48 = tpu.vector_load %arg16[%get3A_47] {strides = array<i32>} : memref<128xf32, #tpu.memory_space<vmem>>, vector<16xf32>,
    %get3A_49 = arith.constant 112 : index
    %get3A_50 = tpu.vector_load %arg16[%get3A_49] {strides = array<i32>} : memref<128xf32, #tpu.memory_space<vmem>>, vector<16xf32>,
    %mul3A_51 = arith.constant 64 : i32
    %mul3A_52 = vector.broadcast %mul3A_51 : i32 to vector<16xi32>
    %mul3A_53 = arith.muli %iota3A, %mul3A_52 : vector<16xi32>
    %mul3A_54 = arith.constant 64 : i32
    %mul3A_55 = vector.broadcast %mul3A_54 : i32 to vector<16xi32>
    %mul3A_56 = arith.muli %iota3A, %mul3A_55 : vector<16xi32>
    %mul3A_57 = arith.constant 64 : i32
    %mul3A_58 = vector.broadcast %mul3A_57 : i32 to vector<16xi32>
    %mul3A_59 = arith.muli %iota3A, %mul3A_58 : vector<16xi32>
    %mul3A_60 = arith.constant 64 : i32
    %mul3A_61 = vector.broadcast %mul3A_60 : i32 to vector<16xi32>
    %mul3A_62 = arith.muli %iota3A, %mul3A_61 : vector<16xi32>
    %mul3A_63 = arith.constant 64 : i32
    %mul3A_64 = vector.broadcast %mul3A_63 : i32 to vector<16xi32>
    %mul3A_65 = arith.muli %iota3A, %mul3A_64 : vector<16xi32>
    %mul3A_66 = arith.constant 64 : i32
    %mul3A_67 = vector.broadcast %mul3A_66 : i32 to vector<16xi32>
    %mul3A_68 = arith.muli %iota3A, %mul3A_67 : vector<16xi32>
    %mul3A_69 = arith.constant 64 : i32
    %mul3A_70 = vector.broadcast %mul3A_69 : i32 to vector<16xi32>
    %mul3A_71 = arith.muli %iota3A, %mul3A_70 : vector<16xi32>
    %mul3A_72 = arith.constant 64 : i32
    %mul3A_73 = vector.broadcast %mul3A_72 : i32 to vector<16xi32>
    %mul3A_74 = arith.muli %iota3A, %mul3A_73 : vector<16xi32>
    %get3A_75 = arith.constant 0 : index
    %get3A_76 = tpu.vector_load %arg17[%get3A_75] {strides = array<i32>} : memref<128xi32, #tpu.memory_space<vmem>>, vector<16xi32>,
    %get3A_77 = arith.constant 16 : index
    %get3A_78 = tpu.vector_load %arg17[%get3A_77] {strides = array<i32>} : memref<128xi32, #tpu.memory_space<vmem>>, vector<16xi32>,
    %get3A_79 = arith.constant 32 : index
    %get3A_80 = tpu.vector_load %arg17[%get3A_79] {strides = array<i32>} : memref<128xi32, #tpu.memory_space<vmem>>, vector<16xi32>,
    %get3A_81 = arith.constant 48 : index
    %get3A_82 = tpu.vector_load %arg17[%get3A_81] {strides = array<i32>} : memref<128xi32, #tpu.memory_space<vmem>>, vector<16xi32>,
    %get3A_83 = arith.constant 64 : index
    %get3A_84 = tpu.vector_load %arg17[%get3A_83] {strides = array<i32>} : memref<128xi32, #tpu.memory_space<vmem>>, vector<16xi32>,
    %get3A_85 = arith.constant 80 : index
    %get3A_86 = tpu.vector_load %arg17[%get3A_85] {strides = array<i32>} : memref<128xi32, #tpu.memory_space<vmem>>, vector<16xi32>,
    %get3A_87 = arith.constant 96 : index
    %get3A_88 = tpu.vector_load %arg17[%get3A_87] {strides = array<i32>} : memref<128xi32, #tpu.memory_space<vmem>>, vector<16xi32>,
    %get3A_89 = arith.constant 112 : index
    %get3A_90 = tpu.vector_load %arg17[%get3A_89] {strides = array<i32>} : memref<128xi32, #tpu.memory_space<vmem>>, vector<16xi32>,
    %dma_start3A = arith.constant 0 : i32
    %dma_start3A_91 = tpu.memref_slice %arg2[%select_n3A, %dma_start3A, %mul3A_32] : memref<4x4096x1024xf32, #tpu.memory_space<hbm>> -> memref<1x256x128xf32, #tpu.memory_space<hbm>>
    %dma_start3A_92 = tpu.memref_squeeze %dma_start3A_91 : memref<1x256x128xf32, #tpu.memory_space<hbm>> -> memref<256x128xf32, #tpu.memory_space<hbm>>
    %dma_start3A_93 = arith.constant 0 : i32
    %dma_start3A_94 = tpu.memref_slice %arg2[%select_n3A, %dma_start3A_93, %mul3A_32] : memref<4x4096x1024xf32, #tpu.memory_space<hbm>> -> memref<1x256x128xf32, #tpu.memory_space<hbm>>
    %dma_start3A_95 = tpu.memref_squeeze %dma_start3A_94 : memref<1x256x128xf32, #tpu.memory_space<hbm>> -> memref<256x128xf32, #tpu.memory_space<hbm>>
    tpu.enqueue_dma source(%dma_start3A_95 : memref<256x128xf32, #tpu.memory_space<hbm>>) target(%arg6 : memref<256x128xf32, #tpu.memory_space<vmem>>) target_semaphore(%arg18 : memref<!tpu.dma_semaphore, #tpu.memory_space<semaphore_mem>>)
    %scan3A = arith.constant 0 : i32
    %scan3A_96 = arith.constant 8 : i32
    %scan3A_97 = arith.addi %scan3A, %scan3A_96 : i32
    %scan3A_98 = arith.constant 1 : i32
    %scan3A_99:16 = scf.for %scan3A_133 = %scan3A to %scan3A_97 step %scan3A_98 iter_args(%scan3A_134 = %mul3A_53, %scan3A_135 = %mul3A_56, %scan3A_136 = %mul3A_59, %scan3A_137 = %mul3A_62, %scan3A_138 = %mul3A_65, %scan3A_139 = %mul3A_68, %scan3A_140 = %mul3A_71, %scan3A_141 = %mul3A_74, %scan3A_142 = %get3A_76, %scan3A_143 = %get3A_78, %scan3A_144 = %get3A_80, %scan3A_145 = %get3A_82, %scan3A_146 = %get3A_84, %scan3A_147 = %get3A_86, %scan3A_148 = %get3A_88, %scan3A_149 = %get3A_90) -> (vector<16xi32>, vector<16xi32>, vector<16xi32>, vector<16xi32>, vector<16xi32>, vector<16xi32>, vector<16xi32>, vector<16xi32>, vector<16xi32>, vector<16xi32>, vector<16xi32>, vector<16xi32>, vector<16xi32>, vector<16xi32>, vector<16xi32>, vector<16xi32>)  : i32 {
      %mul3A_150 = arith.constant 2 : i32
      %mul3A_151 = arith.muli %mul3A_150, %scan3A_133 : i32
      %mul3A_152 = arith.constant 256 : i32
      %mul3A_153 = arith.muli %mul3A_151, %mul3A_152 : i32
      %dma_wait3A = tpu.memref_slice %arg2[%select_n3A, %mul3A_153, %mul3A_32] : memref<4x4096x1024xf32, #tpu.memory_space<hbm>> -> memref<1x256x128xf32, #tpu.memory_space<hbm>>
      %dma_wait3A_154 = tpu.memref_squeeze %dma_wait3A : memref<1x256x128xf32, #tpu.memory_space<hbm>> -> memref<256x128xf32, #tpu.memory_space<hbm>>
      %dma_wait3A_155 = tpu.memref_slice %arg2[%select_n3A, %mul3A_153, %mul3A_32] : memref<4x4096x1024xf32, #tpu.memory_space<hbm>> -> memref<1x256x128xf32, #tpu.memory_space<hbm>>
      %dma_wait3A_156 = tpu.memref_squeeze %dma_wait3A_155 : memref<1x256x128xf32, #tpu.memory_space<hbm>> -> memref<256x128xf32, #tpu.memory_space<hbm>>
      tpu.wait_dma2 semaphore(%arg18 : memref<!tpu.dma_semaphore, #tpu.memory_space<semaphore_mem>>) src(%dma_wait3A_156 : memref<256x128xf32, #tpu.memory_space<hbm>>) dst(%arg6 : memref<256x128xf32, #tpu.memory_space<vmem>>)
      %mul3A_157 = arith.constant 2 : i32
      %mul3A_158 = arith.muli %mul3A_157, %scan3A_133 : i32
      %add3A_159 = arith.constant 1 : i32
      %add3A_160 = arith.addi %mul3A_158, %add3A_159 : i32
      %mul3A_161 = arith.constant 256 : i32
      %mul3A_162 = arith.muli %add3A_160, %mul3A_161 : i32
      %dma_start3A_163 = tpu.memref_slice %arg2[%select_n3A, %mul3A_162, %mul3A_32] : memref<4x4096x1024xf32, #tpu.memory_space<hbm>> -> memref<1x256x128xf32, #tpu.memory_space<hbm>>
      %dma_start3A_164 = tpu.memref_squeeze %dma_start3A_163 : memref<1x256x128xf32, #tpu.memory_space<hbm>> -> memref<256x128xf32, #tpu.memory_space<hbm>>
      %dma_start3A_165 = tpu.memref_slice %arg2[%select_n3A, %mul3A_162, %mul3A_32] : memref<4x4096x1024xf32, #tpu.memory_space<hbm>> -> memref<1x256x128xf32, #tpu.memory_space<hbm>>
      %dma_start3A_166 = tpu.memref_squeeze %dma_start3A_165 : memref<1x256x128xf32, #tpu.memory_space<hbm>> -> memref<256x128xf32, #tpu.memory_space<hbm>>
      tpu.enqueue_dma source(%dma_start3A_166 : memref<256x128xf32, #tpu.memory_space<hbm>>) target(%arg7 : memref<256x128xf32, #tpu.memory_space<vmem>>) target_semaphore(%arg19 : memref<!tpu.dma_semaphore, #tpu.memory_space<semaphore_mem>>)
      %parallel_loop3A = arith.constant 0 : i32
      %parallel_loop3A_167 = arith.constant 256 : i32
      %parallel_loop3A_168 = arith.constant 1 : i32
      %parallel_loop3A_169:16 = scf.for %parallel_loop3A_187 = %parallel_loop3A to %parallel_loop3A_167 step %parallel_loop3A_168 iter_args(%parallel_loop3A_188 = %scan3A_134, %parallel_loop3A_189 = %scan3A_135, %parallel_loop3A_190 = %scan3A_136, %parallel_loop3A_191 = %scan3A_137, %parallel_loop3A_192 = %scan3A_138, %parallel_loop3A_193 = %scan3A_139, %parallel_loop3A_194 = %scan3A_140, %parallel_loop3A_195 = %scan3A_141, %parallel_loop3A_196 = %scan3A_142, %parallel_loop3A_197 = %scan3A_143, %parallel_loop3A_198 = %scan3A_144, %parallel_loop3A_199 = %scan3A_145, %parallel_loop3A_200 = %scan3A_146, %parallel_loop3A_201 = %scan3A_147, %parallel_loop3A_202 = %scan3A_148, %parallel_loop3A_203 = %scan3A_149) -> (vector<16xi32>, vector<16xi32>, vector<16xi32>, vector<16xi32>, vector<16xi32>, vector<16xi32>, vector<16xi32>, vector<16xi32>, vector<16xi32>, vector<16xi32>, vector<16xi32>, vector<16xi32>, vector<16xi32>, vector<16xi32>, vector<16xi32>, vector<16xi32>)  : i32 {
        %parallel_loop3A_204 = arith.index_cast %parallel_loop3A_187 : i32 to index
        %parallel_loop3A_205 = arith.constant 0 : index
        %parallel_loop3A_206 = tpu.vector_load %arg6[%parallel_loop3A_204, %parallel_loop3A_205] {strides = array<i32>} : memref<256x128xf32, #tpu.memory_space<vmem>>, vector<16xf32>,
        %parallel_loop3A_207 = arith.index_cast %parallel_loop3A_187 : i32 to index
        %parallel_loop3A_208 = arith.constant 16 : index
        %parallel_loop3A_209 = tpu.vector_load %arg6[%parallel_loop3A_207, %parallel_loop3A_208] {strides = array<i32>} : memref<256x128xf32, #tpu.memory_space<vmem>>, vector<16xf32>,
        %parallel_loop3A_210 = arith.index_cast %parallel_loop3A_187 : i32 to index
        %parallel_loop3A_211 = arith.constant 32 : index
        %parallel_loop3A_212 = tpu.vector_load %arg6[%parallel_loop3A_210, %parallel_loop3A_211] {strides = array<i32>} : memref<256x128xf32, #tpu.memory_space<vmem>>, vector<16xf32>,
        %parallel_loop3A_213 = arith.index_cast %parallel_loop3A_187 : i32 to index
        %parallel_loop3A_214 = arith.constant 48 : index
        %parallel_loop3A_215 = tpu.vector_load %arg6[%parallel_loop3A_213, %parallel_loop3A_214] {strides = array<i32>} : memref<256x128xf32, #tpu.memory_space<vmem>>, vector<16xf32>,
        %parallel_loop3A_216 = arith.index_cast %parallel_loop3A_187 : i32 to index
        %parallel_loop3A_217 = arith.constant 64 : index
        %parallel_loop3A_218 = tpu.vector_load %arg6[%parallel_loop3A_216, %parallel_loop3A_217] {strides = array<i32>} : memref<256x128xf32, #tpu.memory_space<vmem>>, vector<16xf32>,
        %parallel_loop3A_219 = arith.index_cast %parallel_loop3A_187 : i32 to index
        %parallel_loop3A_220 = arith.constant 80 : index
        %parallel_loop3A_221 = tpu.vector_load %arg6[%parallel_loop3A_219, %parallel_loop3A_220] {strides = array<i32>} : memref<256x128xf32, #tpu.memory_space<vmem>>, vector<16xf32>,
        %parallel_loop3A_222 = arith.index_cast %parallel_loop3A_187 : i32 to index
        %parallel_loop3A_223 = arith.constant 96 : index
        %parallel_loop3A_224 = tpu.vector_load %arg6[%parallel_loop3A_222, %parallel_loop3A_223] {strides = array<i32>} : memref<256x128xf32, #tpu.memory_space<vmem>>, vector<16xf32>,
        %parallel_loop3A_225 = arith.index_cast %parallel_loop3A_187 : i32 to index
        %parallel_loop3A_226 = arith.constant 112 : index
        %parallel_loop3A_227 = tpu.vector_load %arg6[%parallel_loop3A_225, %parallel_loop3A_226] {strides = array<i32>} : memref<256x128xf32, #tpu.memory_space<vmem>>, vector<16xf32>,
        %parallel_loop3A_228 = arith.cmpf ogt, %parallel_loop3A_206, %get3A_36 : vector<16xf32>
        %parallel_loop3A_229 = arith.cmpf oeq, %parallel_loop3A_206, %get3A_36 : vector<16xf32>
        %parallel_loop3A_230 = arith.constant 0 : i32
        %parallel_loop3A_231 = vector.broadcast %parallel_loop3A_230 : i32 to vector<16xi32>
        %parallel_loop3A_232 = arith.cmpi sgt, %parallel_loop3A_196, %parallel_loop3A_231 : vector<16xi32>
        %parallel_loop3A_233 = arith.andi %parallel_loop3A_229, %parallel_loop3A_232 : vector<16xi1>
        %parallel_loop3A_234 = arith.ori %parallel_loop3A_228, %parallel_loop3A_233 : vector<16xi1>
        tpu.vector_store_idx %arg8[%parallel_loop3A_188], %parallel_loop3A_206 masked %parallel_loop3A_234 : memref<1024xf32, #tpu.memory_space<vmem>>[vector<16xi32>], vector<16xf32>, vector<16xi1>
        %parallel_loop3A_235 = arith.extui %parallel_loop3A_229 : vector<16xi1> to vector<16xi32>
        %parallel_loop3A_236 = arith.subi %parallel_loop3A_196, %parallel_loop3A_235 : vector<16xi32>
        %parallel_loop3A_237 = arith.extui %parallel_loop3A_234 : vector<16xi1> to vector<16xi32>
        %parallel_loop3A_238 = arith.addi %parallel_loop3A_188, %parallel_loop3A_237 : vector<16xi32>
        %parallel_loop3A_239 = arith.cmpf ogt, %parallel_loop3A_209, %get3A_38 : vector<16xf32>
        %parallel_loop3A_240 = arith.cmpf oeq, %parallel_loop3A_209, %get3A_38 : vector<16xf32>
        %parallel_loop3A_241 = arith.constant 0 : i32
        %parallel_loop3A_242 = vector.broadcast %parallel_loop3A_241 : i32 to vector<16xi32>
        %parallel_loop3A_243 = arith.cmpi sgt, %parallel_loop3A_197, %parallel_loop3A_242 : vector<16xi32>
        %parallel_loop3A_244 = arith.andi %parallel_loop3A_240, %parallel_loop3A_243 : vector<16xi1>
        %parallel_loop3A_245 = arith.ori %parallel_loop3A_239, %parallel_loop3A_244 : vector<16xi1>
        tpu.vector_store_idx %arg9[%parallel_loop3A_189], %parallel_loop3A_209 masked %parallel_loop3A_245 : memref<1024xf32, #tpu.memory_space<vmem>>[vector<16xi32>], vector<16xf32>, vector<16xi1>
        %parallel_loop3A_246 = arith.extui %parallel_loop3A_240 : vector<16xi1> to vector<16xi32>
        %parallel_loop3A_247 = arith.subi %parallel_loop3A_197, %parallel_loop3A_246 : vector<16xi32>
        %parallel_loop3A_248 = arith.extui %parallel_loop3A_245 : vector<16xi1> to vector<16xi32>
        %parallel_loop3A_249 = arith.addi %parallel_loop3A_189, %parallel_loop3A_248 : vector<16xi32>
        %parallel_loop3A_250 = arith.cmpf ogt, %parallel_loop3A_212, %get3A_40 : vector<16xf32>
        %parallel_loop3A_251 = arith.cmpf oeq, %parallel_loop3A_212, %get3A_40 : vector<16xf32>
        %parallel_loop3A_252 = arith.constant 0 : i32
        %parallel_loop3A_253 = vector.broadcast %parallel_loop3A_252 : i32 to vector<16xi32>
        %parallel_loop3A_254 = arith.cmpi sgt, %parallel_loop3A_198, %parallel_loop3A_253 : vector<16xi32>
        %parallel_loop3A_255 = arith.andi %parallel_loop3A_251, %parallel_loop3A_254 : vector<16xi1>
        %parallel_loop3A_256 = arith.ori %parallel_loop3A_250, %parallel_loop3A_255 : vector<16xi1>
        tpu.vector_store_idx %arg10[%parallel_loop3A_190], %parallel_loop3A_212 masked %parallel_loop3A_256 : memref<1024xf32, #tpu.memory_space<vmem>>[vector<16xi32>], vector<16xf32>, vector<16xi1>
        %parallel_loop3A_257 = arith.extui %parallel_loop3A_251 : vector<16xi1> to vector<16xi32>
        %parallel_loop3A_258 = arith.subi %parallel_loop3A_198, %parallel_loop3A_257 : vector<16xi32>
        %parallel_loop3A_259 = arith.extui %parallel_loop3A_256 : vector<16xi1> to vector<16xi32>
        %parallel_loop3A_260 = arith.addi %parallel_loop3A_190, %parallel_loop3A_259 : vector<16xi32>
        %parallel_loop3A_261 = arith.cmpf ogt, %parallel_loop3A_215, %get3A_42 : vector<16xf32>
        %parallel_loop3A_262 = arith.cmpf oeq, %parallel_loop3A_215, %get3A_42 : vector<16xf32>
        %parallel_loop3A_263 = arith.constant 0 : i32
        %parallel_loop3A_264 = vector.broadcast %parallel_loop3A_263 : i32 to vector<16xi32>
        %parallel_loop3A_265 = arith.cmpi sgt, %parallel_loop3A_199, %parallel_loop3A_264 : vector<16xi32>
        %parallel_loop3A_266 = arith.andi %parallel_loop3A_262, %parallel_loop3A_265 : vector<16xi1>
        %parallel_loop3A_267 = arith.ori %parallel_loop3A_261, %parallel_loop3A_266 : vector<16xi1>
        tpu.vector_store_idx %arg11[%parallel_loop3A_191], %parallel_loop3A_215 masked %parallel_loop3A_267 : memref<1024xf32, #tpu.memory_space<vmem>>[vector<16xi32>], vector<16xf32>, vector<16xi1>
        %parallel_loop3A_268 = arith.extui %parallel_loop3A_262 : vector<16xi1> to vector<16xi32>
        %parallel_loop3A_269 = arith.subi %parallel_loop3A_199, %parallel_loop3A_268 : vector<16xi32>
        %parallel_loop3A_270 = arith.extui %parallel_loop3A_267 : vector<16xi1> to vector<16xi32>
        %parallel_loop3A_271 = arith.addi %parallel_loop3A_191, %parallel_loop3A_270 : vector<16xi32>
        %parallel_loop3A_272 = arith.cmpf ogt, %parallel_loop3A_218, %get3A_44 : vector<16xf32>
        %parallel_loop3A_273 = arith.cmpf oeq, %parallel_loop3A_218, %get3A_44 : vector<16xf32>
        %parallel_loop3A_274 = arith.constant 0 : i32
        %parallel_loop3A_275 = vector.broadcast %parallel_loop3A_274 : i32 to vector<16xi32>
        %parallel_loop3A_276 = arith.cmpi sgt, %parallel_loop3A_200, %parallel_loop3A_275 : vector<16xi32>
        %parallel_loop3A_277 = arith.andi %parallel_loop3A_273, %parallel_loop3A_276 : vector<16xi1>
        %parallel_loop3A_278 = arith.ori %parallel_loop3A_272, %parallel_loop3A_277 : vector<16xi1>
        tpu.vector_store_idx %arg12[%parallel_loop3A_192], %parallel_loop3A_218 masked %parallel_loop3A_278 : memref<1024xf32, #tpu.memory_space<vmem>>[vector<16xi32>], vector<16xf32>, vector<16xi1>
        %parallel_loop3A_279 = arith.extui %parallel_loop3A_273 : vector<16xi1> to vector<16xi32>
        %parallel_loop3A_280 = arith.subi %parallel_loop3A_200, %parallel_loop3A_279 : vector<16xi32>
        %parallel_loop3A_281 = arith.extui %parallel_loop3A_278 : vector<16xi1> to vector<16xi32>
        %parallel_loop3A_282 = arith.addi %parallel_loop3A_192, %parallel_loop3A_281 : vector<16xi32>
        %parallel_loop3A_283 = arith.cmpf ogt, %parallel_loop3A_221, %get3A_46 : vector<16xf32>
        %parallel_loop3A_284 = arith.cmpf oeq, %parallel_loop3A_221, %get3A_46 : vector<16xf32>
        %parallel_loop3A_285 = arith.constant 0 : i32
        %parallel_loop3A_286 = vector.broadcast %parallel_loop3A_285 : i32 to vector<16xi32>
        %parallel_loop3A_287 = arith.cmpi sgt, %parallel_loop3A_201, %parallel_loop3A_286 : vector<16xi32>
        %parallel_loop3A_288 = arith.andi %parallel_loop3A_284, %parallel_loop3A_287 : vector<16xi1>
        %parallel_loop3A_289 = arith.ori %parallel_loop3A_283, %parallel_loop3A_288 : vector<16xi1>
        tpu.vector_store_idx %arg13[%parallel_loop3A_193], %parallel_loop3A_221 masked %parallel_loop3A_289 : memref<1024xf32, #tpu.memory_space<vmem>>[vector<16xi32>], vector<16xf32>, vector<16xi1>
        %parallel_loop3A_290 = arith.extui %parallel_loop3A_284 : vector<16xi1> to vector<16xi32>
        %parallel_loop3A_291 = arith.subi %parallel_loop3A_201, %parallel_loop3A_290 : vector<16xi32>
        %parallel_loop3A_292 = arith.extui %parallel_loop3A_289 : vector<16xi1> to vector<16xi32>
        %parallel_loop3A_293 = arith.addi %parallel_loop3A_193, %parallel_loop3A_292 : vector<16xi32>
        %parallel_loop3A_294 = arith.cmpf ogt, %parallel_loop3A_224, %get3A_48 : vector<16xf32>
        %parallel_loop3A_295 = arith.cmpf oeq, %parallel_loop3A_224, %get3A_48 : vector<16xf32>
        %parallel_loop3A_296 = arith.constant 0 : i32
        %parallel_loop3A_297 = vector.broadcast %parallel_loop3A_296 : i32 to vector<16xi32>
        %parallel_loop3A_298 = arith.cmpi sgt, %parallel_loop3A_202, %parallel_loop3A_297 : vector<16xi32>
        %parallel_loop3A_299 = arith.andi %parallel_loop3A_295, %parallel_loop3A_298 : vector<16xi1>
        %parallel_loop3A_300 = arith.ori %parallel_loop3A_294, %parallel_loop3A_299 : vector<16xi1>
        tpu.vector_store_idx %arg14[%parallel_loop3A_194], %parallel_loop3A_224 masked %parallel_loop3A_300 : memref<1024xf32, #tpu.memory_space<vmem>>[vector<16xi32>], vector<16xf32>, vector<16xi1>
        %parallel_loop3A_301 = arith.extui %parallel_loop3A_295 : vector<16xi1> to vector<16xi32>
        %parallel_loop3A_302 = arith.subi %parallel_loop3A_202, %parallel_loop3A_301 : vector<16xi32>
        %parallel_loop3A_303 = arith.extui %parallel_loop3A_300 : vector<16xi1> to vector<16xi32>
        %parallel_loop3A_304 = arith.addi %parallel_loop3A_194, %parallel_loop3A_303 : vector<16xi32>
        %parallel_loop3A_305 = arith.cmpf ogt, %parallel_loop3A_227, %get3A_50 : vector<16xf32>
        %parallel_loop3A_306 = arith.cmpf oeq, %parallel_loop3A_227, %get3A_50 : vector<16xf32>
        %parallel_loop3A_307 = arith.constant 0 : i32
        %parallel_loop3A_308 = vector.broadcast %parallel_loop3A_307 : i32 to vector<16xi32>
        %parallel_loop3A_309 = arith.cmpi sgt, %parallel_loop3A_203, %parallel_loop3A_308 : vector<16xi32>
        %parallel_loop3A_310 = arith.andi %parallel_loop3A_306, %parallel_loop3A_309 : vector<16xi1>
        %parallel_loop3A_311 = arith.ori %parallel_loop3A_305, %parallel_loop3A_310 : vector<16xi1>
        tpu.vector_store_idx %arg15[%parallel_loop3A_195], %parallel_loop3A_227 masked %parallel_loop3A_311 : memref<1024xf32, #tpu.memory_space<vmem>>[vector<16xi32>], vector<16xf32>, vector<16xi1>
        %parallel_loop3A_312 = arith.extui %parallel_loop3A_306 : vector<16xi1> to vector<16xi32>
        %parallel_loop3A_313 = arith.subi %parallel_loop3A_203, %parallel_loop3A_312 : vector<16xi32>
        %parallel_loop3A_314 = arith.extui %parallel_loop3A_311 : vector<16xi1> to vector<16xi32>
        %parallel_loop3A_315 = arith.addi %parallel_loop3A_195, %parallel_loop3A_314 : vector<16xi32>
        scf.yield %parallel_loop3A_238, %parallel_loop3A_249, %parallel_loop3A_260, %parallel_loop3A_271, %parallel_loop3A_282, %parallel_loop3A_293, %parallel_loop3A_304, %parallel_loop3A_315, %parallel_loop3A_236, %parallel_loop3A_247, %parallel_loop3A_258, %parallel_loop3A_269, %parallel_loop3A_280, %parallel_loop3A_291, %parallel_loop3A_302, %parallel_loop3A_313 : vector<16xi32>, vector<16xi32>, vector<16xi32>, vector<16xi32>, vector<16xi32>, vector<16xi32>, vector<16xi32>, vector<16xi32>, vector<16xi32>, vector<16xi32>, vector<16xi32>, vector<16xi32>, vector<16xi32>, vector<16xi32>, vector<16xi32>, vector<16xi32>
      } {sc.loop_unroll_factor = 4 : i64, sc.parallel_access}
      %mul3A_170 = arith.constant 2 : i32
      %mul3A_171 = arith.muli %mul3A_170, %scan3A_133 : i32
      %add3A_172 = arith.constant 1 : i32
      %add3A_173 = arith.addi %mul3A_171, %add3A_172 : i32
      %mul3A_174 = arith.constant 256 : i32
      %mul3A_175 = arith.muli %add3A_173, %mul3A_174 : i32
      %dma_wait3A_176 = tpu.memref_slice %arg2[%select_n3A, %mul3A_175, %mul3A_32] : memref<4x4096x1024xf32, #tpu.memory_space<hbm>> -> memref<1x256x128xf32, #tpu.memory_space<hbm>>
      %dma_wait3A_177 = tpu.memref_squeeze %dma_wait3A_176 : memref<1x256x128xf32, #tpu.memory_space<hbm>> -> memref<256x128xf32, #tpu.memory_space<hbm>>
      %dma_wait3A_178 = tpu.memref_slice %arg2[%select_n3A, %mul3A_175, %mul3A_32] : memref<4x4096x1024xf32, #tpu.memory_space<hbm>> -> memref<1x256x128xf32, #tpu.memory_space<hbm>>
      %dma_wait3A_179 = tpu.memref_squeeze %dma_wait3A_178 : memref<1x256x128xf32, #tpu.memory_space<hbm>> -> memref<256x128xf32, #tpu.memory_space<hbm>>
      tpu.wait_dma2 semaphore(%arg19 : memref<!tpu.dma_semaphore, #tpu.memory_space<semaphore_mem>>) src(%dma_wait3A_179 : memref<256x128xf32, #tpu.memory_space<hbm>>) dst(%arg7 : memref<256x128xf32, #tpu.memory_space<vmem>>)
      %lt3A_180 = arith.constant 7 : i32
      %lt3A_181 = arith.cmpi slt, %scan3A_133, %lt3A_180 : i32
      %convert_element_type3A = arith.extui %lt3A_181 : i1 to i32
      %cond3A = arith.constant 0 : i32
      %cond3A_182 = arith.cmpi ne, %convert_element_type3A, %cond3A : i32
      scf.if %cond3A_182 {
        %mul3A_187 = arith.constant 2 : i32
        %mul3A_188 = arith.muli %mul3A_187, %scan3A_133 : i32
        %add3A_189 = arith.constant 2 : i32
        %add3A_190 = arith.addi %mul3A_188, %add3A_189 : i32
        %mul3A_191 = arith.constant 256 : i32
        %mul3A_192 = arith.muli %add3A_190, %mul3A_191 : i32
        %dma_start3A_193 = tpu.memref_slice %arg2[%select_n3A, %mul3A_192, %mul3A_32] : memref<4x4096x1024xf32, #tpu.memory_space<hbm>> -> memref<1x256x128xf32, #tpu.memory_space<hbm>>
        %dma_start3A_194 = tpu.memref_squeeze %dma_start3A_193 : memref<1x256x128xf32, #tpu.memory_space<hbm>> -> memref<256x128xf32, #tpu.memory_space<hbm>>
        %dma_start3A_195 = tpu.memref_slice %arg2[%select_n3A, %mul3A_192, %mul3A_32] : memref<4x4096x1024xf32, #tpu.memory_space<hbm>> -> memref<1x256x128xf32, #tpu.memory_space<hbm>>
        %dma_start3A_196 = tpu.memref_squeeze %dma_start3A_195 : memref<1x256x128xf32, #tpu.memory_space<hbm>> -> memref<256x128xf32, #tpu.memory_space<hbm>>
        tpu.enqueue_dma source(%dma_start3A_196 : memref<256x128xf32, #tpu.memory_space<hbm>>) target(%arg6 : memref<256x128xf32, #tpu.memory_space<vmem>>) target_semaphore(%arg18 : memref<!tpu.dma_semaphore, #tpu.memory_space<semaphore_mem>>)
      } else {
      }
      %parallel_loop3A_183 = arith.constant 0 : i32
      %parallel_loop3A_184 = arith.constant 256 : i32
      %parallel_loop3A_185 = arith.constant 1 : i32
      %parallel_loop3A_186:16 = scf.for %parallel_loop3A_187 = %parallel_loop3A_183 to %parallel_loop3A_184 step %parallel_loop3A_185 iter_args(%parallel_loop3A_188 = %parallel_loop3A_169#0, %parallel_loop3A_189 = %parallel_loop3A_169#1, %parallel_loop3A_190 = %parallel_loop3A_169#2, %parallel_loop3A_191 = %parallel_loop3A_169#3, %parallel_loop3A_192 = %parallel_loop3A_169#4, %parallel_loop3A_193 = %parallel_loop3A_169#5, %parallel_loop3A_194 = %parallel_loop3A_169#6, %parallel_loop3A_195 = %parallel_loop3A_169#7, %parallel_loop3A_196 = %parallel_loop3A_169#8, %parallel_loop3A_197 = %parallel_loop3A_169#9, %parallel_loop3A_198 = %parallel_loop3A_169#10, %parallel_loop3A_199 = %parallel_loop3A_169#11, %parallel_loop3A_200 = %parallel_loop3A_169#12, %parallel_loop3A_201 = %parallel_loop3A_169#13, %parallel_loop3A_202 = %parallel_loop3A_169#14, %parallel_loop3A_203 = %parallel_loop3A_169#15) -> (vector<16xi32>, vector<16xi32>, vector<16xi32>, vector<16xi32>, vector<16xi32>, vector<16xi32>, vector<16xi32>, vector<16xi32>, vector<16xi32>, vector<16xi32>, vector<16xi32>, vector<16xi32>, vector<16xi32>, vector<16xi32>, vector<16xi32>, vector<16xi32>)  : i32 {
        %parallel_loop3A_204 = arith.index_cast %parallel_loop3A_187 : i32 to index
        %parallel_loop3A_205 = arith.constant 0 : index
        %parallel_loop3A_206 = tpu.vector_load %arg7[%parallel_loop3A_204, %parallel_loop3A_205] {strides = array<i32>} : memref<256x128xf32, #tpu.memory_space<vmem>>, vector<16xf32>,
        %parallel_loop3A_207 = arith.index_cast %parallel_loop3A_187 : i32 to index
        %parallel_loop3A_208 = arith.constant 16 : index
        %parallel_loop3A_209 = tpu.vector_load %arg7[%parallel_loop3A_207, %parallel_loop3A_208] {strides = array<i32>} : memref<256x128xf32, #tpu.memory_space<vmem>>, vector<16xf32>,
        %parallel_loop3A_210 = arith.index_cast %parallel_loop3A_187 : i32 to index
        %parallel_loop3A_211 = arith.constant 32 : index
        %parallel_loop3A_212 = tpu.vector_load %arg7[%parallel_loop3A_210, %parallel_loop3A_211] {strides = array<i32>} : memref<256x128xf32, #tpu.memory_space<vmem>>, vector<16xf32>,
        %parallel_loop3A_213 = arith.index_cast %parallel_loop3A_187 : i32 to index
        %parallel_loop3A_214 = arith.constant 48 : index
        %parallel_loop3A_215 = tpu.vector_load %arg7[%parallel_loop3A_213, %parallel_loop3A_214] {strides = array<i32>} : memref<256x128xf32, #tpu.memory_space<vmem>>, vector<16xf32>,
        %parallel_loop3A_216 = arith.index_cast %parallel_loop3A_187 : i32 to index
        %parallel_loop3A_217 = arith.constant 64 : index
        %parallel_loop3A_218 = tpu.vector_load %arg7[%parallel_loop3A_216, %parallel_loop3A_217] {strides = array<i32>} : memref<256x128xf32, #tpu.memory_space<vmem>>, vector<16xf32>,
        %parallel_loop3A_219 = arith.index_cast %parallel_loop3A_187 : i32 to index
        %parallel_loop3A_220 = arith.constant 80 : index
        %parallel_loop3A_221 = tpu.vector_load %arg7[%parallel_loop3A_219, %parallel_loop3A_220] {strides = array<i32>} : memref<256x128xf32, #tpu.memory_space<vmem>>, vector<16xf32>,
        %parallel_loop3A_222 = arith.index_cast %parallel_loop3A_187 : i32 to index
        %parallel_loop3A_223 = arith.constant 96 : index
        %parallel_loop3A_224 = tpu.vector_load %arg7[%parallel_loop3A_222, %parallel_loop3A_223] {strides = array<i32>} : memref<256x128xf32, #tpu.memory_space<vmem>>, vector<16xf32>,
        %parallel_loop3A_225 = arith.index_cast %parallel_loop3A_187 : i32 to index
        %parallel_loop3A_226 = arith.constant 112 : index
        %parallel_loop3A_227 = tpu.vector_load %arg7[%parallel_loop3A_225, %parallel_loop3A_226] {strides = array<i32>} : memref<256x128xf32, #tpu.memory_space<vmem>>, vector<16xf32>,
        %parallel_loop3A_228 = arith.cmpf ogt, %parallel_loop3A_206, %get3A_36 : vector<16xf32>
        %parallel_loop3A_229 = arith.cmpf oeq, %parallel_loop3A_206, %get3A_36 : vector<16xf32>
        %parallel_loop3A_230 = arith.constant 0 : i32
        %parallel_loop3A_231 = vector.broadcast %parallel_loop3A_230 : i32 to vector<16xi32>
        %parallel_loop3A_232 = arith.cmpi sgt, %parallel_loop3A_196, %parallel_loop3A_231 : vector<16xi32>
        %parallel_loop3A_233 = arith.andi %parallel_loop3A_229, %parallel_loop3A_232 : vector<16xi1>
        %parallel_loop3A_234 = arith.ori %parallel_loop3A_228, %parallel_loop3A_233 : vector<16xi1>
        tpu.vector_store_idx %arg8[%parallel_loop3A_188], %parallel_loop3A_206 masked %parallel_loop3A_234 : memref<1024xf32, #tpu.memory_space<vmem>>[vector<16xi32>], vector<16xf32>, vector<16xi1>
        %parallel_loop3A_235 = arith.extui %parallel_loop3A_229 : vector<16xi1> to vector<16xi32>
        %parallel_loop3A_236 = arith.subi %parallel_loop3A_196, %parallel_loop3A_235 : vector<16xi32>
        %parallel_loop3A_237 = arith.extui %parallel_loop3A_234 : vector<16xi1> to vector<16xi32>
        %parallel_loop3A_238 = arith.addi %parallel_loop3A_188, %parallel_loop3A_237 : vector<16xi32>
        %parallel_loop3A_239 = arith.cmpf ogt, %parallel_loop3A_209, %get3A_38 : vector<16xf32>
        %parallel_loop3A_240 = arith.cmpf oeq, %parallel_loop3A_209, %get3A_38 : vector<16xf32>
        %parallel_loop3A_241 = arith.constant 0 : i32
        %parallel_loop3A_242 = vector.broadcast %parallel_loop3A_241 : i32 to vector<16xi32>
        %parallel_loop3A_243 = arith.cmpi sgt, %parallel_loop3A_197, %parallel_loop3A_242 : vector<16xi32>
        %parallel_loop3A_244 = arith.andi %parallel_loop3A_240, %parallel_loop3A_243 : vector<16xi1>
        %parallel_loop3A_245 = arith.ori %parallel_loop3A_239, %parallel_loop3A_244 : vector<16xi1>
        tpu.vector_store_idx %arg9[%parallel_loop3A_189], %parallel_loop3A_209 masked %parallel_loop3A_245 : memref<1024xf32, #tpu.memory_space<vmem>>[vector<16xi32>], vector<16xf32>, vector<16xi1>
        %parallel_loop3A_246 = arith.extui %parallel_loop3A_240 : vector<16xi1> to vector<16xi32>
        %parallel_loop3A_247 = arith.subi %parallel_loop3A_197, %parallel_loop3A_246 : vector<16xi32>
        %parallel_loop3A_248 = arith.extui %parallel_loop3A_245 : vector<16xi1> to vector<16xi32>
        %parallel_loop3A_249 = arith.addi %parallel_loop3A_189, %parallel_loop3A_248 : vector<16xi32>
        %parallel_loop3A_250 = arith.cmpf ogt, %parallel_loop3A_212, %get3A_40 : vector<16xf32>
        %parallel_loop3A_251 = arith.cmpf oeq, %parallel_loop3A_212, %get3A_40 : vector<16xf32>
        %parallel_loop3A_252 = arith.constant 0 : i32
        %parallel_loop3A_253 = vector.broadcast %parallel_loop3A_252 : i32 to vector<16xi32>
        %parallel_loop3A_254 = arith.cmpi sgt, %parallel_loop3A_198, %parallel_loop3A_253 : vector<16xi32>
        %parallel_loop3A_255 = arith.andi %parallel_loop3A_251, %parallel_loop3A_254 : vector<16xi1>
        %parallel_loop3A_256 = arith.ori %parallel_loop3A_250, %parallel_loop3A_255 : vector<16xi1>
        tpu.vector_store_idx %arg10[%parallel_loop3A_190], %parallel_loop3A_212 masked %parallel_loop3A_256 : memref<1024xf32, #tpu.memory_space<vmem>>[vector<16xi32>], vector<16xf32>, vector<16xi1>
        %parallel_loop3A_257 = arith.extui %parallel_loop3A_251 : vector<16xi1> to vector<16xi32>
        %parallel_loop3A_258 = arith.subi %parallel_loop3A_198, %parallel_loop3A_257 : vector<16xi32>
        %parallel_loop3A_259 = arith.extui %parallel_loop3A_256 : vector<16xi1> to vector<16xi32>
        %parallel_loop3A_260 = arith.addi %parallel_loop3A_190, %parallel_loop3A_259 : vector<16xi32>
        %parallel_loop3A_261 = arith.cmpf ogt, %parallel_loop3A_215, %get3A_42 : vector<16xf32>
        %parallel_loop3A_262 = arith.cmpf oeq, %parallel_loop3A_215, %get3A_42 : vector<16xf32>
        %parallel_loop3A_263 = arith.constant 0 : i32
        %parallel_loop3A_264 = vector.broadcast %parallel_loop3A_263 : i32 to vector<16xi32>
        %parallel_loop3A_265 = arith.cmpi sgt, %parallel_loop3A_199, %parallel_loop3A_264 : vector<16xi32>
        %parallel_loop3A_266 = arith.andi %parallel_loop3A_262, %parallel_loop3A_265 : vector<16xi1>
        %parallel_loop3A_267 = arith.ori %parallel_loop3A_261, %parallel_loop3A_266 : vector<16xi1>
        tpu.vector_store_idx %arg11[%parallel_loop3A_191], %parallel_loop3A_215 masked %parallel_loop3A_267 : memref<1024xf32, #tpu.memory_space<vmem>>[vector<16xi32>], vector<16xf32>, vector<16xi1>
        %parallel_loop3A_268 = arith.extui %parallel_loop3A_262 : vector<16xi1> to vector<16xi32>
        %parallel_loop3A_269 = arith.subi %parallel_loop3A_199, %parallel_loop3A_268 : vector<16xi32>
        %parallel_loop3A_270 = arith.extui %parallel_loop3A_267 : vector<16xi1> to vector<16xi32>
        %parallel_loop3A_271 = arith.addi %parallel_loop3A_191, %parallel_loop3A_270 : vector<16xi32>
        %parallel_loop3A_272 = arith.cmpf ogt, %parallel_loop3A_218, %get3A_44 : vector<16xf32>
        %parallel_loop3A_273 = arith.cmpf oeq, %parallel_loop3A_218, %get3A_44 : vector<16xf32>
        %parallel_loop3A_274 = arith.constant 0 : i32
        %parallel_loop3A_275 = vector.broadcast %parallel_loop3A_274 : i32 to vector<16xi32>
        %parallel_loop3A_276 = arith.cmpi sgt, %parallel_loop3A_200, %parallel_loop3A_275 : vector<16xi32>
        %parallel_loop3A_277 = arith.andi %parallel_loop3A_273, %parallel_loop3A_276 : vector<16xi1>
        %parallel_loop3A_278 = arith.ori %parallel_loop3A_272, %parallel_loop3A_277 : vector<16xi1>
        tpu.vector_store_idx %arg12[%parallel_loop3A_192], %parallel_loop3A_218 masked %parallel_loop3A_278 : memref<1024xf32, #tpu.memory_space<vmem>>[vector<16xi32>], vector<16xf32>, vector<16xi1>
        %parallel_loop3A_279 = arith.extui %parallel_loop3A_273 : vector<16xi1> to vector<16xi32>
        %parallel_loop3A_280 = arith.subi %parallel_loop3A_200, %parallel_loop3A_279 : vector<16xi32>
        %parallel_loop3A_281 = arith.extui %parallel_loop3A_278 : vector<16xi1> to vector<16xi32>
        %parallel_loop3A_282 = arith.addi %parallel_loop3A_192, %parallel_loop3A_281 : vector<16xi32>
        %parallel_loop3A_283 = arith.cmpf ogt, %parallel_loop3A_221, %get3A_46 : vector<16xf32>
        %parallel_loop3A_284 = arith.cmpf oeq, %parallel_loop3A_221, %get3A_46 : vector<16xf32>
        %parallel_loop3A_285 = arith.constant 0 : i32
        %parallel_loop3A_286 = vector.broadcast %parallel_loop3A_285 : i32 to vector<16xi32>
        %parallel_loop3A_287 = arith.cmpi sgt, %parallel_loop3A_201, %parallel_loop3A_286 : vector<16xi32>
        %parallel_loop3A_288 = arith.andi %parallel_loop3A_284, %parallel_loop3A_287 : vector<16xi1>
        %parallel_loop3A_289 = arith.ori %parallel_loop3A_283, %parallel_loop3A_288 : vector<16xi1>
        tpu.vector_store_idx %arg13[%parallel_loop3A_193], %parallel_loop3A_221 masked %parallel_loop3A_289 : memref<1024xf32, #tpu.memory_space<vmem>>[vector<16xi32>], vector<16xf32>, vector<16xi1>
        %parallel_loop3A_290 = arith.extui %parallel_loop3A_284 : vector<16xi1> to vector<16xi32>
        %parallel_loop3A_291 = arith.subi %parallel_loop3A_201, %parallel_loop3A_290 : vector<16xi32>
        %parallel_loop3A_292 = arith.extui %parallel_loop3A_289 : vector<16xi1> to vector<16xi32>
        %parallel_loop3A_293 = arith.addi %parallel_loop3A_193, %parallel_loop3A_292 : vector<16xi32>
        %parallel_loop3A_294 = arith.cmpf ogt, %parallel_loop3A_224, %get3A_48 : vector<16xf32>
        %parallel_loop3A_295 = arith.cmpf oeq, %parallel_loop3A_224, %get3A_48 : vector<16xf32>
        %parallel_loop3A_296 = arith.constant 0 : i32
        %parallel_loop3A_297 = vector.broadcast %parallel_loop3A_296 : i32 to vector<16xi32>
        %parallel_loop3A_298 = arith.cmpi sgt, %parallel_loop3A_202, %parallel_loop3A_297 : vector<16xi32>
        %parallel_loop3A_299 = arith.andi %parallel_loop3A_295, %parallel_loop3A_298 : vector<16xi1>
        %parallel_loop3A_300 = arith.ori %parallel_loop3A_294, %parallel_loop3A_299 : vector<16xi1>
        tpu.vector_store_idx %arg14[%parallel_loop3A_194], %parallel_loop3A_224 masked %parallel_loop3A_300 : memref<1024xf32, #tpu.memory_space<vmem>>[vector<16xi32>], vector<16xf32>, vector<16xi1>
        %parallel_loop3A_301 = arith.extui %parallel_loop3A_295 : vector<16xi1> to vector<16xi32>
        %parallel_loop3A_302 = arith.subi %parallel_loop3A_202, %parallel_loop3A_301 : vector<16xi32>
        %parallel_loop3A_303 = arith.extui %parallel_loop3A_300 : vector<16xi1> to vector<16xi32>
        %parallel_loop3A_304 = arith.addi %parallel_loop3A_194, %parallel_loop3A_303 : vector<16xi32>
        %parallel_loop3A_305 = arith.cmpf ogt, %parallel_loop3A_227, %get3A_50 : vector<16xf32>
        %parallel_loop3A_306 = arith.cmpf oeq, %parallel_loop3A_227, %get3A_50 : vector<16xf32>
        %parallel_loop3A_307 = arith.constant 0 : i32
        %parallel_loop3A_308 = vector.broadcast %parallel_loop3A_307 : i32 to vector<16xi32>
        %parallel_loop3A_309 = arith.cmpi sgt, %parallel_loop3A_203, %parallel_loop3A_308 : vector<16xi32>
        %parallel_loop3A_310 = arith.andi %parallel_loop3A_306, %parallel_loop3A_309 : vector<16xi1>
        %parallel_loop3A_311 = arith.ori %parallel_loop3A_305, %parallel_loop3A_310 : vector<16xi1>
        tpu.vector_store_idx %arg15[%parallel_loop3A_195], %parallel_loop3A_227 masked %parallel_loop3A_311 : memref<1024xf32, #tpu.memory_space<vmem>>[vector<16xi32>], vector<16xf32>, vector<16xi1>
        %parallel_loop3A_312 = arith.extui %parallel_loop3A_306 : vector<16xi1> to vector<16xi32>
        %parallel_loop3A_313 = arith.subi %parallel_loop3A_203, %parallel_loop3A_312 : vector<16xi32>
        %parallel_loop3A_314 = arith.extui %parallel_loop3A_311 : vector<16xi1> to vector<16xi32>
        %parallel_loop3A_315 = arith.addi %parallel_loop3A_195, %parallel_loop3A_314 : vector<16xi32>
        scf.yield %parallel_loop3A_238, %parallel_loop3A_249, %parallel_loop3A_260, %parallel_loop3A_271, %parallel_loop3A_282, %parallel_loop3A_293, %parallel_loop3A_304, %parallel_loop3A_315, %parallel_loop3A_236, %parallel_loop3A_247, %parallel_loop3A_258, %parallel_loop3A_269, %parallel_loop3A_280, %parallel_loop3A_291, %parallel_loop3A_302, %parallel_loop3A_313 : vector<16xi32>, vector<16xi32>, vector<16xi32>, vector<16xi32>, vector<16xi32>, vector<16xi32>, vector<16xi32>, vector<16xi32>, vector<16xi32>, vector<16xi32>, vector<16xi32>, vector<16xi32>, vector<16xi32>, vector<16xi32>, vector<16xi32>, vector<16xi32>
      } {sc.loop_unroll_factor = 4 : i64, sc.parallel_access}
      scf.yield %parallel_loop3A_186#0, %parallel_loop3A_186#1, %parallel_loop3A_186#2, %parallel_loop3A_186#3, %parallel_loop3A_186#4, %parallel_loop3A_186#5, %parallel_loop3A_186#6, %parallel_loop3A_186#7, %parallel_loop3A_186#8, %parallel_loop3A_186#9, %parallel_loop3A_186#10, %parallel_loop3A_186#11, %parallel_loop3A_186#12, %parallel_loop3A_186#13, %parallel_loop3A_186#14, %parallel_loop3A_186#15 : vector<16xi32>, vector<16xi32>, vector<16xi32>, vector<16xi32>, vector<16xi32>, vector<16xi32>, vector<16xi32>, vector<16xi32>, vector<16xi32>, vector<16xi32>, vector<16xi32>, vector<16xi32>, vector<16xi32>, vector<16xi32>, vector<16xi32>, vector<16xi32>
    }
    %scan3A_100 = arith.constant 8 : i32
    %mul3A_101 = arith.constant 8192 : i32
    %mul3A_102 = arith.muli %add3A, %mul3A_101 : i32
    %add3A_103 = arith.constant 0 : i32
    %add3A_104 = arith.addi %mul3A_102, %add3A_103 : i32
    "tpu.region"() ({
      %run_scoped3A = tpu.sem_alloc : memref<!tpu.dma_semaphore, #tpu.memory_space<semaphore_mem>>
      %dma_start3A_133 = tpu.memref_slice %arg5[%add3A_104] : memref<262144xf32, #tpu.memory_space<hbm>> -> memref<1024xf32, #tpu.memory_space<hbm>>
      %dma_start3A_134 = tpu.memref_slice %arg5[%add3A_104] : memref<262144xf32, #tpu.memory_space<hbm>> -> memref<1024xf32, #tpu.memory_space<hbm>>
      tpu.enqueue_dma source(%arg8 : memref<1024xf32, #tpu.memory_space<vmem>>) target(%dma_start3A_134 : memref<1024xf32, #tpu.memory_space<hbm>>) target_semaphore(%run_scoped3A : memref<!tpu.dma_semaphore, #tpu.memory_space<semaphore_mem>>)
      %dma_wait3A = tpu.memref_slice %arg5[%add3A_104] : memref<262144xf32, #tpu.memory_space<hbm>> -> memref<1024xf32, #tpu.memory_space<hbm>>
      %dma_wait3A_135 = tpu.memref_slice %arg5[%add3A_104] : memref<262144xf32, #tpu.memory_space<hbm>> -> memref<1024xf32, #tpu.memory_space<hbm>>
      tpu.wait_dma2 semaphore(%run_scoped3A : memref<!tpu.dma_semaphore, #tpu.memory_space<semaphore_mem>>) src(%arg8 : memref<1024xf32, #tpu.memory_space<vmem>>) dst(%dma_wait3A_135 : memref<1024xf32, #tpu.memory_space<hbm>>)
      tpu.yield
    }) : () -> ()
    %mul3A_105 = arith.constant 8192 : i32
    %mul3A_106 = arith.muli %add3A, %mul3A_105 : i32
    %add3A_107 = arith.constant 1024 : i32
    %add3A_108 = arith.addi %mul3A_106, %add3A_107 : i32
    "tpu.region"() ({
      %run_scoped3A = tpu.sem_alloc : memref<!tpu.dma_semaphore, #tpu.memory_space<semaphore_mem>>
      %dma_start3A_133 = tpu.memref_slice %arg5[%add3A_108] : memref<262144xf32, #tpu.memory_space<hbm>> -> memref<1024xf32, #tpu.memory_space<hbm>>
      %dma_start3A_134 = tpu.memref_slice %arg5[%add3A_108] : memref<262144xf32, #tpu.memory_space<hbm>> -> memref<1024xf32, #tpu.memory_space<hbm>>
      tpu.enqueue_dma source(%arg9 : memref<1024xf32, #tpu.memory_space<vmem>>) target(%dma_start3A_134 : memref<1024xf32, #tpu.memory_space<hbm>>) target_semaphore(%run_scoped3A : memref<!tpu.dma_semaphore, #tpu.memory_space<semaphore_mem>>)
      %dma_wait3A = tpu.memref_slice %arg5[%add3A_108] : memref<262144xf32, #tpu.memory_space<hbm>> -> memref<1024xf32, #tpu.memory_space<hbm>>
      %dma_wait3A_135 = tpu.memref_slice %arg5[%add3A_108] : memref<262144xf32, #tpu.memory_space<hbm>> -> memref<1024xf32, #tpu.memory_space<hbm>>
      tpu.wait_dma2 semaphore(%run_scoped3A : memref<!tpu.dma_semaphore, #tpu.memory_space<semaphore_mem>>) src(%arg9 : memref<1024xf32, #tpu.memory_space<vmem>>) dst(%dma_wait3A_135 : memref<1024xf32, #tpu.memory_space<hbm>>)
      tpu.yield
    }) : () -> ()
    %mul3A_109 = arith.constant 8192 : i32
    %mul3A_110 = arith.muli %add3A, %mul3A_109 : i32
    %add3A_111 = arith.constant 2048 : i32
    %add3A_112 = arith.addi %mul3A_110, %add3A_111 : i32
    "tpu.region"() ({
      %run_scoped3A = tpu.sem_alloc : memref<!tpu.dma_semaphore, #tpu.memory_space<semaphore_mem>>
      %dma_start3A_133 = tpu.memref_slice %arg5[%add3A_112] : memref<262144xf32, #tpu.memory_space<hbm>> -> memref<1024xf32, #tpu.memory_space<hbm>>
      %dma_start3A_134 = tpu.memref_slice %arg5[%add3A_112] : memref<262144xf32, #tpu.memory_space<hbm>> -> memref<1024xf32, #tpu.memory_space<hbm>>
      tpu.enqueue_dma source(%arg10 : memref<1024xf32, #tpu.memory_space<vmem>>) target(%dma_start3A_134 : memref<1024xf32, #tpu.memory_space<hbm>>) target_semaphore(%run_scoped3A : memref<!tpu.dma_semaphore, #tpu.memory_space<semaphore_mem>>)
      %dma_wait3A = tpu.memref_slice %arg5[%add3A_112] : memref<262144xf32, #tpu.memory_space<hbm>> -> memref<1024xf32, #tpu.memory_space<hbm>>
      %dma_wait3A_135 = tpu.memref_slice %arg5[%add3A_112] : memref<262144xf32, #tpu.memory_space<hbm>> -> memref<1024xf32, #tpu.memory_space<hbm>>
      tpu.wait_dma2 semaphore(%run_scoped3A : memref<!tpu.dma_semaphore, #tpu.memory_space<semaphore_mem>>) src(%arg10 : memref<1024xf32, #tpu.memory_space<vmem>>) dst(%dma_wait3A_135 : memref<1024xf32, #tpu.memory_space<hbm>>)
      tpu.yield
    }) : () -> ()
    %mul3A_113 = arith.constant 8192 : i32
    %mul3A_114 = arith.muli %add3A, %mul3A_113 : i32
    %add3A_115 = arith.constant 3072 : i32
    %add3A_116 = arith.addi %mul3A_114, %add3A_115 : i32
    "tpu.region"() ({
      %run_scoped3A = tpu.sem_alloc : memref<!tpu.dma_semaphore, #tpu.memory_space<semaphore_mem>>
      %dma_start3A_133 = tpu.memref_slice %arg5[%add3A_116] : memref<262144xf32, #tpu.memory_space<hbm>> -> memref<1024xf32, #tpu.memory_space<hbm>>
      %dma_start3A_134 = tpu.memref_slice %arg5[%add3A_116] : memref<262144xf32, #tpu.memory_space<hbm>> -> memref<1024xf32, #tpu.memory_space<hbm>>
      tpu.enqueue_dma source(%arg11 : memref<1024xf32, #tpu.memory_space<vmem>>) target(%dma_start3A_134 : memref<1024xf32, #tpu.memory_space<hbm>>) target_semaphore(%run_scoped3A : memref<!tpu.dma_semaphore, #tpu.memory_space<semaphore_mem>>)
      %dma_wait3A = tpu.memref_slice %arg5[%add3A_116] : memref<262144xf32, #tpu.memory_space<hbm>> -> memref<1024xf32, #tpu.memory_space<hbm>>
      %dma_wait3A_135 = tpu.memref_slice %arg5[%add3A_116] : memref<262144xf32, #tpu.memory_space<hbm>> -> memref<1024xf32, #tpu.memory_space<hbm>>
      tpu.wait_dma2 semaphore(%run_scoped3A : memref<!tpu.dma_semaphore, #tpu.memory_space<semaphore_mem>>) src(%arg11 : memref<1024xf32, #tpu.memory_space<vmem>>) dst(%dma_wait3A_135 : memref<1024xf32, #tpu.memory_space<hbm>>)
      tpu.yield
    }) : () -> ()
    %mul3A_117 = arith.constant 8192 : i32
    %mul3A_118 = arith.muli %add3A, %mul3A_117 : i32
    %add3A_119 = arith.constant 4096 : i32
    %add3A_120 = arith.addi %mul3A_118, %add3A_119 : i32
    "tpu.region"() ({
      %run_scoped3A = tpu.sem_alloc : memref<!tpu.dma_semaphore, #tpu.memory_space<semaphore_mem>>
      %dma_start3A_133 = tpu.memref_slice %arg5[%add3A_120] : memref<262144xf32, #tpu.memory_space<hbm>> -> memref<1024xf32, #tpu.memory_space<hbm>>
      %dma_start3A_134 = tpu.memref_slice %arg5[%add3A_120] : memref<262144xf32, #tpu.memory_space<hbm>> -> memref<1024xf32, #tpu.memory_space<hbm>>
      tpu.enqueue_dma source(%arg12 : memref<1024xf32, #tpu.memory_space<vmem>>) target(%dma_start3A_134 : memref<1024xf32, #tpu.memory_space<hbm>>) target_semaphore(%run_scoped3A : memref<!tpu.dma_semaphore, #tpu.memory_space<semaphore_mem>>)
      %dma_wait3A = tpu.memref_slice %arg5[%add3A_120] : memref<262144xf32, #tpu.memory_space<hbm>> -> memref<1024xf32, #tpu.memory_space<hbm>>
      %dma_wait3A_135 = tpu.memref_slice %arg5[%add3A_120] : memref<262144xf32, #tpu.memory_space<hbm>> -> memref<1024xf32, #tpu.memory_space<hbm>>
      tpu.wait_dma2 semaphore(%run_scoped3A : memref<!tpu.dma_semaphore, #tpu.memory_space<semaphore_mem>>) src(%arg12 : memref<1024xf32, #tpu.memory_space<vmem>>) dst(%dma_wait3A_135 : memref<1024xf32, #tpu.memory_space<hbm>>)
      tpu.yield
    }) : () -> ()
    %mul3A_121 = arith.constant 8192 : i32
    %mul3A_122 = arith.muli %add3A, %mul3A_121 : i32
    %add3A_123 = arith.constant 5120 : i32
    %add3A_124 = arith.addi %mul3A_122, %add3A_123 : i32
    "tpu.region"() ({
      %run_scoped3A = tpu.sem_alloc : memref<!tpu.dma_semaphore, #tpu.memory_space<semaphore_mem>>
      %dma_start3A_133 = tpu.memref_slice %arg5[%add3A_124] : memref<262144xf32, #tpu.memory_space<hbm>> -> memref<1024xf32, #tpu.memory_space<hbm>>
      %dma_start3A_134 = tpu.memref_slice %arg5[%add3A_124] : memref<262144xf32, #tpu.memory_space<hbm>> -> memref<1024xf32, #tpu.memory_space<hbm>>
      tpu.enqueue_dma source(%arg13 : memref<1024xf32, #tpu.memory_space<vmem>>) target(%dma_start3A_134 : memref<1024xf32, #tpu.memory_space<hbm>>) target_semaphore(%run_scoped3A : memref<!tpu.dma_semaphore, #tpu.memory_space<semaphore_mem>>)
      %dma_wait3A = tpu.memref_slice %arg5[%add3A_124] : memref<262144xf32, #tpu.memory_space<hbm>> -> memref<1024xf32, #tpu.memory_space<hbm>>
      %dma_wait3A_135 = tpu.memref_slice %arg5[%add3A_124] : memref<262144xf32, #tpu.memory_space<hbm>> -> memref<1024xf32, #tpu.memory_space<hbm>>
      tpu.wait_dma2 semaphore(%run_scoped3A : memref<!tpu.dma_semaphore, #tpu.memory_space<semaphore_mem>>) src(%arg13 : memref<1024xf32, #tpu.memory_space<vmem>>) dst(%dma_wait3A_135 : memref<1024xf32, #tpu.memory_space<hbm>>)
      tpu.yield
    }) : () -> ()
    %mul3A_125 = arith.constant 8192 : i32
    %mul3A_126 = arith.muli %add3A, %mul3A_125 : i32
    %add3A_127 = arith.constant 6144 : i32
    %add3A_128 = arith.addi %mul3A_126, %add3A_127 : i32
    "tpu.region"() ({
      %run_scoped3A = tpu.sem_alloc : memref<!tpu.dma_semaphore, #tpu.memory_space<semaphore_mem>>
      %dma_start3A_133 = tpu.memref_slice %arg5[%add3A_128] : memref<262144xf32, #tpu.memory_space<hbm>> -> memref<1024xf32, #tpu.memory_space<hbm>>
      %dma_start3A_134 = tpu.memref_slice %arg5[%add3A_128] : memref<262144xf32, #tpu.memory_space<hbm>> -> memref<1024xf32, #tpu.memory_space<hbm>>
      tpu.enqueue_dma source(%arg14 : memref<1024xf32, #tpu.memory_space<vmem>>) target(%dma_start3A_134 : memref<1024xf32, #tpu.memory_space<hbm>>) target_semaphore(%run_scoped3A : memref<!tpu.dma_semaphore, #tpu.memory_space<semaphore_mem>>)
      %dma_wait3A = tpu.memref_slice %arg5[%add3A_128] : memref<262144xf32, #tpu.memory_space<hbm>> -> memref<1024xf32, #tpu.memory_space<hbm>>
      %dma_wait3A_135 = tpu.memref_slice %arg5[%add3A_128] : memref<262144xf32, #tpu.memory_space<hbm>> -> memref<1024xf32, #tpu.memory_space<hbm>>
      tpu.wait_dma2 semaphore(%run_scoped3A : memref<!tpu.dma_semaphore, #tpu.memory_space<semaphore_mem>>) src(%arg14 : memref<1024xf32, #tpu.memory_space<vmem>>) dst(%dma_wait3A_135 : memref<1024xf32, #tpu.memory_space<hbm>>)
      tpu.yield
    }) : () -> ()
    %mul3A_129 = arith.constant 8192 : i32
    %mul3A_130 = arith.muli %add3A, %mul3A_129 : i32
    %add3A_131 = arith.constant 7168 : i32
    %add3A_132 = arith.addi %mul3A_130, %add3A_131 : i32
    "tpu.region"() ({
      %run_scoped3A = tpu.sem_alloc : memref<!tpu.dma_semaphore, #tpu.memory_space<semaphore_mem>>
      %dma_start3A_133 = tpu.memref_slice %arg5[%add3A_132] : memref<262144xf32, #tpu.memory_space<hbm>> -> memref<1024xf32, #tpu.memory_space<hbm>>
      %dma_start3A_134 = tpu.memref_slice %arg5[%add3A_132] : memref<262144xf32, #tpu.memory_space<hbm>> -> memref<1024xf32, #tpu.memory_space<hbm>>
      tpu.enqueue_dma source(%arg15 : memref<1024xf32, #tpu.memory_space<vmem>>) target(%dma_start3A_134 : memref<1024xf32, #tpu.memory_space<hbm>>) target_semaphore(%run_scoped3A : memref<!tpu.dma_semaphore, #tpu.memory_space<semaphore_mem>>)
      %dma_wait3A = tpu.memref_slice %arg5[%add3A_132] : memref<262144xf32, #tpu.memory_space<hbm>> -> memref<1024xf32, #tpu.memory_space<hbm>>
      %dma_wait3A_135 = tpu.memref_slice %arg5[%add3A_132] : memref<262144xf32, #tpu.memory_space<hbm>> -> memref<1024xf32, #tpu.memory_space<hbm>>
      tpu.wait_dma2 semaphore(%run_scoped3A : memref<!tpu.dma_semaphore, #tpu.memory_space<semaphore_mem>>) src(%arg15 : memref<1024xf32, #tpu.memory_space<vmem>>) dst(%dma_wait3A_135 : memref<1024xf32, #tpu.memory_space<hbm>>)
      tpu.yield
    }) : () -> ()
    return
  }
}

module attributes {stable_mosaic.version = 14 : i64} {
  func.func @_tc_threshold_body(%arg0: i32, %arg1: i32, %arg2: memref<1x4096x256xf32, #tpu.memory_space<vmem>>, %arg3: memref<1x1x1x256xf32, #tpu.memory_space<vmem>>, %arg4: memref<1x1x1x256xi32, #tpu.memory_space<vmem>>) attributes {dimension_semantics = [#tpu.dimension_semantics<arbitrary>, #tpu.dimension_semantics<arbitrary>], iteration_bounds = array<i64: 4, 4>, scalar_prefetch = 0 : i64, scratch_operands = 0 : i64, tpu.core_type = #tpu.core_type<tc>, window_params = [{transform_indices = @transform_0, window_bounds = array<i64: 1, 4096, 256>}, {transform_indices = @transform_1, window_bounds = array<i64: 1, 1, 1, 256>}, {transform_indices = @transform_2, window_bounds = array<i64: 1, 1, 1, 256>}]} {
    %get3A = arith.constant 0 : index
    %get3A_0 = arith.constant 0 : index
    %get3A_1 = arith.constant 0 : index
    %get3A_2 = vector.load %arg2[%get3A, %get3A_0, %get3A_1] : memref<1x4096x256xf32, #tpu.memory_space<vmem>>, vector<1x4096x256xf32>
    %get3A_3 = vector.shape_cast %get3A_2 : vector<1x4096x256xf32> to vector<4096x256xf32>
    %bitcast_convert_type3A = tpu.bitcast %get3A_3 : vector<4096x256xf32> -> vector<4096x256xi32>
    %shift_right_arithmetic3A = arith.constant 31 : i32
    %shift_right_arithmetic3A_4 = vector.broadcast %shift_right_arithmetic3A : i32 to vector<4096x256xi32>
    %shift_right_arithmetic3A_5 = arith.shrsi %bitcast_convert_type3A, %shift_right_arithmetic3A_4 : vector<4096x256xi32>
    %shift_right_logical3A = arith.constant 1 : i32
    %shift_right_logical3A_6 = vector.broadcast %shift_right_logical3A : i32 to vector<4096x256xi32>
    %shift_right_logical3A_7 = arith.shrui %shift_right_arithmetic3A_5, %shift_right_logical3A_6 : vector<4096x256xi32>
    %xor3A = arith.xori %bitcast_convert_type3A, %shift_right_logical3A_7 : vector<4096x256xi32>
    %shift_right_arithmetic3A_8 = arith.constant 16 : i32
    %shift_right_arithmetic3A_9 = vector.broadcast %shift_right_arithmetic3A_8 : i32 to vector<4096x256xi32>
    %shift_right_arithmetic3A_10 = arith.shrsi %xor3A, %shift_right_arithmetic3A_9 : vector<4096x256xi32>
    %convert_element_type3A = arith.trunci %shift_right_arithmetic3A_10 : vector<4096x256xi32> to vector<4096x256xi16>
    %reshape3A = vector.shape_cast %convert_element_type3A : vector<4096x256xi16> to vector<64x64x256xi16>
    %and3A = arith.constant 65535 : i32
    %and3A_11 = vector.broadcast %and3A : i32 to vector<4096x256xi32>
    %and3A_12 = arith.andi %xor3A, %and3A_11 : vector<4096x256xi32>
    %sub3A = arith.constant 32768 : i32
    %sub3A_13 = vector.broadcast %sub3A : i32 to vector<4096x256xi32>
    %sub3A_14 = arith.subi %and3A_12, %sub3A_13 : vector<4096x256xi32>
    %convert_element_type3A_15 = arith.trunci %sub3A_14 : vector<4096x256xi32> to vector<4096x256xi16>
    %reshape3A_16 = vector.shape_cast %convert_element_type3A_15 : vector<4096x256xi16> to vector<64x64x256xi16>
    %broadcast_in_dim3A = arith.constant 0 : i32
    %broadcast_in_dim3A_17 = vector.broadcast %broadcast_in_dim3A : i32 to vector<1x256xi32>
    %scan3A = arith.constant 0 : i32
    %scan3A_18 = arith.constant 16 : i32
    %scan3A_19 = arith.addi %scan3A, %scan3A_18 : i32
    %scan3A_20 = arith.constant 1 : i32
    %scan3A_21 = scf.for %scan3A_591 = %scan3A to %scan3A_19 step %scan3A_20 iter_args(%scan3A_592 = %broadcast_in_dim3A_17) -> (vector<1x256xi32>)  : i32 {
      %sub3A_593 = arith.constant 15 : i32
      %sub3A_594 = arith.subi %sub3A_593, %scan3A_591 : i32
      %shift_left3A_595 = arith.constant 1 : i32
      %shift_left3A_596 = arith.shli %shift_left3A_595, %sub3A_594 : i32
      %or3A_597 = vector.broadcast %shift_left3A_596 : i32 to vector<1x256xi32>
      %or3A_598 = arith.ori %scan3A_592, %or3A_597 : vector<1x256xi32>
      %sub3A_599 = arith.constant 32768 : i32
      %sub3A_600 = vector.broadcast %sub3A_599 : i32 to vector<1x256xi32>
      %sub3A_601 = arith.subi %or3A_598, %sub3A_600 : vector<1x256xi32>
      %convert_element_type3A_602 = arith.trunci %sub3A_601 : vector<1x256xi32> to vector<1x256xi16>
      %reshape3A_603 = vector.shape_cast %convert_element_type3A_602 : vector<1x256xi16> to vector<1x1x256xi16>
      %ge3A = vector.broadcast %reshape3A_603 : vector<1x1x256xi16> to vector<64x64x256xi16>
      %ge3A_604 = arith.cmpi sge, %reshape3A, %ge3A : vector<64x64x256xi16>
      %slice3A_605 = vector.extract_strided_slice %ge3A_604 {offsets = [0, 0, 0], sizes = [1, 64, 256], strides = [1, 1, 1]} : vector<64x64x256xi1> to vector<1x64x256xi1>
      %squeeze3A_606 = vector.shape_cast %slice3A_605 : vector<1x64x256xi1> to vector<64x256xi1>
      %convert_element_type3A_607 = arith.extui %squeeze3A_606 : vector<64x256xi1> to vector<64x256xi16>
      %slice3A_608 = vector.extract_strided_slice %ge3A_604 {offsets = [1, 0, 0], sizes = [1, 64, 256], strides = [1, 1, 1]} : vector<64x64x256xi1> to vector<1x64x256xi1>
      %squeeze3A_609 = vector.shape_cast %slice3A_608 : vector<1x64x256xi1> to vector<64x256xi1>
      %convert_element_type3A_610 = arith.extui %squeeze3A_609 : vector<64x256xi1> to vector<64x256xi16>
      %slice3A_611 = vector.extract_strided_slice %ge3A_604 {offsets = [2, 0, 0], sizes = [1, 64, 256], strides = [1, 1, 1]} : vector<64x64x256xi1> to vector<1x64x256xi1>
      %squeeze3A_612 = vector.shape_cast %slice3A_611 : vector<1x64x256xi1> to vector<64x256xi1>
      %convert_element_type3A_613 = arith.extui %squeeze3A_612 : vector<64x256xi1> to vector<64x256xi16>
      %slice3A_614 = vector.extract_strided_slice %ge3A_604 {offsets = [3, 0, 0], sizes = [1, 64, 256], strides = [1, 1, 1]} : vector<64x64x256xi1> to vector<1x64x256xi1>
      %squeeze3A_615 = vector.shape_cast %slice3A_614 : vector<1x64x256xi1> to vector<64x256xi1>
      %convert_element_type3A_616 = arith.extui %squeeze3A_615 : vector<64x256xi1> to vector<64x256xi16>
      %slice3A_617 = vector.extract_strided_slice %ge3A_604 {offsets = [4, 0, 0], sizes = [1, 64, 256], strides = [1, 1, 1]} : vector<64x64x256xi1> to vector<1x64x256xi1>
      %squeeze3A_618 = vector.shape_cast %slice3A_617 : vector<1x64x256xi1> to vector<64x256xi1>
      %convert_element_type3A_619 = arith.extui %squeeze3A_618 : vector<64x256xi1> to vector<64x256xi16>
      %slice3A_620 = vector.extract_strided_slice %ge3A_604 {offsets = [5, 0, 0], sizes = [1, 64, 256], strides = [1, 1, 1]} : vector<64x64x256xi1> to vector<1x64x256xi1>
      %squeeze3A_621 = vector.shape_cast %slice3A_620 : vector<1x64x256xi1> to vector<64x256xi1>
      %convert_element_type3A_622 = arith.extui %squeeze3A_621 : vector<64x256xi1> to vector<64x256xi16>
      %slice3A_623 = vector.extract_strided_slice %ge3A_604 {offsets = [6, 0, 0], sizes = [1, 64, 256], strides = [1, 1, 1]} : vector<64x64x256xi1> to vector<1x64x256xi1>
      %squeeze3A_624 = vector.shape_cast %slice3A_623 : vector<1x64x256xi1> to vector<64x256xi1>
      %convert_element_type3A_625 = arith.extui %squeeze3A_624 : vector<64x256xi1> to vector<64x256xi16>
      %slice3A_626 = vector.extract_strided_slice %ge3A_604 {offsets = [7, 0, 0], sizes = [1, 64, 256], strides = [1, 1, 1]} : vector<64x64x256xi1> to vector<1x64x256xi1>
      %squeeze3A_627 = vector.shape_cast %slice3A_626 : vector<1x64x256xi1> to vector<64x256xi1>
      %convert_element_type3A_628 = arith.extui %squeeze3A_627 : vector<64x256xi1> to vector<64x256xi16>
      %slice3A_629 = vector.extract_strided_slice %ge3A_604 {offsets = [8, 0, 0], sizes = [1, 64, 256], strides = [1, 1, 1]} : vector<64x64x256xi1> to vector<1x64x256xi1>
      %squeeze3A_630 = vector.shape_cast %slice3A_629 : vector<1x64x256xi1> to vector<64x256xi1>
      %convert_element_type3A_631 = arith.extui %squeeze3A_630 : vector<64x256xi1> to vector<64x256xi16>
      %slice3A_632 = vector.extract_strided_slice %ge3A_604 {offsets = [9, 0, 0], sizes = [1, 64, 256], strides = [1, 1, 1]} : vector<64x64x256xi1> to vector<1x64x256xi1>
      %squeeze3A_633 = vector.shape_cast %slice3A_632 : vector<1x64x256xi1> to vector<64x256xi1>
      %convert_element_type3A_634 = arith.extui %squeeze3A_633 : vector<64x256xi1> to vector<64x256xi16>
      %slice3A_635 = vector.extract_strided_slice %ge3A_604 {offsets = [10, 0, 0], sizes = [1, 64, 256], strides = [1, 1, 1]} : vector<64x64x256xi1> to vector<1x64x256xi1>
      %squeeze3A_636 = vector.shape_cast %slice3A_635 : vector<1x64x256xi1> to vector<64x256xi1>
      %convert_element_type3A_637 = arith.extui %squeeze3A_636 : vector<64x256xi1> to vector<64x256xi16>
      %slice3A_638 = vector.extract_strided_slice %ge3A_604 {offsets = [11, 0, 0], sizes = [1, 64, 256], strides = [1, 1, 1]} : vector<64x64x256xi1> to vector<1x64x256xi1>
      %squeeze3A_639 = vector.shape_cast %slice3A_638 : vector<1x64x256xi1> to vector<64x256xi1>
      %convert_element_type3A_640 = arith.extui %squeeze3A_639 : vector<64x256xi1> to vector<64x256xi16>
      %slice3A_641 = vector.extract_strided_slice %ge3A_604 {offsets = [12, 0, 0], sizes = [1, 64, 256], strides = [1, 1, 1]} : vector<64x64x256xi1> to vector<1x64x256xi1>
      %squeeze3A_642 = vector.shape_cast %slice3A_641 : vector<1x64x256xi1> to vector<64x256xi1>
      %convert_element_type3A_643 = arith.extui %squeeze3A_642 : vector<64x256xi1> to vector<64x256xi16>
      %slice3A_644 = vector.extract_strided_slice %ge3A_604 {offsets = [13, 0, 0], sizes = [1, 64, 256], strides = [1, 1, 1]} : vector<64x64x256xi1> to vector<1x64x256xi1>
      %squeeze3A_645 = vector.shape_cast %slice3A_644 : vector<1x64x256xi1> to vector<64x256xi1>
      %convert_element_type3A_646 = arith.extui %squeeze3A_645 : vector<64x256xi1> to vector<64x256xi16>
      %slice3A_647 = vector.extract_strided_slice %ge3A_604 {offsets = [14, 0, 0], sizes = [1, 64, 256], strides = [1, 1, 1]} : vector<64x64x256xi1> to vector<1x64x256xi1>
      %squeeze3A_648 = vector.shape_cast %slice3A_647 : vector<1x64x256xi1> to vector<64x256xi1>
      %convert_element_type3A_649 = arith.extui %squeeze3A_648 : vector<64x256xi1> to vector<64x256xi16>
      %slice3A_650 = vector.extract_strided_slice %ge3A_604 {offsets = [15, 0, 0], sizes = [1, 64, 256], strides = [1, 1, 1]} : vector<64x64x256xi1> to vector<1x64x256xi1>
      %squeeze3A_651 = vector.shape_cast %slice3A_650 : vector<1x64x256xi1> to vector<64x256xi1>
      %convert_element_type3A_652 = arith.extui %squeeze3A_651 : vector<64x256xi1> to vector<64x256xi16>
      %slice3A_653 = vector.extract_strided_slice %ge3A_604 {offsets = [16, 0, 0], sizes = [1, 64, 256], strides = [1, 1, 1]} : vector<64x64x256xi1> to vector<1x64x256xi1>
      %squeeze3A_654 = vector.shape_cast %slice3A_653 : vector<1x64x256xi1> to vector<64x256xi1>
      %convert_element_type3A_655 = arith.extui %squeeze3A_654 : vector<64x256xi1> to vector<64x256xi16>
      %slice3A_656 = vector.extract_strided_slice %ge3A_604 {offsets = [17, 0, 0], sizes = [1, 64, 256], strides = [1, 1, 1]} : vector<64x64x256xi1> to vector<1x64x256xi1>
      %squeeze3A_657 = vector.shape_cast %slice3A_656 : vector<1x64x256xi1> to vector<64x256xi1>
      %convert_element_type3A_658 = arith.extui %squeeze3A_657 : vector<64x256xi1> to vector<64x256xi16>
      %slice3A_659 = vector.extract_strided_slice %ge3A_604 {offsets = [18, 0, 0], sizes = [1, 64, 256], strides = [1, 1, 1]} : vector<64x64x256xi1> to vector<1x64x256xi1>
      %squeeze3A_660 = vector.shape_cast %slice3A_659 : vector<1x64x256xi1> to vector<64x256xi1>
      %convert_element_type3A_661 = arith.extui %squeeze3A_660 : vector<64x256xi1> to vector<64x256xi16>
      %slice3A_662 = vector.extract_strided_slice %ge3A_604 {offsets = [19, 0, 0], sizes = [1, 64, 256], strides = [1, 1, 1]} : vector<64x64x256xi1> to vector<1x64x256xi1>
      %squeeze3A_663 = vector.shape_cast %slice3A_662 : vector<1x64x256xi1> to vector<64x256xi1>
      %convert_element_type3A_664 = arith.extui %squeeze3A_663 : vector<64x256xi1> to vector<64x256xi16>
      %slice3A_665 = vector.extract_strided_slice %ge3A_604 {offsets = [20, 0, 0], sizes = [1, 64, 256], strides = [1, 1, 1]} : vector<64x64x256xi1> to vector<1x64x256xi1>
      %squeeze3A_666 = vector.shape_cast %slice3A_665 : vector<1x64x256xi1> to vector<64x256xi1>
      %convert_element_type3A_667 = arith.extui %squeeze3A_666 : vector<64x256xi1> to vector<64x256xi16>
      %slice3A_668 = vector.extract_strided_slice %ge3A_604 {offsets = [21, 0, 0], sizes = [1, 64, 256], strides = [1, 1, 1]} : vector<64x64x256xi1> to vector<1x64x256xi1>
      %squeeze3A_669 = vector.shape_cast %slice3A_668 : vector<1x64x256xi1> to vector<64x256xi1>
      %convert_element_type3A_670 = arith.extui %squeeze3A_669 : vector<64x256xi1> to vector<64x256xi16>
      %slice3A_671 = vector.extract_strided_slice %ge3A_604 {offsets = [22, 0, 0], sizes = [1, 64, 256], strides = [1, 1, 1]} : vector<64x64x256xi1> to vector<1x64x256xi1>
      %squeeze3A_672 = vector.shape_cast %slice3A_671 : vector<1x64x256xi1> to vector<64x256xi1>
      %convert_element_type3A_673 = arith.extui %squeeze3A_672 : vector<64x256xi1> to vector<64x256xi16>
      %slice3A_674 = vector.extract_strided_slice %ge3A_604 {offsets = [23, 0, 0], sizes = [1, 64, 256], strides = [1, 1, 1]} : vector<64x64x256xi1> to vector<1x64x256xi1>
      %squeeze3A_675 = vector.shape_cast %slice3A_674 : vector<1x64x256xi1> to vector<64x256xi1>
      %convert_element_type3A_676 = arith.extui %squeeze3A_675 : vector<64x256xi1> to vector<64x256xi16>
      %slice3A_677 = vector.extract_strided_slice %ge3A_604 {offsets = [24, 0, 0], sizes = [1, 64, 256], strides = [1, 1, 1]} : vector<64x64x256xi1> to vector<1x64x256xi1>
      %squeeze3A_678 = vector.shape_cast %slice3A_677 : vector<1x64x256xi1> to vector<64x256xi1>
      %convert_element_type3A_679 = arith.extui %squeeze3A_678 : vector<64x256xi1> to vector<64x256xi16>
      %slice3A_680 = vector.extract_strided_slice %ge3A_604 {offsets = [25, 0, 0], sizes = [1, 64, 256], strides = [1, 1, 1]} : vector<64x64x256xi1> to vector<1x64x256xi1>
      %squeeze3A_681 = vector.shape_cast %slice3A_680 : vector<1x64x256xi1> to vector<64x256xi1>
      %convert_element_type3A_682 = arith.extui %squeeze3A_681 : vector<64x256xi1> to vector<64x256xi16>
      %slice3A_683 = vector.extract_strided_slice %ge3A_604 {offsets = [26, 0, 0], sizes = [1, 64, 256], strides = [1, 1, 1]} : vector<64x64x256xi1> to vector<1x64x256xi1>
      %squeeze3A_684 = vector.shape_cast %slice3A_683 : vector<1x64x256xi1> to vector<64x256xi1>
      %convert_element_type3A_685 = arith.extui %squeeze3A_684 : vector<64x256xi1> to vector<64x256xi16>
      %slice3A_686 = vector.extract_strided_slice %ge3A_604 {offsets = [27, 0, 0], sizes = [1, 64, 256], strides = [1, 1, 1]} : vector<64x64x256xi1> to vector<1x64x256xi1>
      %squeeze3A_687 = vector.shape_cast %slice3A_686 : vector<1x64x256xi1> to vector<64x256xi1>
      %convert_element_type3A_688 = arith.extui %squeeze3A_687 : vector<64x256xi1> to vector<64x256xi16>
      %slice3A_689 = vector.extract_strided_slice %ge3A_604 {offsets = [28, 0, 0], sizes = [1, 64, 256], strides = [1, 1, 1]} : vector<64x64x256xi1> to vector<1x64x256xi1>
      %squeeze3A_690 = vector.shape_cast %slice3A_689 : vector<1x64x256xi1> to vector<64x256xi1>
      %convert_element_type3A_691 = arith.extui %squeeze3A_690 : vector<64x256xi1> to vector<64x256xi16>
      %slice3A_692 = vector.extract_strided_slice %ge3A_604 {offsets = [29, 0, 0], sizes = [1, 64, 256], strides = [1, 1, 1]} : vector<64x64x256xi1> to vector<1x64x256xi1>
      %squeeze3A_693 = vector.shape_cast %slice3A_692 : vector<1x64x256xi1> to vector<64x256xi1>
      %convert_element_type3A_694 = arith.extui %squeeze3A_693 : vector<64x256xi1> to vector<64x256xi16>
      %slice3A_695 = vector.extract_strided_slice %ge3A_604 {offsets = [30, 0, 0], sizes = [1, 64, 256], strides = [1, 1, 1]} : vector<64x64x256xi1> to vector<1x64x256xi1>
      %squeeze3A_696 = vector.shape_cast %slice3A_695 : vector<1x64x256xi1> to vector<64x256xi1>
      %convert_element_type3A_697 = arith.extui %squeeze3A_696 : vector<64x256xi1> to vector<64x256xi16>
      %slice3A_698 = vector.extract_strided_slice %ge3A_604 {offsets = [31, 0, 0], sizes = [1, 64, 256], strides = [1, 1, 1]} : vector<64x64x256xi1> to vector<1x64x256xi1>
      %squeeze3A_699 = vector.shape_cast %slice3A_698 : vector<1x64x256xi1> to vector<64x256xi1>
      %convert_element_type3A_700 = arith.extui %squeeze3A_699 : vector<64x256xi1> to vector<64x256xi16>
      %slice3A_701 = vector.extract_strided_slice %ge3A_604 {offsets = [32, 0, 0], sizes = [1, 64, 256], strides = [1, 1, 1]} : vector<64x64x256xi1> to vector<1x64x256xi1>
      %squeeze3A_702 = vector.shape_cast %slice3A_701 : vector<1x64x256xi1> to vector<64x256xi1>
      %convert_element_type3A_703 = arith.extui %squeeze3A_702 : vector<64x256xi1> to vector<64x256xi16>
      %slice3A_704 = vector.extract_strided_slice %ge3A_604 {offsets = [33, 0, 0], sizes = [1, 64, 256], strides = [1, 1, 1]} : vector<64x64x256xi1> to vector<1x64x256xi1>
      %squeeze3A_705 = vector.shape_cast %slice3A_704 : vector<1x64x256xi1> to vector<64x256xi1>
      %convert_element_type3A_706 = arith.extui %squeeze3A_705 : vector<64x256xi1> to vector<64x256xi16>
      %slice3A_707 = vector.extract_strided_slice %ge3A_604 {offsets = [34, 0, 0], sizes = [1, 64, 256], strides = [1, 1, 1]} : vector<64x64x256xi1> to vector<1x64x256xi1>
      %squeeze3A_708 = vector.shape_cast %slice3A_707 : vector<1x64x256xi1> to vector<64x256xi1>
      %convert_element_type3A_709 = arith.extui %squeeze3A_708 : vector<64x256xi1> to vector<64x256xi16>
      %slice3A_710 = vector.extract_strided_slice %ge3A_604 {offsets = [35, 0, 0], sizes = [1, 64, 256], strides = [1, 1, 1]} : vector<64x64x256xi1> to vector<1x64x256xi1>
      %squeeze3A_711 = vector.shape_cast %slice3A_710 : vector<1x64x256xi1> to vector<64x256xi1>
      %convert_element_type3A_712 = arith.extui %squeeze3A_711 : vector<64x256xi1> to vector<64x256xi16>
      %slice3A_713 = vector.extract_strided_slice %ge3A_604 {offsets = [36, 0, 0], sizes = [1, 64, 256], strides = [1, 1, 1]} : vector<64x64x256xi1> to vector<1x64x256xi1>
      %squeeze3A_714 = vector.shape_cast %slice3A_713 : vector<1x64x256xi1> to vector<64x256xi1>
      %convert_element_type3A_715 = arith.extui %squeeze3A_714 : vector<64x256xi1> to vector<64x256xi16>
      %slice3A_716 = vector.extract_strided_slice %ge3A_604 {offsets = [37, 0, 0], sizes = [1, 64, 256], strides = [1, 1, 1]} : vector<64x64x256xi1> to vector<1x64x256xi1>
      %squeeze3A_717 = vector.shape_cast %slice3A_716 : vector<1x64x256xi1> to vector<64x256xi1>
      %convert_element_type3A_718 = arith.extui %squeeze3A_717 : vector<64x256xi1> to vector<64x256xi16>
      %slice3A_719 = vector.extract_strided_slice %ge3A_604 {offsets = [38, 0, 0], sizes = [1, 64, 256], strides = [1, 1, 1]} : vector<64x64x256xi1> to vector<1x64x256xi1>
      %squeeze3A_720 = vector.shape_cast %slice3A_719 : vector<1x64x256xi1> to vector<64x256xi1>
      %convert_element_type3A_721 = arith.extui %squeeze3A_720 : vector<64x256xi1> to vector<64x256xi16>
      %slice3A_722 = vector.extract_strided_slice %ge3A_604 {offsets = [39, 0, 0], sizes = [1, 64, 256], strides = [1, 1, 1]} : vector<64x64x256xi1> to vector<1x64x256xi1>
      %squeeze3A_723 = vector.shape_cast %slice3A_722 : vector<1x64x256xi1> to vector<64x256xi1>
      %convert_element_type3A_724 = arith.extui %squeeze3A_723 : vector<64x256xi1> to vector<64x256xi16>
      %slice3A_725 = vector.extract_strided_slice %ge3A_604 {offsets = [40, 0, 0], sizes = [1, 64, 256], strides = [1, 1, 1]} : vector<64x64x256xi1> to vector<1x64x256xi1>
      %squeeze3A_726 = vector.shape_cast %slice3A_725 : vector<1x64x256xi1> to vector<64x256xi1>
      %convert_element_type3A_727 = arith.extui %squeeze3A_726 : vector<64x256xi1> to vector<64x256xi16>
      %slice3A_728 = vector.extract_strided_slice %ge3A_604 {offsets = [41, 0, 0], sizes = [1, 64, 256], strides = [1, 1, 1]} : vector<64x64x256xi1> to vector<1x64x256xi1>
      %squeeze3A_729 = vector.shape_cast %slice3A_728 : vector<1x64x256xi1> to vector<64x256xi1>
      %convert_element_type3A_730 = arith.extui %squeeze3A_729 : vector<64x256xi1> to vector<64x256xi16>
      %slice3A_731 = vector.extract_strided_slice %ge3A_604 {offsets = [42, 0, 0], sizes = [1, 64, 256], strides = [1, 1, 1]} : vector<64x64x256xi1> to vector<1x64x256xi1>
      %squeeze3A_732 = vector.shape_cast %slice3A_731 : vector<1x64x256xi1> to vector<64x256xi1>
      %convert_element_type3A_733 = arith.extui %squeeze3A_732 : vector<64x256xi1> to vector<64x256xi16>
      %slice3A_734 = vector.extract_strided_slice %ge3A_604 {offsets = [43, 0, 0], sizes = [1, 64, 256], strides = [1, 1, 1]} : vector<64x64x256xi1> to vector<1x64x256xi1>
      %squeeze3A_735 = vector.shape_cast %slice3A_734 : vector<1x64x256xi1> to vector<64x256xi1>
      %convert_element_type3A_736 = arith.extui %squeeze3A_735 : vector<64x256xi1> to vector<64x256xi16>
      %slice3A_737 = vector.extract_strided_slice %ge3A_604 {offsets = [44, 0, 0], sizes = [1, 64, 256], strides = [1, 1, 1]} : vector<64x64x256xi1> to vector<1x64x256xi1>
      %squeeze3A_738 = vector.shape_cast %slice3A_737 : vector<1x64x256xi1> to vector<64x256xi1>
      %convert_element_type3A_739 = arith.extui %squeeze3A_738 : vector<64x256xi1> to vector<64x256xi16>
      %slice3A_740 = vector.extract_strided_slice %ge3A_604 {offsets = [45, 0, 0], sizes = [1, 64, 256], strides = [1, 1, 1]} : vector<64x64x256xi1> to vector<1x64x256xi1>
      %squeeze3A_741 = vector.shape_cast %slice3A_740 : vector<1x64x256xi1> to vector<64x256xi1>
      %convert_element_type3A_742 = arith.extui %squeeze3A_741 : vector<64x256xi1> to vector<64x256xi16>
      %slice3A_743 = vector.extract_strided_slice %ge3A_604 {offsets = [46, 0, 0], sizes = [1, 64, 256], strides = [1, 1, 1]} : vector<64x64x256xi1> to vector<1x64x256xi1>
      %squeeze3A_744 = vector.shape_cast %slice3A_743 : vector<1x64x256xi1> to vector<64x256xi1>
      %convert_element_type3A_745 = arith.extui %squeeze3A_744 : vector<64x256xi1> to vector<64x256xi16>
      %slice3A_746 = vector.extract_strided_slice %ge3A_604 {offsets = [47, 0, 0], sizes = [1, 64, 256], strides = [1, 1, 1]} : vector<64x64x256xi1> to vector<1x64x256xi1>
      %squeeze3A_747 = vector.shape_cast %slice3A_746 : vector<1x64x256xi1> to vector<64x256xi1>
      %convert_element_type3A_748 = arith.extui %squeeze3A_747 : vector<64x256xi1> to vector<64x256xi16>
      %slice3A_749 = vector.extract_strided_slice %ge3A_604 {offsets = [48, 0, 0], sizes = [1, 64, 256], strides = [1, 1, 1]} : vector<64x64x256xi1> to vector<1x64x256xi1>
      %squeeze3A_750 = vector.shape_cast %slice3A_749 : vector<1x64x256xi1> to vector<64x256xi1>
      %convert_element_type3A_751 = arith.extui %squeeze3A_750 : vector<64x256xi1> to vector<64x256xi16>
      %slice3A_752 = vector.extract_strided_slice %ge3A_604 {offsets = [49, 0, 0], sizes = [1, 64, 256], strides = [1, 1, 1]} : vector<64x64x256xi1> to vector<1x64x256xi1>
      %squeeze3A_753 = vector.shape_cast %slice3A_752 : vector<1x64x256xi1> to vector<64x256xi1>
      %convert_element_type3A_754 = arith.extui %squeeze3A_753 : vector<64x256xi1> to vector<64x256xi16>
      %slice3A_755 = vector.extract_strided_slice %ge3A_604 {offsets = [50, 0, 0], sizes = [1, 64, 256], strides = [1, 1, 1]} : vector<64x64x256xi1> to vector<1x64x256xi1>
      %squeeze3A_756 = vector.shape_cast %slice3A_755 : vector<1x64x256xi1> to vector<64x256xi1>
      %convert_element_type3A_757 = arith.extui %squeeze3A_756 : vector<64x256xi1> to vector<64x256xi16>
      %slice3A_758 = vector.extract_strided_slice %ge3A_604 {offsets = [51, 0, 0], sizes = [1, 64, 256], strides = [1, 1, 1]} : vector<64x64x256xi1> to vector<1x64x256xi1>
      %squeeze3A_759 = vector.shape_cast %slice3A_758 : vector<1x64x256xi1> to vector<64x256xi1>
      %convert_element_type3A_760 = arith.extui %squeeze3A_759 : vector<64x256xi1> to vector<64x256xi16>
      %slice3A_761 = vector.extract_strided_slice %ge3A_604 {offsets = [52, 0, 0], sizes = [1, 64, 256], strides = [1, 1, 1]} : vector<64x64x256xi1> to vector<1x64x256xi1>
      %squeeze3A_762 = vector.shape_cast %slice3A_761 : vector<1x64x256xi1> to vector<64x256xi1>
      %convert_element_type3A_763 = arith.extui %squeeze3A_762 : vector<64x256xi1> to vector<64x256xi16>
      %slice3A_764 = vector.extract_strided_slice %ge3A_604 {offsets = [53, 0, 0], sizes = [1, 64, 256], strides = [1, 1, 1]} : vector<64x64x256xi1> to vector<1x64x256xi1>
      %squeeze3A_765 = vector.shape_cast %slice3A_764 : vector<1x64x256xi1> to vector<64x256xi1>
      %convert_element_type3A_766 = arith.extui %squeeze3A_765 : vector<64x256xi1> to vector<64x256xi16>
      %slice3A_767 = vector.extract_strided_slice %ge3A_604 {offsets = [54, 0, 0], sizes = [1, 64, 256], strides = [1, 1, 1]} : vector<64x64x256xi1> to vector<1x64x256xi1>
      %squeeze3A_768 = vector.shape_cast %slice3A_767 : vector<1x64x256xi1> to vector<64x256xi1>
      %convert_element_type3A_769 = arith.extui %squeeze3A_768 : vector<64x256xi1> to vector<64x256xi16>
      %slice3A_770 = vector.extract_strided_slice %ge3A_604 {offsets = [55, 0, 0], sizes = [1, 64, 256], strides = [1, 1, 1]} : vector<64x64x256xi1> to vector<1x64x256xi1>
      %squeeze3A_771 = vector.shape_cast %slice3A_770 : vector<1x64x256xi1> to vector<64x256xi1>
      %convert_element_type3A_772 = arith.extui %squeeze3A_771 : vector<64x256xi1> to vector<64x256xi16>
      %slice3A_773 = vector.extract_strided_slice %ge3A_604 {offsets = [56, 0, 0], sizes = [1, 64, 256], strides = [1, 1, 1]} : vector<64x64x256xi1> to vector<1x64x256xi1>
      %squeeze3A_774 = vector.shape_cast %slice3A_773 : vector<1x64x256xi1> to vector<64x256xi1>
      %convert_element_type3A_775 = arith.extui %squeeze3A_774 : vector<64x256xi1> to vector<64x256xi16>
      %slice3A_776 = vector.extract_strided_slice %ge3A_604 {offsets = [57, 0, 0], sizes = [1, 64, 256], strides = [1, 1, 1]} : vector<64x64x256xi1> to vector<1x64x256xi1>
      %squeeze3A_777 = vector.shape_cast %slice3A_776 : vector<1x64x256xi1> to vector<64x256xi1>
      %convert_element_type3A_778 = arith.extui %squeeze3A_777 : vector<64x256xi1> to vector<64x256xi16>
      %slice3A_779 = vector.extract_strided_slice %ge3A_604 {offsets = [58, 0, 0], sizes = [1, 64, 256], strides = [1, 1, 1]} : vector<64x64x256xi1> to vector<1x64x256xi1>
      %squeeze3A_780 = vector.shape_cast %slice3A_779 : vector<1x64x256xi1> to vector<64x256xi1>
      %convert_element_type3A_781 = arith.extui %squeeze3A_780 : vector<64x256xi1> to vector<64x256xi16>
      %slice3A_782 = vector.extract_strided_slice %ge3A_604 {offsets = [59, 0, 0], sizes = [1, 64, 256], strides = [1, 1, 1]} : vector<64x64x256xi1> to vector<1x64x256xi1>
      %squeeze3A_783 = vector.shape_cast %slice3A_782 : vector<1x64x256xi1> to vector<64x256xi1>
      %convert_element_type3A_784 = arith.extui %squeeze3A_783 : vector<64x256xi1> to vector<64x256xi16>
      %slice3A_785 = vector.extract_strided_slice %ge3A_604 {offsets = [60, 0, 0], sizes = [1, 64, 256], strides = [1, 1, 1]} : vector<64x64x256xi1> to vector<1x64x256xi1>
      %squeeze3A_786 = vector.shape_cast %slice3A_785 : vector<1x64x256xi1> to vector<64x256xi1>
      %convert_element_type3A_787 = arith.extui %squeeze3A_786 : vector<64x256xi1> to vector<64x256xi16>
      %slice3A_788 = vector.extract_strided_slice %ge3A_604 {offsets = [61, 0, 0], sizes = [1, 64, 256], strides = [1, 1, 1]} : vector<64x64x256xi1> to vector<1x64x256xi1>
      %squeeze3A_789 = vector.shape_cast %slice3A_788 : vector<1x64x256xi1> to vector<64x256xi1>
      %convert_element_type3A_790 = arith.extui %squeeze3A_789 : vector<64x256xi1> to vector<64x256xi16>
      %slice3A_791 = vector.extract_strided_slice %ge3A_604 {offsets = [62, 0, 0], sizes = [1, 64, 256], strides = [1, 1, 1]} : vector<64x64x256xi1> to vector<1x64x256xi1>
      %squeeze3A_792 = vector.shape_cast %slice3A_791 : vector<1x64x256xi1> to vector<64x256xi1>
      %convert_element_type3A_793 = arith.extui %squeeze3A_792 : vector<64x256xi1> to vector<64x256xi16>
      %slice3A_794 = vector.extract_strided_slice %ge3A_604 {offsets = [63, 0, 0], sizes = [1, 64, 256], strides = [1, 1, 1]} : vector<64x64x256xi1> to vector<1x64x256xi1>
      %squeeze3A_795 = vector.shape_cast %slice3A_794 : vector<1x64x256xi1> to vector<64x256xi1>
      %convert_element_type3A_796 = arith.extui %squeeze3A_795 : vector<64x256xi1> to vector<64x256xi16>
      %add3A_797 = arith.addi %convert_element_type3A_607, %convert_element_type3A_610 : vector<64x256xi16>
      %add3A_798 = arith.addi %convert_element_type3A_613, %convert_element_type3A_616 : vector<64x256xi16>
      %add3A_799 = arith.addi %convert_element_type3A_619, %convert_element_type3A_622 : vector<64x256xi16>
      %add3A_800 = arith.addi %convert_element_type3A_625, %convert_element_type3A_628 : vector<64x256xi16>
      %add3A_801 = arith.addi %convert_element_type3A_631, %convert_element_type3A_634 : vector<64x256xi16>
      %add3A_802 = arith.addi %convert_element_type3A_637, %convert_element_type3A_640 : vector<64x256xi16>
      %add3A_803 = arith.addi %convert_element_type3A_643, %convert_element_type3A_646 : vector<64x256xi16>
      %add3A_804 = arith.addi %convert_element_type3A_649, %convert_element_type3A_652 : vector<64x256xi16>
      %add3A_805 = arith.addi %convert_element_type3A_655, %convert_element_type3A_658 : vector<64x256xi16>
      %add3A_806 = arith.addi %convert_element_type3A_661, %convert_element_type3A_664 : vector<64x256xi16>
      %add3A_807 = arith.addi %convert_element_type3A_667, %convert_element_type3A_670 : vector<64x256xi16>
      %add3A_808 = arith.addi %convert_element_type3A_673, %convert_element_type3A_676 : vector<64x256xi16>
      %add3A_809 = arith.addi %convert_element_type3A_679, %convert_element_type3A_682 : vector<64x256xi16>
      %add3A_810 = arith.addi %convert_element_type3A_685, %convert_element_type3A_688 : vector<64x256xi16>
      %add3A_811 = arith.addi %convert_element_type3A_691, %convert_element_type3A_694 : vector<64x256xi16>
      %add3A_812 = arith.addi %convert_element_type3A_697, %convert_element_type3A_700 : vector<64x256xi16>
      %add3A_813 = arith.addi %convert_element_type3A_703, %convert_element_type3A_706 : vector<64x256xi16>
      %add3A_814 = arith.addi %convert_element_type3A_709, %convert_element_type3A_712 : vector<64x256xi16>
      %add3A_815 = arith.addi %convert_element_type3A_715, %convert_element_type3A_718 : vector<64x256xi16>
      %add3A_816 = arith.addi %convert_element_type3A_721, %convert_element_type3A_724 : vector<64x256xi16>
      %add3A_817 = arith.addi %convert_element_type3A_727, %convert_element_type3A_730 : vector<64x256xi16>
      %add3A_818 = arith.addi %convert_element_type3A_733, %convert_element_type3A_736 : vector<64x256xi16>
      %add3A_819 = arith.addi %convert_element_type3A_739, %convert_element_type3A_742 : vector<64x256xi16>
      %add3A_820 = arith.addi %convert_element_type3A_745, %convert_element_type3A_748 : vector<64x256xi16>
      %add3A_821 = arith.addi %convert_element_type3A_751, %convert_element_type3A_754 : vector<64x256xi16>
      %add3A_822 = arith.addi %convert_element_type3A_757, %convert_element_type3A_760 : vector<64x256xi16>
      %add3A_823 = arith.addi %convert_element_type3A_763, %convert_element_type3A_766 : vector<64x256xi16>
      %add3A_824 = arith.addi %convert_element_type3A_769, %convert_element_type3A_772 : vector<64x256xi16>
      %add3A_825 = arith.addi %convert_element_type3A_775, %convert_element_type3A_778 : vector<64x256xi16>
      %add3A_826 = arith.addi %convert_element_type3A_781, %convert_element_type3A_784 : vector<64x256xi16>
      %add3A_827 = arith.addi %convert_element_type3A_787, %convert_element_type3A_790 : vector<64x256xi16>
      %add3A_828 = arith.addi %convert_element_type3A_793, %convert_element_type3A_796 : vector<64x256xi16>
      %add3A_829 = arith.addi %add3A_797, %add3A_798 : vector<64x256xi16>
      %add3A_830 = arith.addi %add3A_799, %add3A_800 : vector<64x256xi16>
      %add3A_831 = arith.addi %add3A_801, %add3A_802 : vector<64x256xi16>
      %add3A_832 = arith.addi %add3A_803, %add3A_804 : vector<64x256xi16>
      %add3A_833 = arith.addi %add3A_805, %add3A_806 : vector<64x256xi16>
      %add3A_834 = arith.addi %add3A_807, %add3A_808 : vector<64x256xi16>
      %add3A_835 = arith.addi %add3A_809, %add3A_810 : vector<64x256xi16>
      %add3A_836 = arith.addi %add3A_811, %add3A_812 : vector<64x256xi16>
      %add3A_837 = arith.addi %add3A_813, %add3A_814 : vector<64x256xi16>
      %add3A_838 = arith.addi %add3A_815, %add3A_816 : vector<64x256xi16>
      %add3A_839 = arith.addi %add3A_817, %add3A_818 : vector<64x256xi16>
      %add3A_840 = arith.addi %add3A_819, %add3A_820 : vector<64x256xi16>
      %add3A_841 = arith.addi %add3A_821, %add3A_822 : vector<64x256xi16>
      %add3A_842 = arith.addi %add3A_823, %add3A_824 : vector<64x256xi16>
      %add3A_843 = arith.addi %add3A_825, %add3A_826 : vector<64x256xi16>
      %add3A_844 = arith.addi %add3A_827, %add3A_828 : vector<64x256xi16>
      %add3A_845 = arith.addi %add3A_829, %add3A_830 : vector<64x256xi16>
      %add3A_846 = arith.addi %add3A_831, %add3A_832 : vector<64x256xi16>
      %add3A_847 = arith.addi %add3A_833, %add3A_834 : vector<64x256xi16>
      %add3A_848 = arith.addi %add3A_835, %add3A_836 : vector<64x256xi16>
      %add3A_849 = arith.addi %add3A_837, %add3A_838 : vector<64x256xi16>
      %add3A_850 = arith.addi %add3A_839, %add3A_840 : vector<64x256xi16>
      %add3A_851 = arith.addi %add3A_841, %add3A_842 : vector<64x256xi16>
      %add3A_852 = arith.addi %add3A_843, %add3A_844 : vector<64x256xi16>
      %add3A_853 = arith.addi %add3A_845, %add3A_846 : vector<64x256xi16>
      %add3A_854 = arith.addi %add3A_847, %add3A_848 : vector<64x256xi16>
      %add3A_855 = arith.addi %add3A_849, %add3A_850 : vector<64x256xi16>
      %add3A_856 = arith.addi %add3A_851, %add3A_852 : vector<64x256xi16>
      %add3A_857 = arith.addi %add3A_853, %add3A_854 : vector<64x256xi16>
      %add3A_858 = arith.addi %add3A_855, %add3A_856 : vector<64x256xi16>
      %add3A_859 = arith.addi %add3A_857, %add3A_858 : vector<64x256xi16>
      %convert_element_type3A_860 = arith.extsi %add3A_859 : vector<64x256xi16> to vector<64x256xi32>
      %reduce_sum3A_861 = arith.constant dense<0> : vector<256xi32>
      %reduce_sum3A_862 = vector.multi_reduction <add>, %convert_element_type3A_860, %reduce_sum3A_861 [0] : vector<64x256xi32> to vector<256xi32>
      %broadcast_in_dim3A_863 = vector.shape_cast %reduce_sum3A_862 : vector<256xi32> to vector<1x256xi32>
      %ge3A_864 = arith.constant 64 : i32
      %ge3A_865 = vector.broadcast %ge3A_864 : i32 to vector<1x256xi32>
      %ge3A_866 = arith.cmpi sge, %broadcast_in_dim3A_863, %ge3A_865 : vector<1x256xi32>
      %select_n3A_867 = arith.select %ge3A_866, %or3A_598, %scan3A_592 : vector<1x256xi1>, vector<1x256xi32>
      scf.yield %select_n3A_867 : vector<1x256xi32>
    }
    %scan3A_22 = arith.constant 16 : i32
    %sub3A_23 = arith.constant 32768 : i32
    %sub3A_24 = vector.broadcast %sub3A_23 : i32 to vector<1x256xi32>
    %sub3A_25 = arith.subi %scan3A_21, %sub3A_24 : vector<1x256xi32>
    %convert_element_type3A_26 = arith.trunci %sub3A_25 : vector<1x256xi32> to vector<1x256xi16>
    %reshape3A_27 = vector.shape_cast %convert_element_type3A_26 : vector<1x256xi16> to vector<1x1x256xi16>
    %gt3A = vector.broadcast %reshape3A_27 : vector<1x1x256xi16> to vector<64x64x256xi16>
    %gt3A_28 = arith.cmpi sgt, %reshape3A, %gt3A : vector<64x64x256xi16>
    %slice3A = vector.extract_strided_slice %gt3A_28 {offsets = [0, 0, 0], sizes = [1, 64, 256], strides = [1, 1, 1]} : vector<64x64x256xi1> to vector<1x64x256xi1>
    %squeeze3A = vector.shape_cast %slice3A : vector<1x64x256xi1> to vector<64x256xi1>
    %convert_element_type3A_29 = arith.extui %squeeze3A : vector<64x256xi1> to vector<64x256xi16>
    %slice3A_30 = vector.extract_strided_slice %gt3A_28 {offsets = [1, 0, 0], sizes = [1, 64, 256], strides = [1, 1, 1]} : vector<64x64x256xi1> to vector<1x64x256xi1>
    %squeeze3A_31 = vector.shape_cast %slice3A_30 : vector<1x64x256xi1> to vector<64x256xi1>
    %convert_element_type3A_32 = arith.extui %squeeze3A_31 : vector<64x256xi1> to vector<64x256xi16>
    %slice3A_33 = vector.extract_strided_slice %gt3A_28 {offsets = [2, 0, 0], sizes = [1, 64, 256], strides = [1, 1, 1]} : vector<64x64x256xi1> to vector<1x64x256xi1>
    %squeeze3A_34 = vector.shape_cast %slice3A_33 : vector<1x64x256xi1> to vector<64x256xi1>
    %convert_element_type3A_35 = arith.extui %squeeze3A_34 : vector<64x256xi1> to vector<64x256xi16>
    %slice3A_36 = vector.extract_strided_slice %gt3A_28 {offsets = [3, 0, 0], sizes = [1, 64, 256], strides = [1, 1, 1]} : vector<64x64x256xi1> to vector<1x64x256xi1>
    %squeeze3A_37 = vector.shape_cast %slice3A_36 : vector<1x64x256xi1> to vector<64x256xi1>
    %convert_element_type3A_38 = arith.extui %squeeze3A_37 : vector<64x256xi1> to vector<64x256xi16>
    %slice3A_39 = vector.extract_strided_slice %gt3A_28 {offsets = [4, 0, 0], sizes = [1, 64, 256], strides = [1, 1, 1]} : vector<64x64x256xi1> to vector<1x64x256xi1>
    %squeeze3A_40 = vector.shape_cast %slice3A_39 : vector<1x64x256xi1> to vector<64x256xi1>
    %convert_element_type3A_41 = arith.extui %squeeze3A_40 : vector<64x256xi1> to vector<64x256xi16>
    %slice3A_42 = vector.extract_strided_slice %gt3A_28 {offsets = [5, 0, 0], sizes = [1, 64, 256], strides = [1, 1, 1]} : vector<64x64x256xi1> to vector<1x64x256xi1>
    %squeeze3A_43 = vector.shape_cast %slice3A_42 : vector<1x64x256xi1> to vector<64x256xi1>
    %convert_element_type3A_44 = arith.extui %squeeze3A_43 : vector<64x256xi1> to vector<64x256xi16>
    %slice3A_45 = vector.extract_strided_slice %gt3A_28 {offsets = [6, 0, 0], sizes = [1, 64, 256], strides = [1, 1, 1]} : vector<64x64x256xi1> to vector<1x64x256xi1>
    %squeeze3A_46 = vector.shape_cast %slice3A_45 : vector<1x64x256xi1> to vector<64x256xi1>
    %convert_element_type3A_47 = arith.extui %squeeze3A_46 : vector<64x256xi1> to vector<64x256xi16>
    %slice3A_48 = vector.extract_strided_slice %gt3A_28 {offsets = [7, 0, 0], sizes = [1, 64, 256], strides = [1, 1, 1]} : vector<64x64x256xi1> to vector<1x64x256xi1>
    %squeeze3A_49 = vector.shape_cast %slice3A_48 : vector<1x64x256xi1> to vector<64x256xi1>
    %convert_element_type3A_50 = arith.extui %squeeze3A_49 : vector<64x256xi1> to vector<64x256xi16>
    %slice3A_51 = vector.extract_strided_slice %gt3A_28 {offsets = [8, 0, 0], sizes = [1, 64, 256], strides = [1, 1, 1]} : vector<64x64x256xi1> to vector<1x64x256xi1>
    %squeeze3A_52 = vector.shape_cast %slice3A_51 : vector<1x64x256xi1> to vector<64x256xi1>
    %convert_element_type3A_53 = arith.extui %squeeze3A_52 : vector<64x256xi1> to vector<64x256xi16>
    %slice3A_54 = vector.extract_strided_slice %gt3A_28 {offsets = [9, 0, 0], sizes = [1, 64, 256], strides = [1, 1, 1]} : vector<64x64x256xi1> to vector<1x64x256xi1>
    %squeeze3A_55 = vector.shape_cast %slice3A_54 : vector<1x64x256xi1> to vector<64x256xi1>
    %convert_element_type3A_56 = arith.extui %squeeze3A_55 : vector<64x256xi1> to vector<64x256xi16>
    %slice3A_57 = vector.extract_strided_slice %gt3A_28 {offsets = [10, 0, 0], sizes = [1, 64, 256], strides = [1, 1, 1]} : vector<64x64x256xi1> to vector<1x64x256xi1>
    %squeeze3A_58 = vector.shape_cast %slice3A_57 : vector<1x64x256xi1> to vector<64x256xi1>
    %convert_element_type3A_59 = arith.extui %squeeze3A_58 : vector<64x256xi1> to vector<64x256xi16>
    %slice3A_60 = vector.extract_strided_slice %gt3A_28 {offsets = [11, 0, 0], sizes = [1, 64, 256], strides = [1, 1, 1]} : vector<64x64x256xi1> to vector<1x64x256xi1>
    %squeeze3A_61 = vector.shape_cast %slice3A_60 : vector<1x64x256xi1> to vector<64x256xi1>
    %convert_element_type3A_62 = arith.extui %squeeze3A_61 : vector<64x256xi1> to vector<64x256xi16>
    %slice3A_63 = vector.extract_strided_slice %gt3A_28 {offsets = [12, 0, 0], sizes = [1, 64, 256], strides = [1, 1, 1]} : vector<64x64x256xi1> to vector<1x64x256xi1>
    %squeeze3A_64 = vector.shape_cast %slice3A_63 : vector<1x64x256xi1> to vector<64x256xi1>
    %convert_element_type3A_65 = arith.extui %squeeze3A_64 : vector<64x256xi1> to vector<64x256xi16>
    %slice3A_66 = vector.extract_strided_slice %gt3A_28 {offsets = [13, 0, 0], sizes = [1, 64, 256], strides = [1, 1, 1]} : vector<64x64x256xi1> to vector<1x64x256xi1>
    %squeeze3A_67 = vector.shape_cast %slice3A_66 : vector<1x64x256xi1> to vector<64x256xi1>
    %convert_element_type3A_68 = arith.extui %squeeze3A_67 : vector<64x256xi1> to vector<64x256xi16>
    %slice3A_69 = vector.extract_strided_slice %gt3A_28 {offsets = [14, 0, 0], sizes = [1, 64, 256], strides = [1, 1, 1]} : vector<64x64x256xi1> to vector<1x64x256xi1>
    %squeeze3A_70 = vector.shape_cast %slice3A_69 : vector<1x64x256xi1> to vector<64x256xi1>
    %convert_element_type3A_71 = arith.extui %squeeze3A_70 : vector<64x256xi1> to vector<64x256xi16>
    %slice3A_72 = vector.extract_strided_slice %gt3A_28 {offsets = [15, 0, 0], sizes = [1, 64, 256], strides = [1, 1, 1]} : vector<64x64x256xi1> to vector<1x64x256xi1>
    %squeeze3A_73 = vector.shape_cast %slice3A_72 : vector<1x64x256xi1> to vector<64x256xi1>
    %convert_element_type3A_74 = arith.extui %squeeze3A_73 : vector<64x256xi1> to vector<64x256xi16>
    %slice3A_75 = vector.extract_strided_slice %gt3A_28 {offsets = [16, 0, 0], sizes = [1, 64, 256], strides = [1, 1, 1]} : vector<64x64x256xi1> to vector<1x64x256xi1>
    %squeeze3A_76 = vector.shape_cast %slice3A_75 : vector<1x64x256xi1> to vector<64x256xi1>
    %convert_element_type3A_77 = arith.extui %squeeze3A_76 : vector<64x256xi1> to vector<64x256xi16>
    %slice3A_78 = vector.extract_strided_slice %gt3A_28 {offsets = [17, 0, 0], sizes = [1, 64, 256], strides = [1, 1, 1]} : vector<64x64x256xi1> to vector<1x64x256xi1>
    %squeeze3A_79 = vector.shape_cast %slice3A_78 : vector<1x64x256xi1> to vector<64x256xi1>
    %convert_element_type3A_80 = arith.extui %squeeze3A_79 : vector<64x256xi1> to vector<64x256xi16>
    %slice3A_81 = vector.extract_strided_slice %gt3A_28 {offsets = [18, 0, 0], sizes = [1, 64, 256], strides = [1, 1, 1]} : vector<64x64x256xi1> to vector<1x64x256xi1>
    %squeeze3A_82 = vector.shape_cast %slice3A_81 : vector<1x64x256xi1> to vector<64x256xi1>
    %convert_element_type3A_83 = arith.extui %squeeze3A_82 : vector<64x256xi1> to vector<64x256xi16>
    %slice3A_84 = vector.extract_strided_slice %gt3A_28 {offsets = [19, 0, 0], sizes = [1, 64, 256], strides = [1, 1, 1]} : vector<64x64x256xi1> to vector<1x64x256xi1>
    %squeeze3A_85 = vector.shape_cast %slice3A_84 : vector<1x64x256xi1> to vector<64x256xi1>
    %convert_element_type3A_86 = arith.extui %squeeze3A_85 : vector<64x256xi1> to vector<64x256xi16>
    %slice3A_87 = vector.extract_strided_slice %gt3A_28 {offsets = [20, 0, 0], sizes = [1, 64, 256], strides = [1, 1, 1]} : vector<64x64x256xi1> to vector<1x64x256xi1>
    %squeeze3A_88 = vector.shape_cast %slice3A_87 : vector<1x64x256xi1> to vector<64x256xi1>
    %convert_element_type3A_89 = arith.extui %squeeze3A_88 : vector<64x256xi1> to vector<64x256xi16>
    %slice3A_90 = vector.extract_strided_slice %gt3A_28 {offsets = [21, 0, 0], sizes = [1, 64, 256], strides = [1, 1, 1]} : vector<64x64x256xi1> to vector<1x64x256xi1>
    %squeeze3A_91 = vector.shape_cast %slice3A_90 : vector<1x64x256xi1> to vector<64x256xi1>
    %convert_element_type3A_92 = arith.extui %squeeze3A_91 : vector<64x256xi1> to vector<64x256xi16>
    %slice3A_93 = vector.extract_strided_slice %gt3A_28 {offsets = [22, 0, 0], sizes = [1, 64, 256], strides = [1, 1, 1]} : vector<64x64x256xi1> to vector<1x64x256xi1>
    %squeeze3A_94 = vector.shape_cast %slice3A_93 : vector<1x64x256xi1> to vector<64x256xi1>
    %convert_element_type3A_95 = arith.extui %squeeze3A_94 : vector<64x256xi1> to vector<64x256xi16>
    %slice3A_96 = vector.extract_strided_slice %gt3A_28 {offsets = [23, 0, 0], sizes = [1, 64, 256], strides = [1, 1, 1]} : vector<64x64x256xi1> to vector<1x64x256xi1>
    %squeeze3A_97 = vector.shape_cast %slice3A_96 : vector<1x64x256xi1> to vector<64x256xi1>
    %convert_element_type3A_98 = arith.extui %squeeze3A_97 : vector<64x256xi1> to vector<64x256xi16>
    %slice3A_99 = vector.extract_strided_slice %gt3A_28 {offsets = [24, 0, 0], sizes = [1, 64, 256], strides = [1, 1, 1]} : vector<64x64x256xi1> to vector<1x64x256xi1>
    %squeeze3A_100 = vector.shape_cast %slice3A_99 : vector<1x64x256xi1> to vector<64x256xi1>
    %convert_element_type3A_101 = arith.extui %squeeze3A_100 : vector<64x256xi1> to vector<64x256xi16>
    %slice3A_102 = vector.extract_strided_slice %gt3A_28 {offsets = [25, 0, 0], sizes = [1, 64, 256], strides = [1, 1, 1]} : vector<64x64x256xi1> to vector<1x64x256xi1>
    %squeeze3A_103 = vector.shape_cast %slice3A_102 : vector<1x64x256xi1> to vector<64x256xi1>
    %convert_element_type3A_104 = arith.extui %squeeze3A_103 : vector<64x256xi1> to vector<64x256xi16>
    %slice3A_105 = vector.extract_strided_slice %gt3A_28 {offsets = [26, 0, 0], sizes = [1, 64, 256], strides = [1, 1, 1]} : vector<64x64x256xi1> to vector<1x64x256xi1>
    %squeeze3A_106 = vector.shape_cast %slice3A_105 : vector<1x64x256xi1> to vector<64x256xi1>
    %convert_element_type3A_107 = arith.extui %squeeze3A_106 : vector<64x256xi1> to vector<64x256xi16>
    %slice3A_108 = vector.extract_strided_slice %gt3A_28 {offsets = [27, 0, 0], sizes = [1, 64, 256], strides = [1, 1, 1]} : vector<64x64x256xi1> to vector<1x64x256xi1>
    %squeeze3A_109 = vector.shape_cast %slice3A_108 : vector<1x64x256xi1> to vector<64x256xi1>
    %convert_element_type3A_110 = arith.extui %squeeze3A_109 : vector<64x256xi1> to vector<64x256xi16>
    %slice3A_111 = vector.extract_strided_slice %gt3A_28 {offsets = [28, 0, 0], sizes = [1, 64, 256], strides = [1, 1, 1]} : vector<64x64x256xi1> to vector<1x64x256xi1>
    %squeeze3A_112 = vector.shape_cast %slice3A_111 : vector<1x64x256xi1> to vector<64x256xi1>
    %convert_element_type3A_113 = arith.extui %squeeze3A_112 : vector<64x256xi1> to vector<64x256xi16>
    %slice3A_114 = vector.extract_strided_slice %gt3A_28 {offsets = [29, 0, 0], sizes = [1, 64, 256], strides = [1, 1, 1]} : vector<64x64x256xi1> to vector<1x64x256xi1>
    %squeeze3A_115 = vector.shape_cast %slice3A_114 : vector<1x64x256xi1> to vector<64x256xi1>
    %convert_element_type3A_116 = arith.extui %squeeze3A_115 : vector<64x256xi1> to vector<64x256xi16>
    %slice3A_117 = vector.extract_strided_slice %gt3A_28 {offsets = [30, 0, 0], sizes = [1, 64, 256], strides = [1, 1, 1]} : vector<64x64x256xi1> to vector<1x64x256xi1>
    %squeeze3A_118 = vector.shape_cast %slice3A_117 : vector<1x64x256xi1> to vector<64x256xi1>
    %convert_element_type3A_119 = arith.extui %squeeze3A_118 : vector<64x256xi1> to vector<64x256xi16>
    %slice3A_120 = vector.extract_strided_slice %gt3A_28 {offsets = [31, 0, 0], sizes = [1, 64, 256], strides = [1, 1, 1]} : vector<64x64x256xi1> to vector<1x64x256xi1>
    %squeeze3A_121 = vector.shape_cast %slice3A_120 : vector<1x64x256xi1> to vector<64x256xi1>
    %convert_element_type3A_122 = arith.extui %squeeze3A_121 : vector<64x256xi1> to vector<64x256xi16>
    %slice3A_123 = vector.extract_strided_slice %gt3A_28 {offsets = [32, 0, 0], sizes = [1, 64, 256], strides = [1, 1, 1]} : vector<64x64x256xi1> to vector<1x64x256xi1>
    %squeeze3A_124 = vector.shape_cast %slice3A_123 : vector<1x64x256xi1> to vector<64x256xi1>
    %convert_element_type3A_125 = arith.extui %squeeze3A_124 : vector<64x256xi1> to vector<64x256xi16>
    %slice3A_126 = vector.extract_strided_slice %gt3A_28 {offsets = [33, 0, 0], sizes = [1, 64, 256], strides = [1, 1, 1]} : vector<64x64x256xi1> to vector<1x64x256xi1>
    %squeeze3A_127 = vector.shape_cast %slice3A_126 : vector<1x64x256xi1> to vector<64x256xi1>
    %convert_element_type3A_128 = arith.extui %squeeze3A_127 : vector<64x256xi1> to vector<64x256xi16>
    %slice3A_129 = vector.extract_strided_slice %gt3A_28 {offsets = [34, 0, 0], sizes = [1, 64, 256], strides = [1, 1, 1]} : vector<64x64x256xi1> to vector<1x64x256xi1>
    %squeeze3A_130 = vector.shape_cast %slice3A_129 : vector<1x64x256xi1> to vector<64x256xi1>
    %convert_element_type3A_131 = arith.extui %squeeze3A_130 : vector<64x256xi1> to vector<64x256xi16>
    %slice3A_132 = vector.extract_strided_slice %gt3A_28 {offsets = [35, 0, 0], sizes = [1, 64, 256], strides = [1, 1, 1]} : vector<64x64x256xi1> to vector<1x64x256xi1>
    %squeeze3A_133 = vector.shape_cast %slice3A_132 : vector<1x64x256xi1> to vector<64x256xi1>
    %convert_element_type3A_134 = arith.extui %squeeze3A_133 : vector<64x256xi1> to vector<64x256xi16>
    %slice3A_135 = vector.extract_strided_slice %gt3A_28 {offsets = [36, 0, 0], sizes = [1, 64, 256], strides = [1, 1, 1]} : vector<64x64x256xi1> to vector<1x64x256xi1>
    %squeeze3A_136 = vector.shape_cast %slice3A_135 : vector<1x64x256xi1> to vector<64x256xi1>
    %convert_element_type3A_137 = arith.extui %squeeze3A_136 : vector<64x256xi1> to vector<64x256xi16>
    %slice3A_138 = vector.extract_strided_slice %gt3A_28 {offsets = [37, 0, 0], sizes = [1, 64, 256], strides = [1, 1, 1]} : vector<64x64x256xi1> to vector<1x64x256xi1>
    %squeeze3A_139 = vector.shape_cast %slice3A_138 : vector<1x64x256xi1> to vector<64x256xi1>
    %convert_element_type3A_140 = arith.extui %squeeze3A_139 : vector<64x256xi1> to vector<64x256xi16>
    %slice3A_141 = vector.extract_strided_slice %gt3A_28 {offsets = [38, 0, 0], sizes = [1, 64, 256], strides = [1, 1, 1]} : vector<64x64x256xi1> to vector<1x64x256xi1>
    %squeeze3A_142 = vector.shape_cast %slice3A_141 : vector<1x64x256xi1> to vector<64x256xi1>
    %convert_element_type3A_143 = arith.extui %squeeze3A_142 : vector<64x256xi1> to vector<64x256xi16>
    %slice3A_144 = vector.extract_strided_slice %gt3A_28 {offsets = [39, 0, 0], sizes = [1, 64, 256], strides = [1, 1, 1]} : vector<64x64x256xi1> to vector<1x64x256xi1>
    %squeeze3A_145 = vector.shape_cast %slice3A_144 : vector<1x64x256xi1> to vector<64x256xi1>
    %convert_element_type3A_146 = arith.extui %squeeze3A_145 : vector<64x256xi1> to vector<64x256xi16>
    %slice3A_147 = vector.extract_strided_slice %gt3A_28 {offsets = [40, 0, 0], sizes = [1, 64, 256], strides = [1, 1, 1]} : vector<64x64x256xi1> to vector<1x64x256xi1>
    %squeeze3A_148 = vector.shape_cast %slice3A_147 : vector<1x64x256xi1> to vector<64x256xi1>
    %convert_element_type3A_149 = arith.extui %squeeze3A_148 : vector<64x256xi1> to vector<64x256xi16>
    %slice3A_150 = vector.extract_strided_slice %gt3A_28 {offsets = [41, 0, 0], sizes = [1, 64, 256], strides = [1, 1, 1]} : vector<64x64x256xi1> to vector<1x64x256xi1>
    %squeeze3A_151 = vector.shape_cast %slice3A_150 : vector<1x64x256xi1> to vector<64x256xi1>
    %convert_element_type3A_152 = arith.extui %squeeze3A_151 : vector<64x256xi1> to vector<64x256xi16>
    %slice3A_153 = vector.extract_strided_slice %gt3A_28 {offsets = [42, 0, 0], sizes = [1, 64, 256], strides = [1, 1, 1]} : vector<64x64x256xi1> to vector<1x64x256xi1>
    %squeeze3A_154 = vector.shape_cast %slice3A_153 : vector<1x64x256xi1> to vector<64x256xi1>
    %convert_element_type3A_155 = arith.extui %squeeze3A_154 : vector<64x256xi1> to vector<64x256xi16>
    %slice3A_156 = vector.extract_strided_slice %gt3A_28 {offsets = [43, 0, 0], sizes = [1, 64, 256], strides = [1, 1, 1]} : vector<64x64x256xi1> to vector<1x64x256xi1>
    %squeeze3A_157 = vector.shape_cast %slice3A_156 : vector<1x64x256xi1> to vector<64x256xi1>
    %convert_element_type3A_158 = arith.extui %squeeze3A_157 : vector<64x256xi1> to vector<64x256xi16>
    %slice3A_159 = vector.extract_strided_slice %gt3A_28 {offsets = [44, 0, 0], sizes = [1, 64, 256], strides = [1, 1, 1]} : vector<64x64x256xi1> to vector<1x64x256xi1>
    %squeeze3A_160 = vector.shape_cast %slice3A_159 : vector<1x64x256xi1> to vector<64x256xi1>
    %convert_element_type3A_161 = arith.extui %squeeze3A_160 : vector<64x256xi1> to vector<64x256xi16>
    %slice3A_162 = vector.extract_strided_slice %gt3A_28 {offsets = [45, 0, 0], sizes = [1, 64, 256], strides = [1, 1, 1]} : vector<64x64x256xi1> to vector<1x64x256xi1>
    %squeeze3A_163 = vector.shape_cast %slice3A_162 : vector<1x64x256xi1> to vector<64x256xi1>
    %convert_element_type3A_164 = arith.extui %squeeze3A_163 : vector<64x256xi1> to vector<64x256xi16>
    %slice3A_165 = vector.extract_strided_slice %gt3A_28 {offsets = [46, 0, 0], sizes = [1, 64, 256], strides = [1, 1, 1]} : vector<64x64x256xi1> to vector<1x64x256xi1>
    %squeeze3A_166 = vector.shape_cast %slice3A_165 : vector<1x64x256xi1> to vector<64x256xi1>
    %convert_element_type3A_167 = arith.extui %squeeze3A_166 : vector<64x256xi1> to vector<64x256xi16>
    %slice3A_168 = vector.extract_strided_slice %gt3A_28 {offsets = [47, 0, 0], sizes = [1, 64, 256], strides = [1, 1, 1]} : vector<64x64x256xi1> to vector<1x64x256xi1>
    %squeeze3A_169 = vector.shape_cast %slice3A_168 : vector<1x64x256xi1> to vector<64x256xi1>
    %convert_element_type3A_170 = arith.extui %squeeze3A_169 : vector<64x256xi1> to vector<64x256xi16>
    %slice3A_171 = vector.extract_strided_slice %gt3A_28 {offsets = [48, 0, 0], sizes = [1, 64, 256], strides = [1, 1, 1]} : vector<64x64x256xi1> to vector<1x64x256xi1>
    %squeeze3A_172 = vector.shape_cast %slice3A_171 : vector<1x64x256xi1> to vector<64x256xi1>
    %convert_element_type3A_173 = arith.extui %squeeze3A_172 : vector<64x256xi1> to vector<64x256xi16>
    %slice3A_174 = vector.extract_strided_slice %gt3A_28 {offsets = [49, 0, 0], sizes = [1, 64, 256], strides = [1, 1, 1]} : vector<64x64x256xi1> to vector<1x64x256xi1>
    %squeeze3A_175 = vector.shape_cast %slice3A_174 : vector<1x64x256xi1> to vector<64x256xi1>
    %convert_element_type3A_176 = arith.extui %squeeze3A_175 : vector<64x256xi1> to vector<64x256xi16>
    %slice3A_177 = vector.extract_strided_slice %gt3A_28 {offsets = [50, 0, 0], sizes = [1, 64, 256], strides = [1, 1, 1]} : vector<64x64x256xi1> to vector<1x64x256xi1>
    %squeeze3A_178 = vector.shape_cast %slice3A_177 : vector<1x64x256xi1> to vector<64x256xi1>
    %convert_element_type3A_179 = arith.extui %squeeze3A_178 : vector<64x256xi1> to vector<64x256xi16>
    %slice3A_180 = vector.extract_strided_slice %gt3A_28 {offsets = [51, 0, 0], sizes = [1, 64, 256], strides = [1, 1, 1]} : vector<64x64x256xi1> to vector<1x64x256xi1>
    %squeeze3A_181 = vector.shape_cast %slice3A_180 : vector<1x64x256xi1> to vector<64x256xi1>
    %convert_element_type3A_182 = arith.extui %squeeze3A_181 : vector<64x256xi1> to vector<64x256xi16>
    %slice3A_183 = vector.extract_strided_slice %gt3A_28 {offsets = [52, 0, 0], sizes = [1, 64, 256], strides = [1, 1, 1]} : vector<64x64x256xi1> to vector<1x64x256xi1>
    %squeeze3A_184 = vector.shape_cast %slice3A_183 : vector<1x64x256xi1> to vector<64x256xi1>
    %convert_element_type3A_185 = arith.extui %squeeze3A_184 : vector<64x256xi1> to vector<64x256xi16>
    %slice3A_186 = vector.extract_strided_slice %gt3A_28 {offsets = [53, 0, 0], sizes = [1, 64, 256], strides = [1, 1, 1]} : vector<64x64x256xi1> to vector<1x64x256xi1>
    %squeeze3A_187 = vector.shape_cast %slice3A_186 : vector<1x64x256xi1> to vector<64x256xi1>
    %convert_element_type3A_188 = arith.extui %squeeze3A_187 : vector<64x256xi1> to vector<64x256xi16>
    %slice3A_189 = vector.extract_strided_slice %gt3A_28 {offsets = [54, 0, 0], sizes = [1, 64, 256], strides = [1, 1, 1]} : vector<64x64x256xi1> to vector<1x64x256xi1>
    %squeeze3A_190 = vector.shape_cast %slice3A_189 : vector<1x64x256xi1> to vector<64x256xi1>
    %convert_element_type3A_191 = arith.extui %squeeze3A_190 : vector<64x256xi1> to vector<64x256xi16>
    %slice3A_192 = vector.extract_strided_slice %gt3A_28 {offsets = [55, 0, 0], sizes = [1, 64, 256], strides = [1, 1, 1]} : vector<64x64x256xi1> to vector<1x64x256xi1>
    %squeeze3A_193 = vector.shape_cast %slice3A_192 : vector<1x64x256xi1> to vector<64x256xi1>
    %convert_element_type3A_194 = arith.extui %squeeze3A_193 : vector<64x256xi1> to vector<64x256xi16>
    %slice3A_195 = vector.extract_strided_slice %gt3A_28 {offsets = [56, 0, 0], sizes = [1, 64, 256], strides = [1, 1, 1]} : vector<64x64x256xi1> to vector<1x64x256xi1>
    %squeeze3A_196 = vector.shape_cast %slice3A_195 : vector<1x64x256xi1> to vector<64x256xi1>
    %convert_element_type3A_197 = arith.extui %squeeze3A_196 : vector<64x256xi1> to vector<64x256xi16>
    %slice3A_198 = vector.extract_strided_slice %gt3A_28 {offsets = [57, 0, 0], sizes = [1, 64, 256], strides = [1, 1, 1]} : vector<64x64x256xi1> to vector<1x64x256xi1>
    %squeeze3A_199 = vector.shape_cast %slice3A_198 : vector<1x64x256xi1> to vector<64x256xi1>
    %convert_element_type3A_200 = arith.extui %squeeze3A_199 : vector<64x256xi1> to vector<64x256xi16>
    %slice3A_201 = vector.extract_strided_slice %gt3A_28 {offsets = [58, 0, 0], sizes = [1, 64, 256], strides = [1, 1, 1]} : vector<64x64x256xi1> to vector<1x64x256xi1>
    %squeeze3A_202 = vector.shape_cast %slice3A_201 : vector<1x64x256xi1> to vector<64x256xi1>
    %convert_element_type3A_203 = arith.extui %squeeze3A_202 : vector<64x256xi1> to vector<64x256xi16>
    %slice3A_204 = vector.extract_strided_slice %gt3A_28 {offsets = [59, 0, 0], sizes = [1, 64, 256], strides = [1, 1, 1]} : vector<64x64x256xi1> to vector<1x64x256xi1>
    %squeeze3A_205 = vector.shape_cast %slice3A_204 : vector<1x64x256xi1> to vector<64x256xi1>
    %convert_element_type3A_206 = arith.extui %squeeze3A_205 : vector<64x256xi1> to vector<64x256xi16>
    %slice3A_207 = vector.extract_strided_slice %gt3A_28 {offsets = [60, 0, 0], sizes = [1, 64, 256], strides = [1, 1, 1]} : vector<64x64x256xi1> to vector<1x64x256xi1>
    %squeeze3A_208 = vector.shape_cast %slice3A_207 : vector<1x64x256xi1> to vector<64x256xi1>
    %convert_element_type3A_209 = arith.extui %squeeze3A_208 : vector<64x256xi1> to vector<64x256xi16>
    %slice3A_210 = vector.extract_strided_slice %gt3A_28 {offsets = [61, 0, 0], sizes = [1, 64, 256], strides = [1, 1, 1]} : vector<64x64x256xi1> to vector<1x64x256xi1>
    %squeeze3A_211 = vector.shape_cast %slice3A_210 : vector<1x64x256xi1> to vector<64x256xi1>
    %convert_element_type3A_212 = arith.extui %squeeze3A_211 : vector<64x256xi1> to vector<64x256xi16>
    %slice3A_213 = vector.extract_strided_slice %gt3A_28 {offsets = [62, 0, 0], sizes = [1, 64, 256], strides = [1, 1, 1]} : vector<64x64x256xi1> to vector<1x64x256xi1>
    %squeeze3A_214 = vector.shape_cast %slice3A_213 : vector<1x64x256xi1> to vector<64x256xi1>
    %convert_element_type3A_215 = arith.extui %squeeze3A_214 : vector<64x256xi1> to vector<64x256xi16>
    %slice3A_216 = vector.extract_strided_slice %gt3A_28 {offsets = [63, 0, 0], sizes = [1, 64, 256], strides = [1, 1, 1]} : vector<64x64x256xi1> to vector<1x64x256xi1>
    %squeeze3A_217 = vector.shape_cast %slice3A_216 : vector<1x64x256xi1> to vector<64x256xi1>
    %convert_element_type3A_218 = arith.extui %squeeze3A_217 : vector<64x256xi1> to vector<64x256xi16>
    %add3A = arith.addi %convert_element_type3A_29, %convert_element_type3A_32 : vector<64x256xi16>
    %add3A_219 = arith.addi %convert_element_type3A_35, %convert_element_type3A_38 : vector<64x256xi16>
    %add3A_220 = arith.addi %convert_element_type3A_41, %convert_element_type3A_44 : vector<64x256xi16>
    %add3A_221 = arith.addi %convert_element_type3A_47, %convert_element_type3A_50 : vector<64x256xi16>
    %add3A_222 = arith.addi %convert_element_type3A_53, %convert_element_type3A_56 : vector<64x256xi16>
    %add3A_223 = arith.addi %convert_element_type3A_59, %convert_element_type3A_62 : vector<64x256xi16>
    %add3A_224 = arith.addi %convert_element_type3A_65, %convert_element_type3A_68 : vector<64x256xi16>
    %add3A_225 = arith.addi %convert_element_type3A_71, %convert_element_type3A_74 : vector<64x256xi16>
    %add3A_226 = arith.addi %convert_element_type3A_77, %convert_element_type3A_80 : vector<64x256xi16>
    %add3A_227 = arith.addi %convert_element_type3A_83, %convert_element_type3A_86 : vector<64x256xi16>
    %add3A_228 = arith.addi %convert_element_type3A_89, %convert_element_type3A_92 : vector<64x256xi16>
    %add3A_229 = arith.addi %convert_element_type3A_95, %convert_element_type3A_98 : vector<64x256xi16>
    %add3A_230 = arith.addi %convert_element_type3A_101, %convert_element_type3A_104 : vector<64x256xi16>
    %add3A_231 = arith.addi %convert_element_type3A_107, %convert_element_type3A_110 : vector<64x256xi16>
    %add3A_232 = arith.addi %convert_element_type3A_113, %convert_element_type3A_116 : vector<64x256xi16>
    %add3A_233 = arith.addi %convert_element_type3A_119, %convert_element_type3A_122 : vector<64x256xi16>
    %add3A_234 = arith.addi %convert_element_type3A_125, %convert_element_type3A_128 : vector<64x256xi16>
    %add3A_235 = arith.addi %convert_element_type3A_131, %convert_element_type3A_134 : vector<64x256xi16>
    %add3A_236 = arith.addi %convert_element_type3A_137, %convert_element_type3A_140 : vector<64x256xi16>
    %add3A_237 = arith.addi %convert_element_type3A_143, %convert_element_type3A_146 : vector<64x256xi16>
    %add3A_238 = arith.addi %convert_element_type3A_149, %convert_element_type3A_152 : vector<64x256xi16>
    %add3A_239 = arith.addi %convert_element_type3A_155, %convert_element_type3A_158 : vector<64x256xi16>
    %add3A_240 = arith.addi %convert_element_type3A_161, %convert_element_type3A_164 : vector<64x256xi16>
    %add3A_241 = arith.addi %convert_element_type3A_167, %convert_element_type3A_170 : vector<64x256xi16>
    %add3A_242 = arith.addi %convert_element_type3A_173, %convert_element_type3A_176 : vector<64x256xi16>
    %add3A_243 = arith.addi %convert_element_type3A_179, %convert_element_type3A_182 : vector<64x256xi16>
    %add3A_244 = arith.addi %convert_element_type3A_185, %convert_element_type3A_188 : vector<64x256xi16>
    %add3A_245 = arith.addi %convert_element_type3A_191, %convert_element_type3A_194 : vector<64x256xi16>
    %add3A_246 = arith.addi %convert_element_type3A_197, %convert_element_type3A_200 : vector<64x256xi16>
    %add3A_247 = arith.addi %convert_element_type3A_203, %convert_element_type3A_206 : vector<64x256xi16>
    %add3A_248 = arith.addi %convert_element_type3A_209, %convert_element_type3A_212 : vector<64x256xi16>
    %add3A_249 = arith.addi %convert_element_type3A_215, %convert_element_type3A_218 : vector<64x256xi16>
    %add3A_250 = arith.addi %add3A, %add3A_219 : vector<64x256xi16>
    %add3A_251 = arith.addi %add3A_220, %add3A_221 : vector<64x256xi16>
    %add3A_252 = arith.addi %add3A_222, %add3A_223 : vector<64x256xi16>
    %add3A_253 = arith.addi %add3A_224, %add3A_225 : vector<64x256xi16>
    %add3A_254 = arith.addi %add3A_226, %add3A_227 : vector<64x256xi16>
    %add3A_255 = arith.addi %add3A_228, %add3A_229 : vector<64x256xi16>
    %add3A_256 = arith.addi %add3A_230, %add3A_231 : vector<64x256xi16>
    %add3A_257 = arith.addi %add3A_232, %add3A_233 : vector<64x256xi16>
    %add3A_258 = arith.addi %add3A_234, %add3A_235 : vector<64x256xi16>
    %add3A_259 = arith.addi %add3A_236, %add3A_237 : vector<64x256xi16>
    %add3A_260 = arith.addi %add3A_238, %add3A_239 : vector<64x256xi16>
    %add3A_261 = arith.addi %add3A_240, %add3A_241 : vector<64x256xi16>
    %add3A_262 = arith.addi %add3A_242, %add3A_243 : vector<64x256xi16>
    %add3A_263 = arith.addi %add3A_244, %add3A_245 : vector<64x256xi16>
    %add3A_264 = arith.addi %add3A_246, %add3A_247 : vector<64x256xi16>
    %add3A_265 = arith.addi %add3A_248, %add3A_249 : vector<64x256xi16>
    %add3A_266 = arith.addi %add3A_250, %add3A_251 : vector<64x256xi16>
    %add3A_267 = arith.addi %add3A_252, %add3A_253 : vector<64x256xi16>
    %add3A_268 = arith.addi %add3A_254, %add3A_255 : vector<64x256xi16>
    %add3A_269 = arith.addi %add3A_256, %add3A_257 : vector<64x256xi16>
    %add3A_270 = arith.addi %add3A_258, %add3A_259 : vector<64x256xi16>
    %add3A_271 = arith.addi %add3A_260, %add3A_261 : vector<64x256xi16>
    %add3A_272 = arith.addi %add3A_262, %add3A_263 : vector<64x256xi16>
    %add3A_273 = arith.addi %add3A_264, %add3A_265 : vector<64x256xi16>
    %add3A_274 = arith.addi %add3A_266, %add3A_267 : vector<64x256xi16>
    %add3A_275 = arith.addi %add3A_268, %add3A_269 : vector<64x256xi16>
    %add3A_276 = arith.addi %add3A_270, %add3A_271 : vector<64x256xi16>
    %add3A_277 = arith.addi %add3A_272, %add3A_273 : vector<64x256xi16>
    %add3A_278 = arith.addi %add3A_274, %add3A_275 : vector<64x256xi16>
    %add3A_279 = arith.addi %add3A_276, %add3A_277 : vector<64x256xi16>
    %add3A_280 = arith.addi %add3A_278, %add3A_279 : vector<64x256xi16>
    %convert_element_type3A_281 = arith.extsi %add3A_280 : vector<64x256xi16> to vector<64x256xi32>
    %reduce_sum3A = arith.constant dense<0> : vector<256xi32>
    %reduce_sum3A_282 = vector.multi_reduction <add>, %convert_element_type3A_281, %reduce_sum3A [0] : vector<64x256xi32> to vector<256xi32>
    %broadcast_in_dim3A_283 = vector.shape_cast %reduce_sum3A_282 : vector<256xi32> to vector<1x256xi32>
    %sub3A_284 = arith.constant 64 : i32
    %sub3A_285 = vector.broadcast %sub3A_284 : i32 to vector<1x256xi32>
    %sub3A_286 = arith.subi %sub3A_285, %broadcast_in_dim3A_283 : vector<1x256xi32>
    %eq3A = vector.broadcast %reshape3A_27 : vector<1x1x256xi16> to vector<64x64x256xi16>
    %eq3A_287 = arith.cmpi eq, %reshape3A, %eq3A : vector<64x64x256xi16>
    %jit3A = arith.constant -32768 : i16
    %broadcast_in_dim3A_288 = vector.broadcast %jit3A : i16 to vector<64x64x256xi16>
    %select_n3A = arith.select %eq3A_287, %reshape3A_16, %broadcast_in_dim3A_288 : vector<64x64x256xi1>, vector<64x64x256xi16>
    %broadcast_in_dim3A_289 = arith.constant 0 : i32
    %broadcast_in_dim3A_290 = vector.broadcast %broadcast_in_dim3A_289 : i32 to vector<1x256xi32>
    %scan3A_291 = arith.constant 0 : i32
    %scan3A_292 = arith.constant 16 : i32
    %scan3A_293 = arith.addi %scan3A_291, %scan3A_292 : i32
    %scan3A_294 = arith.constant 1 : i32
    %scan3A_295 = scf.for %scan3A_591 = %scan3A_291 to %scan3A_293 step %scan3A_294 iter_args(%scan3A_592 = %broadcast_in_dim3A_290) -> (vector<1x256xi32>)  : i32 {
      %sub3A_593 = arith.constant 15 : i32
      %sub3A_594 = arith.subi %sub3A_593, %scan3A_591 : i32
      %shift_left3A_595 = arith.constant 1 : i32
      %shift_left3A_596 = arith.shli %shift_left3A_595, %sub3A_594 : i32
      %or3A_597 = vector.broadcast %shift_left3A_596 : i32 to vector<1x256xi32>
      %or3A_598 = arith.ori %scan3A_592, %or3A_597 : vector<1x256xi32>
      %sub3A_599 = arith.constant 32768 : i32
      %sub3A_600 = vector.broadcast %sub3A_599 : i32 to vector<1x256xi32>
      %sub3A_601 = arith.subi %or3A_598, %sub3A_600 : vector<1x256xi32>
      %convert_element_type3A_602 = arith.trunci %sub3A_601 : vector<1x256xi32> to vector<1x256xi16>
      %reshape3A_603 = vector.shape_cast %convert_element_type3A_602 : vector<1x256xi16> to vector<1x1x256xi16>
      %ge3A = vector.broadcast %reshape3A_603 : vector<1x1x256xi16> to vector<64x64x256xi16>
      %ge3A_604 = arith.cmpi sge, %select_n3A, %ge3A : vector<64x64x256xi16>
      %slice3A_605 = vector.extract_strided_slice %ge3A_604 {offsets = [0, 0, 0], sizes = [1, 64, 256], strides = [1, 1, 1]} : vector<64x64x256xi1> to vector<1x64x256xi1>
      %squeeze3A_606 = vector.shape_cast %slice3A_605 : vector<1x64x256xi1> to vector<64x256xi1>
      %convert_element_type3A_607 = arith.extui %squeeze3A_606 : vector<64x256xi1> to vector<64x256xi16>
      %slice3A_608 = vector.extract_strided_slice %ge3A_604 {offsets = [1, 0, 0], sizes = [1, 64, 256], strides = [1, 1, 1]} : vector<64x64x256xi1> to vector<1x64x256xi1>
      %squeeze3A_609 = vector.shape_cast %slice3A_608 : vector<1x64x256xi1> to vector<64x256xi1>
      %convert_element_type3A_610 = arith.extui %squeeze3A_609 : vector<64x256xi1> to vector<64x256xi16>
      %slice3A_611 = vector.extract_strided_slice %ge3A_604 {offsets = [2, 0, 0], sizes = [1, 64, 256], strides = [1, 1, 1]} : vector<64x64x256xi1> to vector<1x64x256xi1>
      %squeeze3A_612 = vector.shape_cast %slice3A_611 : vector<1x64x256xi1> to vector<64x256xi1>
      %convert_element_type3A_613 = arith.extui %squeeze3A_612 : vector<64x256xi1> to vector<64x256xi16>
      %slice3A_614 = vector.extract_strided_slice %ge3A_604 {offsets = [3, 0, 0], sizes = [1, 64, 256], strides = [1, 1, 1]} : vector<64x64x256xi1> to vector<1x64x256xi1>
      %squeeze3A_615 = vector.shape_cast %slice3A_614 : vector<1x64x256xi1> to vector<64x256xi1>
      %convert_element_type3A_616 = arith.extui %squeeze3A_615 : vector<64x256xi1> to vector<64x256xi16>
      %slice3A_617 = vector.extract_strided_slice %ge3A_604 {offsets = [4, 0, 0], sizes = [1, 64, 256], strides = [1, 1, 1]} : vector<64x64x256xi1> to vector<1x64x256xi1>
      %squeeze3A_618 = vector.shape_cast %slice3A_617 : vector<1x64x256xi1> to vector<64x256xi1>
      %convert_element_type3A_619 = arith.extui %squeeze3A_618 : vector<64x256xi1> to vector<64x256xi16>
      %slice3A_620 = vector.extract_strided_slice %ge3A_604 {offsets = [5, 0, 0], sizes = [1, 64, 256], strides = [1, 1, 1]} : vector<64x64x256xi1> to vector<1x64x256xi1>
      %squeeze3A_621 = vector.shape_cast %slice3A_620 : vector<1x64x256xi1> to vector<64x256xi1>
      %convert_element_type3A_622 = arith.extui %squeeze3A_621 : vector<64x256xi1> to vector<64x256xi16>
      %slice3A_623 = vector.extract_strided_slice %ge3A_604 {offsets = [6, 0, 0], sizes = [1, 64, 256], strides = [1, 1, 1]} : vector<64x64x256xi1> to vector<1x64x256xi1>
      %squeeze3A_624 = vector.shape_cast %slice3A_623 : vector<1x64x256xi1> to vector<64x256xi1>
      %convert_element_type3A_625 = arith.extui %squeeze3A_624 : vector<64x256xi1> to vector<64x256xi16>
      %slice3A_626 = vector.extract_strided_slice %ge3A_604 {offsets = [7, 0, 0], sizes = [1, 64, 256], strides = [1, 1, 1]} : vector<64x64x256xi1> to vector<1x64x256xi1>
      %squeeze3A_627 = vector.shape_cast %slice3A_626 : vector<1x64x256xi1> to vector<64x256xi1>
      %convert_element_type3A_628 = arith.extui %squeeze3A_627 : vector<64x256xi1> to vector<64x256xi16>
      %slice3A_629 = vector.extract_strided_slice %ge3A_604 {offsets = [8, 0, 0], sizes = [1, 64, 256], strides = [1, 1, 1]} : vector<64x64x256xi1> to vector<1x64x256xi1>
      %squeeze3A_630 = vector.shape_cast %slice3A_629 : vector<1x64x256xi1> to vector<64x256xi1>
      %convert_element_type3A_631 = arith.extui %squeeze3A_630 : vector<64x256xi1> to vector<64x256xi16>
      %slice3A_632 = vector.extract_strided_slice %ge3A_604 {offsets = [9, 0, 0], sizes = [1, 64, 256], strides = [1, 1, 1]} : vector<64x64x256xi1> to vector<1x64x256xi1>
      %squeeze3A_633 = vector.shape_cast %slice3A_632 : vector<1x64x256xi1> to vector<64x256xi1>
      %convert_element_type3A_634 = arith.extui %squeeze3A_633 : vector<64x256xi1> to vector<64x256xi16>
      %slice3A_635 = vector.extract_strided_slice %ge3A_604 {offsets = [10, 0, 0], sizes = [1, 64, 256], strides = [1, 1, 1]} : vector<64x64x256xi1> to vector<1x64x256xi1>
      %squeeze3A_636 = vector.shape_cast %slice3A_635 : vector<1x64x256xi1> to vector<64x256xi1>
      %convert_element_type3A_637 = arith.extui %squeeze3A_636 : vector<64x256xi1> to vector<64x256xi16>
      %slice3A_638 = vector.extract_strided_slice %ge3A_604 {offsets = [11, 0, 0], sizes = [1, 64, 256], strides = [1, 1, 1]} : vector<64x64x256xi1> to vector<1x64x256xi1>
      %squeeze3A_639 = vector.shape_cast %slice3A_638 : vector<1x64x256xi1> to vector<64x256xi1>
      %convert_element_type3A_640 = arith.extui %squeeze3A_639 : vector<64x256xi1> to vector<64x256xi16>
      %slice3A_641 = vector.extract_strided_slice %ge3A_604 {offsets = [12, 0, 0], sizes = [1, 64, 256], strides = [1, 1, 1]} : vector<64x64x256xi1> to vector<1x64x256xi1>
      %squeeze3A_642 = vector.shape_cast %slice3A_641 : vector<1x64x256xi1> to vector<64x256xi1>
      %convert_element_type3A_643 = arith.extui %squeeze3A_642 : vector<64x256xi1> to vector<64x256xi16>
      %slice3A_644 = vector.extract_strided_slice %ge3A_604 {offsets = [13, 0, 0], sizes = [1, 64, 256], strides = [1, 1, 1]} : vector<64x64x256xi1> to vector<1x64x256xi1>
      %squeeze3A_645 = vector.shape_cast %slice3A_644 : vector<1x64x256xi1> to vector<64x256xi1>
      %convert_element_type3A_646 = arith.extui %squeeze3A_645 : vector<64x256xi1> to vector<64x256xi16>
      %slice3A_647 = vector.extract_strided_slice %ge3A_604 {offsets = [14, 0, 0], sizes = [1, 64, 256], strides = [1, 1, 1]} : vector<64x64x256xi1> to vector<1x64x256xi1>
      %squeeze3A_648 = vector.shape_cast %slice3A_647 : vector<1x64x256xi1> to vector<64x256xi1>
      %convert_element_type3A_649 = arith.extui %squeeze3A_648 : vector<64x256xi1> to vector<64x256xi16>
      %slice3A_650 = vector.extract_strided_slice %ge3A_604 {offsets = [15, 0, 0], sizes = [1, 64, 256], strides = [1, 1, 1]} : vector<64x64x256xi1> to vector<1x64x256xi1>
      %squeeze3A_651 = vector.shape_cast %slice3A_650 : vector<1x64x256xi1> to vector<64x256xi1>
      %convert_element_type3A_652 = arith.extui %squeeze3A_651 : vector<64x256xi1> to vector<64x256xi16>
      %slice3A_653 = vector.extract_strided_slice %ge3A_604 {offsets = [16, 0, 0], sizes = [1, 64, 256], strides = [1, 1, 1]} : vector<64x64x256xi1> to vector<1x64x256xi1>
      %squeeze3A_654 = vector.shape_cast %slice3A_653 : vector<1x64x256xi1> to vector<64x256xi1>
      %convert_element_type3A_655 = arith.extui %squeeze3A_654 : vector<64x256xi1> to vector<64x256xi16>
      %slice3A_656 = vector.extract_strided_slice %ge3A_604 {offsets = [17, 0, 0], sizes = [1, 64, 256], strides = [1, 1, 1]} : vector<64x64x256xi1> to vector<1x64x256xi1>
      %squeeze3A_657 = vector.shape_cast %slice3A_656 : vector<1x64x256xi1> to vector<64x256xi1>
      %convert_element_type3A_658 = arith.extui %squeeze3A_657 : vector<64x256xi1> to vector<64x256xi16>
      %slice3A_659 = vector.extract_strided_slice %ge3A_604 {offsets = [18, 0, 0], sizes = [1, 64, 256], strides = [1, 1, 1]} : vector<64x64x256xi1> to vector<1x64x256xi1>
      %squeeze3A_660 = vector.shape_cast %slice3A_659 : vector<1x64x256xi1> to vector<64x256xi1>
      %convert_element_type3A_661 = arith.extui %squeeze3A_660 : vector<64x256xi1> to vector<64x256xi16>
      %slice3A_662 = vector.extract_strided_slice %ge3A_604 {offsets = [19, 0, 0], sizes = [1, 64, 256], strides = [1, 1, 1]} : vector<64x64x256xi1> to vector<1x64x256xi1>
      %squeeze3A_663 = vector.shape_cast %slice3A_662 : vector<1x64x256xi1> to vector<64x256xi1>
      %convert_element_type3A_664 = arith.extui %squeeze3A_663 : vector<64x256xi1> to vector<64x256xi16>
      %slice3A_665 = vector.extract_strided_slice %ge3A_604 {offsets = [20, 0, 0], sizes = [1, 64, 256], strides = [1, 1, 1]} : vector<64x64x256xi1> to vector<1x64x256xi1>
      %squeeze3A_666 = vector.shape_cast %slice3A_665 : vector<1x64x256xi1> to vector<64x256xi1>
      %convert_element_type3A_667 = arith.extui %squeeze3A_666 : vector<64x256xi1> to vector<64x256xi16>
      %slice3A_668 = vector.extract_strided_slice %ge3A_604 {offsets = [21, 0, 0], sizes = [1, 64, 256], strides = [1, 1, 1]} : vector<64x64x256xi1> to vector<1x64x256xi1>
      %squeeze3A_669 = vector.shape_cast %slice3A_668 : vector<1x64x256xi1> to vector<64x256xi1>
      %convert_element_type3A_670 = arith.extui %squeeze3A_669 : vector<64x256xi1> to vector<64x256xi16>
      %slice3A_671 = vector.extract_strided_slice %ge3A_604 {offsets = [22, 0, 0], sizes = [1, 64, 256], strides = [1, 1, 1]} : vector<64x64x256xi1> to vector<1x64x256xi1>
      %squeeze3A_672 = vector.shape_cast %slice3A_671 : vector<1x64x256xi1> to vector<64x256xi1>
      %convert_element_type3A_673 = arith.extui %squeeze3A_672 : vector<64x256xi1> to vector<64x256xi16>
      %slice3A_674 = vector.extract_strided_slice %ge3A_604 {offsets = [23, 0, 0], sizes = [1, 64, 256], strides = [1, 1, 1]} : vector<64x64x256xi1> to vector<1x64x256xi1>
      %squeeze3A_675 = vector.shape_cast %slice3A_674 : vector<1x64x256xi1> to vector<64x256xi1>
      %convert_element_type3A_676 = arith.extui %squeeze3A_675 : vector<64x256xi1> to vector<64x256xi16>
      %slice3A_677 = vector.extract_strided_slice %ge3A_604 {offsets = [24, 0, 0], sizes = [1, 64, 256], strides = [1, 1, 1]} : vector<64x64x256xi1> to vector<1x64x256xi1>
      %squeeze3A_678 = vector.shape_cast %slice3A_677 : vector<1x64x256xi1> to vector<64x256xi1>
      %convert_element_type3A_679 = arith.extui %squeeze3A_678 : vector<64x256xi1> to vector<64x256xi16>
      %slice3A_680 = vector.extract_strided_slice %ge3A_604 {offsets = [25, 0, 0], sizes = [1, 64, 256], strides = [1, 1, 1]} : vector<64x64x256xi1> to vector<1x64x256xi1>
      %squeeze3A_681 = vector.shape_cast %slice3A_680 : vector<1x64x256xi1> to vector<64x256xi1>
      %convert_element_type3A_682 = arith.extui %squeeze3A_681 : vector<64x256xi1> to vector<64x256xi16>
      %slice3A_683 = vector.extract_strided_slice %ge3A_604 {offsets = [26, 0, 0], sizes = [1, 64, 256], strides = [1, 1, 1]} : vector<64x64x256xi1> to vector<1x64x256xi1>
      %squeeze3A_684 = vector.shape_cast %slice3A_683 : vector<1x64x256xi1> to vector<64x256xi1>
      %convert_element_type3A_685 = arith.extui %squeeze3A_684 : vector<64x256xi1> to vector<64x256xi16>
      %slice3A_686 = vector.extract_strided_slice %ge3A_604 {offsets = [27, 0, 0], sizes = [1, 64, 256], strides = [1, 1, 1]} : vector<64x64x256xi1> to vector<1x64x256xi1>
      %squeeze3A_687 = vector.shape_cast %slice3A_686 : vector<1x64x256xi1> to vector<64x256xi1>
      %convert_element_type3A_688 = arith.extui %squeeze3A_687 : vector<64x256xi1> to vector<64x256xi16>
      %slice3A_689 = vector.extract_strided_slice %ge3A_604 {offsets = [28, 0, 0], sizes = [1, 64, 256], strides = [1, 1, 1]} : vector<64x64x256xi1> to vector<1x64x256xi1>
      %squeeze3A_690 = vector.shape_cast %slice3A_689 : vector<1x64x256xi1> to vector<64x256xi1>
      %convert_element_type3A_691 = arith.extui %squeeze3A_690 : vector<64x256xi1> to vector<64x256xi16>
      %slice3A_692 = vector.extract_strided_slice %ge3A_604 {offsets = [29, 0, 0], sizes = [1, 64, 256], strides = [1, 1, 1]} : vector<64x64x256xi1> to vector<1x64x256xi1>
      %squeeze3A_693 = vector.shape_cast %slice3A_692 : vector<1x64x256xi1> to vector<64x256xi1>
      %convert_element_type3A_694 = arith.extui %squeeze3A_693 : vector<64x256xi1> to vector<64x256xi16>
      %slice3A_695 = vector.extract_strided_slice %ge3A_604 {offsets = [30, 0, 0], sizes = [1, 64, 256], strides = [1, 1, 1]} : vector<64x64x256xi1> to vector<1x64x256xi1>
      %squeeze3A_696 = vector.shape_cast %slice3A_695 : vector<1x64x256xi1> to vector<64x256xi1>
      %convert_element_type3A_697 = arith.extui %squeeze3A_696 : vector<64x256xi1> to vector<64x256xi16>
      %slice3A_698 = vector.extract_strided_slice %ge3A_604 {offsets = [31, 0, 0], sizes = [1, 64, 256], strides = [1, 1, 1]} : vector<64x64x256xi1> to vector<1x64x256xi1>
      %squeeze3A_699 = vector.shape_cast %slice3A_698 : vector<1x64x256xi1> to vector<64x256xi1>
      %convert_element_type3A_700 = arith.extui %squeeze3A_699 : vector<64x256xi1> to vector<64x256xi16>
      %slice3A_701 = vector.extract_strided_slice %ge3A_604 {offsets = [32, 0, 0], sizes = [1, 64, 256], strides = [1, 1, 1]} : vector<64x64x256xi1> to vector<1x64x256xi1>
      %squeeze3A_702 = vector.shape_cast %slice3A_701 : vector<1x64x256xi1> to vector<64x256xi1>
      %convert_element_type3A_703 = arith.extui %squeeze3A_702 : vector<64x256xi1> to vector<64x256xi16>
      %slice3A_704 = vector.extract_strided_slice %ge3A_604 {offsets = [33, 0, 0], sizes = [1, 64, 256], strides = [1, 1, 1]} : vector<64x64x256xi1> to vector<1x64x256xi1>
      %squeeze3A_705 = vector.shape_cast %slice3A_704 : vector<1x64x256xi1> to vector<64x256xi1>
      %convert_element_type3A_706 = arith.extui %squeeze3A_705 : vector<64x256xi1> to vector<64x256xi16>
      %slice3A_707 = vector.extract_strided_slice %ge3A_604 {offsets = [34, 0, 0], sizes = [1, 64, 256], strides = [1, 1, 1]} : vector<64x64x256xi1> to vector<1x64x256xi1>
      %squeeze3A_708 = vector.shape_cast %slice3A_707 : vector<1x64x256xi1> to vector<64x256xi1>
      %convert_element_type3A_709 = arith.extui %squeeze3A_708 : vector<64x256xi1> to vector<64x256xi16>
      %slice3A_710 = vector.extract_strided_slice %ge3A_604 {offsets = [35, 0, 0], sizes = [1, 64, 256], strides = [1, 1, 1]} : vector<64x64x256xi1> to vector<1x64x256xi1>
      %squeeze3A_711 = vector.shape_cast %slice3A_710 : vector<1x64x256xi1> to vector<64x256xi1>
      %convert_element_type3A_712 = arith.extui %squeeze3A_711 : vector<64x256xi1> to vector<64x256xi16>
      %slice3A_713 = vector.extract_strided_slice %ge3A_604 {offsets = [36, 0, 0], sizes = [1, 64, 256], strides = [1, 1, 1]} : vector<64x64x256xi1> to vector<1x64x256xi1>
      %squeeze3A_714 = vector.shape_cast %slice3A_713 : vector<1x64x256xi1> to vector<64x256xi1>
      %convert_element_type3A_715 = arith.extui %squeeze3A_714 : vector<64x256xi1> to vector<64x256xi16>
      %slice3A_716 = vector.extract_strided_slice %ge3A_604 {offsets = [37, 0, 0], sizes = [1, 64, 256], strides = [1, 1, 1]} : vector<64x64x256xi1> to vector<1x64x256xi1>
      %squeeze3A_717 = vector.shape_cast %slice3A_716 : vector<1x64x256xi1> to vector<64x256xi1>
      %convert_element_type3A_718 = arith.extui %squeeze3A_717 : vector<64x256xi1> to vector<64x256xi16>
      %slice3A_719 = vector.extract_strided_slice %ge3A_604 {offsets = [38, 0, 0], sizes = [1, 64, 256], strides = [1, 1, 1]} : vector<64x64x256xi1> to vector<1x64x256xi1>
      %squeeze3A_720 = vector.shape_cast %slice3A_719 : vector<1x64x256xi1> to vector<64x256xi1>
      %convert_element_type3A_721 = arith.extui %squeeze3A_720 : vector<64x256xi1> to vector<64x256xi16>
      %slice3A_722 = vector.extract_strided_slice %ge3A_604 {offsets = [39, 0, 0], sizes = [1, 64, 256], strides = [1, 1, 1]} : vector<64x64x256xi1> to vector<1x64x256xi1>
      %squeeze3A_723 = vector.shape_cast %slice3A_722 : vector<1x64x256xi1> to vector<64x256xi1>
      %convert_element_type3A_724 = arith.extui %squeeze3A_723 : vector<64x256xi1> to vector<64x256xi16>
      %slice3A_725 = vector.extract_strided_slice %ge3A_604 {offsets = [40, 0, 0], sizes = [1, 64, 256], strides = [1, 1, 1]} : vector<64x64x256xi1> to vector<1x64x256xi1>
      %squeeze3A_726 = vector.shape_cast %slice3A_725 : vector<1x64x256xi1> to vector<64x256xi1>
      %convert_element_type3A_727 = arith.extui %squeeze3A_726 : vector<64x256xi1> to vector<64x256xi16>
      %slice3A_728 = vector.extract_strided_slice %ge3A_604 {offsets = [41, 0, 0], sizes = [1, 64, 256], strides = [1, 1, 1]} : vector<64x64x256xi1> to vector<1x64x256xi1>
      %squeeze3A_729 = vector.shape_cast %slice3A_728 : vector<1x64x256xi1> to vector<64x256xi1>
      %convert_element_type3A_730 = arith.extui %squeeze3A_729 : vector<64x256xi1> to vector<64x256xi16>
      %slice3A_731 = vector.extract_strided_slice %ge3A_604 {offsets = [42, 0, 0], sizes = [1, 64, 256], strides = [1, 1, 1]} : vector<64x64x256xi1> to vector<1x64x256xi1>
      %squeeze3A_732 = vector.shape_cast %slice3A_731 : vector<1x64x256xi1> to vector<64x256xi1>
      %convert_element_type3A_733 = arith.extui %squeeze3A_732 : vector<64x256xi1> to vector<64x256xi16>
      %slice3A_734 = vector.extract_strided_slice %ge3A_604 {offsets = [43, 0, 0], sizes = [1, 64, 256], strides = [1, 1, 1]} : vector<64x64x256xi1> to vector<1x64x256xi1>
      %squeeze3A_735 = vector.shape_cast %slice3A_734 : vector<1x64x256xi1> to vector<64x256xi1>
      %convert_element_type3A_736 = arith.extui %squeeze3A_735 : vector<64x256xi1> to vector<64x256xi16>
      %slice3A_737 = vector.extract_strided_slice %ge3A_604 {offsets = [44, 0, 0], sizes = [1, 64, 256], strides = [1, 1, 1]} : vector<64x64x256xi1> to vector<1x64x256xi1>
      %squeeze3A_738 = vector.shape_cast %slice3A_737 : vector<1x64x256xi1> to vector<64x256xi1>
      %convert_element_type3A_739 = arith.extui %squeeze3A_738 : vector<64x256xi1> to vector<64x256xi16>
      %slice3A_740 = vector.extract_strided_slice %ge3A_604 {offsets = [45, 0, 0], sizes = [1, 64, 256], strides = [1, 1, 1]} : vector<64x64x256xi1> to vector<1x64x256xi1>
      %squeeze3A_741 = vector.shape_cast %slice3A_740 : vector<1x64x256xi1> to vector<64x256xi1>
      %convert_element_type3A_742 = arith.extui %squeeze3A_741 : vector<64x256xi1> to vector<64x256xi16>
      %slice3A_743 = vector.extract_strided_slice %ge3A_604 {offsets = [46, 0, 0], sizes = [1, 64, 256], strides = [1, 1, 1]} : vector<64x64x256xi1> to vector<1x64x256xi1>
      %squeeze3A_744 = vector.shape_cast %slice3A_743 : vector<1x64x256xi1> to vector<64x256xi1>
      %convert_element_type3A_745 = arith.extui %squeeze3A_744 : vector<64x256xi1> to vector<64x256xi16>
      %slice3A_746 = vector.extract_strided_slice %ge3A_604 {offsets = [47, 0, 0], sizes = [1, 64, 256], strides = [1, 1, 1]} : vector<64x64x256xi1> to vector<1x64x256xi1>
      %squeeze3A_747 = vector.shape_cast %slice3A_746 : vector<1x64x256xi1> to vector<64x256xi1>
      %convert_element_type3A_748 = arith.extui %squeeze3A_747 : vector<64x256xi1> to vector<64x256xi16>
      %slice3A_749 = vector.extract_strided_slice %ge3A_604 {offsets = [48, 0, 0], sizes = [1, 64, 256], strides = [1, 1, 1]} : vector<64x64x256xi1> to vector<1x64x256xi1>
      %squeeze3A_750 = vector.shape_cast %slice3A_749 : vector<1x64x256xi1> to vector<64x256xi1>
      %convert_element_type3A_751 = arith.extui %squeeze3A_750 : vector<64x256xi1> to vector<64x256xi16>
      %slice3A_752 = vector.extract_strided_slice %ge3A_604 {offsets = [49, 0, 0], sizes = [1, 64, 256], strides = [1, 1, 1]} : vector<64x64x256xi1> to vector<1x64x256xi1>
      %squeeze3A_753 = vector.shape_cast %slice3A_752 : vector<1x64x256xi1> to vector<64x256xi1>
      %convert_element_type3A_754 = arith.extui %squeeze3A_753 : vector<64x256xi1> to vector<64x256xi16>
      %slice3A_755 = vector.extract_strided_slice %ge3A_604 {offsets = [50, 0, 0], sizes = [1, 64, 256], strides = [1, 1, 1]} : vector<64x64x256xi1> to vector<1x64x256xi1>
      %squeeze3A_756 = vector.shape_cast %slice3A_755 : vector<1x64x256xi1> to vector<64x256xi1>
      %convert_element_type3A_757 = arith.extui %squeeze3A_756 : vector<64x256xi1> to vector<64x256xi16>
      %slice3A_758 = vector.extract_strided_slice %ge3A_604 {offsets = [51, 0, 0], sizes = [1, 64, 256], strides = [1, 1, 1]} : vector<64x64x256xi1> to vector<1x64x256xi1>
      %squeeze3A_759 = vector.shape_cast %slice3A_758 : vector<1x64x256xi1> to vector<64x256xi1>
      %convert_element_type3A_760 = arith.extui %squeeze3A_759 : vector<64x256xi1> to vector<64x256xi16>
      %slice3A_761 = vector.extract_strided_slice %ge3A_604 {offsets = [52, 0, 0], sizes = [1, 64, 256], strides = [1, 1, 1]} : vector<64x64x256xi1> to vector<1x64x256xi1>
      %squeeze3A_762 = vector.shape_cast %slice3A_761 : vector<1x64x256xi1> to vector<64x256xi1>
      %convert_element_type3A_763 = arith.extui %squeeze3A_762 : vector<64x256xi1> to vector<64x256xi16>
      %slice3A_764 = vector.extract_strided_slice %ge3A_604 {offsets = [53, 0, 0], sizes = [1, 64, 256], strides = [1, 1, 1]} : vector<64x64x256xi1> to vector<1x64x256xi1>
      %squeeze3A_765 = vector.shape_cast %slice3A_764 : vector<1x64x256xi1> to vector<64x256xi1>
      %convert_element_type3A_766 = arith.extui %squeeze3A_765 : vector<64x256xi1> to vector<64x256xi16>
      %slice3A_767 = vector.extract_strided_slice %ge3A_604 {offsets = [54, 0, 0], sizes = [1, 64, 256], strides = [1, 1, 1]} : vector<64x64x256xi1> to vector<1x64x256xi1>
      %squeeze3A_768 = vector.shape_cast %slice3A_767 : vector<1x64x256xi1> to vector<64x256xi1>
      %convert_element_type3A_769 = arith.extui %squeeze3A_768 : vector<64x256xi1> to vector<64x256xi16>
      %slice3A_770 = vector.extract_strided_slice %ge3A_604 {offsets = [55, 0, 0], sizes = [1, 64, 256], strides = [1, 1, 1]} : vector<64x64x256xi1> to vector<1x64x256xi1>
      %squeeze3A_771 = vector.shape_cast %slice3A_770 : vector<1x64x256xi1> to vector<64x256xi1>
      %convert_element_type3A_772 = arith.extui %squeeze3A_771 : vector<64x256xi1> to vector<64x256xi16>
      %slice3A_773 = vector.extract_strided_slice %ge3A_604 {offsets = [56, 0, 0], sizes = [1, 64, 256], strides = [1, 1, 1]} : vector<64x64x256xi1> to vector<1x64x256xi1>
      %squeeze3A_774 = vector.shape_cast %slice3A_773 : vector<1x64x256xi1> to vector<64x256xi1>
      %convert_element_type3A_775 = arith.extui %squeeze3A_774 : vector<64x256xi1> to vector<64x256xi16>
      %slice3A_776 = vector.extract_strided_slice %ge3A_604 {offsets = [57, 0, 0], sizes = [1, 64, 256], strides = [1, 1, 1]} : vector<64x64x256xi1> to vector<1x64x256xi1>
      %squeeze3A_777 = vector.shape_cast %slice3A_776 : vector<1x64x256xi1> to vector<64x256xi1>
      %convert_element_type3A_778 = arith.extui %squeeze3A_777 : vector<64x256xi1> to vector<64x256xi16>
      %slice3A_779 = vector.extract_strided_slice %ge3A_604 {offsets = [58, 0, 0], sizes = [1, 64, 256], strides = [1, 1, 1]} : vector<64x64x256xi1> to vector<1x64x256xi1>
      %squeeze3A_780 = vector.shape_cast %slice3A_779 : vector<1x64x256xi1> to vector<64x256xi1>
      %convert_element_type3A_781 = arith.extui %squeeze3A_780 : vector<64x256xi1> to vector<64x256xi16>
      %slice3A_782 = vector.extract_strided_slice %ge3A_604 {offsets = [59, 0, 0], sizes = [1, 64, 256], strides = [1, 1, 1]} : vector<64x64x256xi1> to vector<1x64x256xi1>
      %squeeze3A_783 = vector.shape_cast %slice3A_782 : vector<1x64x256xi1> to vector<64x256xi1>
      %convert_element_type3A_784 = arith.extui %squeeze3A_783 : vector<64x256xi1> to vector<64x256xi16>
      %slice3A_785 = vector.extract_strided_slice %ge3A_604 {offsets = [60, 0, 0], sizes = [1, 64, 256], strides = [1, 1, 1]} : vector<64x64x256xi1> to vector<1x64x256xi1>
      %squeeze3A_786 = vector.shape_cast %slice3A_785 : vector<1x64x256xi1> to vector<64x256xi1>
      %convert_element_type3A_787 = arith.extui %squeeze3A_786 : vector<64x256xi1> to vector<64x256xi16>
      %slice3A_788 = vector.extract_strided_slice %ge3A_604 {offsets = [61, 0, 0], sizes = [1, 64, 256], strides = [1, 1, 1]} : vector<64x64x256xi1> to vector<1x64x256xi1>
      %squeeze3A_789 = vector.shape_cast %slice3A_788 : vector<1x64x256xi1> to vector<64x256xi1>
      %convert_element_type3A_790 = arith.extui %squeeze3A_789 : vector<64x256xi1> to vector<64x256xi16>
      %slice3A_791 = vector.extract_strided_slice %ge3A_604 {offsets = [62, 0, 0], sizes = [1, 64, 256], strides = [1, 1, 1]} : vector<64x64x256xi1> to vector<1x64x256xi1>
      %squeeze3A_792 = vector.shape_cast %slice3A_791 : vector<1x64x256xi1> to vector<64x256xi1>
      %convert_element_type3A_793 = arith.extui %squeeze3A_792 : vector<64x256xi1> to vector<64x256xi16>
      %slice3A_794 = vector.extract_strided_slice %ge3A_604 {offsets = [63, 0, 0], sizes = [1, 64, 256], strides = [1, 1, 1]} : vector<64x64x256xi1> to vector<1x64x256xi1>
      %squeeze3A_795 = vector.shape_cast %slice3A_794 : vector<1x64x256xi1> to vector<64x256xi1>
      %convert_element_type3A_796 = arith.extui %squeeze3A_795 : vector<64x256xi1> to vector<64x256xi16>
      %add3A_797 = arith.addi %convert_element_type3A_607, %convert_element_type3A_610 : vector<64x256xi16>
      %add3A_798 = arith.addi %convert_element_type3A_613, %convert_element_type3A_616 : vector<64x256xi16>
      %add3A_799 = arith.addi %convert_element_type3A_619, %convert_element_type3A_622 : vector<64x256xi16>
      %add3A_800 = arith.addi %convert_element_type3A_625, %convert_element_type3A_628 : vector<64x256xi16>
      %add3A_801 = arith.addi %convert_element_type3A_631, %convert_element_type3A_634 : vector<64x256xi16>
      %add3A_802 = arith.addi %convert_element_type3A_637, %convert_element_type3A_640 : vector<64x256xi16>
      %add3A_803 = arith.addi %convert_element_type3A_643, %convert_element_type3A_646 : vector<64x256xi16>
      %add3A_804 = arith.addi %convert_element_type3A_649, %convert_element_type3A_652 : vector<64x256xi16>
      %add3A_805 = arith.addi %convert_element_type3A_655, %convert_element_type3A_658 : vector<64x256xi16>
      %add3A_806 = arith.addi %convert_element_type3A_661, %convert_element_type3A_664 : vector<64x256xi16>
      %add3A_807 = arith.addi %convert_element_type3A_667, %convert_element_type3A_670 : vector<64x256xi16>
      %add3A_808 = arith.addi %convert_element_type3A_673, %convert_element_type3A_676 : vector<64x256xi16>
      %add3A_809 = arith.addi %convert_element_type3A_679, %convert_element_type3A_682 : vector<64x256xi16>
      %add3A_810 = arith.addi %convert_element_type3A_685, %convert_element_type3A_688 : vector<64x256xi16>
      %add3A_811 = arith.addi %convert_element_type3A_691, %convert_element_type3A_694 : vector<64x256xi16>
      %add3A_812 = arith.addi %convert_element_type3A_697, %convert_element_type3A_700 : vector<64x256xi16>
      %add3A_813 = arith.addi %convert_element_type3A_703, %convert_element_type3A_706 : vector<64x256xi16>
      %add3A_814 = arith.addi %convert_element_type3A_709, %convert_element_type3A_712 : vector<64x256xi16>
      %add3A_815 = arith.addi %convert_element_type3A_715, %convert_element_type3A_718 : vector<64x256xi16>
      %add3A_816 = arith.addi %convert_element_type3A_721, %convert_element_type3A_724 : vector<64x256xi16>
      %add3A_817 = arith.addi %convert_element_type3A_727, %convert_element_type3A_730 : vector<64x256xi16>
      %add3A_818 = arith.addi %convert_element_type3A_733, %convert_element_type3A_736 : vector<64x256xi16>
      %add3A_819 = arith.addi %convert_element_type3A_739, %convert_element_type3A_742 : vector<64x256xi16>
      %add3A_820 = arith.addi %convert_element_type3A_745, %convert_element_type3A_748 : vector<64x256xi16>
      %add3A_821 = arith.addi %convert_element_type3A_751, %convert_element_type3A_754 : vector<64x256xi16>
      %add3A_822 = arith.addi %convert_element_type3A_757, %convert_element_type3A_760 : vector<64x256xi16>
      %add3A_823 = arith.addi %convert_element_type3A_763, %convert_element_type3A_766 : vector<64x256xi16>
      %add3A_824 = arith.addi %convert_element_type3A_769, %convert_element_type3A_772 : vector<64x256xi16>
      %add3A_825 = arith.addi %convert_element_type3A_775, %convert_element_type3A_778 : vector<64x256xi16>
      %add3A_826 = arith.addi %convert_element_type3A_781, %convert_element_type3A_784 : vector<64x256xi16>
      %add3A_827 = arith.addi %convert_element_type3A_787, %convert_element_type3A_790 : vector<64x256xi16>
      %add3A_828 = arith.addi %convert_element_type3A_793, %convert_element_type3A_796 : vector<64x256xi16>
      %add3A_829 = arith.addi %add3A_797, %add3A_798 : vector<64x256xi16>
      %add3A_830 = arith.addi %add3A_799, %add3A_800 : vector<64x256xi16>
      %add3A_831 = arith.addi %add3A_801, %add3A_802 : vector<64x256xi16>
      %add3A_832 = arith.addi %add3A_803, %add3A_804 : vector<64x256xi16>
      %add3A_833 = arith.addi %add3A_805, %add3A_806 : vector<64x256xi16>
      %add3A_834 = arith.addi %add3A_807, %add3A_808 : vector<64x256xi16>
      %add3A_835 = arith.addi %add3A_809, %add3A_810 : vector<64x256xi16>
      %add3A_836 = arith.addi %add3A_811, %add3A_812 : vector<64x256xi16>
      %add3A_837 = arith.addi %add3A_813, %add3A_814 : vector<64x256xi16>
      %add3A_838 = arith.addi %add3A_815, %add3A_816 : vector<64x256xi16>
      %add3A_839 = arith.addi %add3A_817, %add3A_818 : vector<64x256xi16>
      %add3A_840 = arith.addi %add3A_819, %add3A_820 : vector<64x256xi16>
      %add3A_841 = arith.addi %add3A_821, %add3A_822 : vector<64x256xi16>
      %add3A_842 = arith.addi %add3A_823, %add3A_824 : vector<64x256xi16>
      %add3A_843 = arith.addi %add3A_825, %add3A_826 : vector<64x256xi16>
      %add3A_844 = arith.addi %add3A_827, %add3A_828 : vector<64x256xi16>
      %add3A_845 = arith.addi %add3A_829, %add3A_830 : vector<64x256xi16>
      %add3A_846 = arith.addi %add3A_831, %add3A_832 : vector<64x256xi16>
      %add3A_847 = arith.addi %add3A_833, %add3A_834 : vector<64x256xi16>
      %add3A_848 = arith.addi %add3A_835, %add3A_836 : vector<64x256xi16>
      %add3A_849 = arith.addi %add3A_837, %add3A_838 : vector<64x256xi16>
      %add3A_850 = arith.addi %add3A_839, %add3A_840 : vector<64x256xi16>
      %add3A_851 = arith.addi %add3A_841, %add3A_842 : vector<64x256xi16>
      %add3A_852 = arith.addi %add3A_843, %add3A_844 : vector<64x256xi16>
      %add3A_853 = arith.addi %add3A_845, %add3A_846 : vector<64x256xi16>
      %add3A_854 = arith.addi %add3A_847, %add3A_848 : vector<64x256xi16>
      %add3A_855 = arith.addi %add3A_849, %add3A_850 : vector<64x256xi16>
      %add3A_856 = arith.addi %add3A_851, %add3A_852 : vector<64x256xi16>
      %add3A_857 = arith.addi %add3A_853, %add3A_854 : vector<64x256xi16>
      %add3A_858 = arith.addi %add3A_855, %add3A_856 : vector<64x256xi16>
      %add3A_859 = arith.addi %add3A_857, %add3A_858 : vector<64x256xi16>
      %convert_element_type3A_860 = arith.extsi %add3A_859 : vector<64x256xi16> to vector<64x256xi32>
      %reduce_sum3A_861 = arith.constant dense<0> : vector<256xi32>
      %reduce_sum3A_862 = vector.multi_reduction <add>, %convert_element_type3A_860, %reduce_sum3A_861 [0] : vector<64x256xi32> to vector<256xi32>
      %broadcast_in_dim3A_863 = vector.shape_cast %reduce_sum3A_862 : vector<256xi32> to vector<1x256xi32>
      %ge3A_864 = arith.cmpi sge, %broadcast_in_dim3A_863, %sub3A_286 : vector<1x256xi32>
      %select_n3A_865 = arith.select %ge3A_864, %or3A_598, %scan3A_592 : vector<1x256xi1>, vector<1x256xi32>
      scf.yield %select_n3A_865 : vector<1x256xi32>
    }
    %scan3A_296 = arith.constant 16 : i32
    %sub3A_297 = arith.constant 32768 : i32
    %sub3A_298 = vector.broadcast %sub3A_297 : i32 to vector<1x256xi32>
    %sub3A_299 = arith.subi %scan3A_21, %sub3A_298 : vector<1x256xi32>
    %shift_left3A = arith.constant 16 : i32
    %shift_left3A_300 = vector.broadcast %shift_left3A : i32 to vector<1x256xi32>
    %shift_left3A_301 = arith.shli %sub3A_299, %shift_left3A_300 : vector<1x256xi32>
    %or3A = arith.ori %shift_left3A_301, %scan3A_295 : vector<1x256xi32>
    %sub3A_302 = arith.constant 32768 : i32
    %sub3A_303 = vector.broadcast %sub3A_302 : i32 to vector<1x256xi32>
    %sub3A_304 = arith.subi %scan3A_295, %sub3A_303 : vector<1x256xi32>
    %convert_element_type3A_305 = arith.trunci %sub3A_304 : vector<1x256xi32> to vector<1x256xi16>
    %reshape3A_306 = vector.shape_cast %convert_element_type3A_305 : vector<1x256xi16> to vector<1x1x256xi16>
    %gt3A_307 = vector.broadcast %reshape3A_306 : vector<1x1x256xi16> to vector<64x64x256xi16>
    %gt3A_308 = arith.cmpi sgt, %select_n3A, %gt3A_307 : vector<64x64x256xi16>
    %slice3A_309 = vector.extract_strided_slice %gt3A_308 {offsets = [0, 0, 0], sizes = [1, 64, 256], strides = [1, 1, 1]} : vector<64x64x256xi1> to vector<1x64x256xi1>
    %squeeze3A_310 = vector.shape_cast %slice3A_309 : vector<1x64x256xi1> to vector<64x256xi1>
    %convert_element_type3A_311 = arith.extui %squeeze3A_310 : vector<64x256xi1> to vector<64x256xi16>
    %slice3A_312 = vector.extract_strided_slice %gt3A_308 {offsets = [1, 0, 0], sizes = [1, 64, 256], strides = [1, 1, 1]} : vector<64x64x256xi1> to vector<1x64x256xi1>
    %squeeze3A_313 = vector.shape_cast %slice3A_312 : vector<1x64x256xi1> to vector<64x256xi1>
    %convert_element_type3A_314 = arith.extui %squeeze3A_313 : vector<64x256xi1> to vector<64x256xi16>
    %slice3A_315 = vector.extract_strided_slice %gt3A_308 {offsets = [2, 0, 0], sizes = [1, 64, 256], strides = [1, 1, 1]} : vector<64x64x256xi1> to vector<1x64x256xi1>
    %squeeze3A_316 = vector.shape_cast %slice3A_315 : vector<1x64x256xi1> to vector<64x256xi1>
    %convert_element_type3A_317 = arith.extui %squeeze3A_316 : vector<64x256xi1> to vector<64x256xi16>
    %slice3A_318 = vector.extract_strided_slice %gt3A_308 {offsets = [3, 0, 0], sizes = [1, 64, 256], strides = [1, 1, 1]} : vector<64x64x256xi1> to vector<1x64x256xi1>
    %squeeze3A_319 = vector.shape_cast %slice3A_318 : vector<1x64x256xi1> to vector<64x256xi1>
    %convert_element_type3A_320 = arith.extui %squeeze3A_319 : vector<64x256xi1> to vector<64x256xi16>
    %slice3A_321 = vector.extract_strided_slice %gt3A_308 {offsets = [4, 0, 0], sizes = [1, 64, 256], strides = [1, 1, 1]} : vector<64x64x256xi1> to vector<1x64x256xi1>
    %squeeze3A_322 = vector.shape_cast %slice3A_321 : vector<1x64x256xi1> to vector<64x256xi1>
    %convert_element_type3A_323 = arith.extui %squeeze3A_322 : vector<64x256xi1> to vector<64x256xi16>
    %slice3A_324 = vector.extract_strided_slice %gt3A_308 {offsets = [5, 0, 0], sizes = [1, 64, 256], strides = [1, 1, 1]} : vector<64x64x256xi1> to vector<1x64x256xi1>
    %squeeze3A_325 = vector.shape_cast %slice3A_324 : vector<1x64x256xi1> to vector<64x256xi1>
    %convert_element_type3A_326 = arith.extui %squeeze3A_325 : vector<64x256xi1> to vector<64x256xi16>
    %slice3A_327 = vector.extract_strided_slice %gt3A_308 {offsets = [6, 0, 0], sizes = [1, 64, 256], strides = [1, 1, 1]} : vector<64x64x256xi1> to vector<1x64x256xi1>
    %squeeze3A_328 = vector.shape_cast %slice3A_327 : vector<1x64x256xi1> to vector<64x256xi1>
    %convert_element_type3A_329 = arith.extui %squeeze3A_328 : vector<64x256xi1> to vector<64x256xi16>
    %slice3A_330 = vector.extract_strided_slice %gt3A_308 {offsets = [7, 0, 0], sizes = [1, 64, 256], strides = [1, 1, 1]} : vector<64x64x256xi1> to vector<1x64x256xi1>
    %squeeze3A_331 = vector.shape_cast %slice3A_330 : vector<1x64x256xi1> to vector<64x256xi1>
    %convert_element_type3A_332 = arith.extui %squeeze3A_331 : vector<64x256xi1> to vector<64x256xi16>
    %slice3A_333 = vector.extract_strided_slice %gt3A_308 {offsets = [8, 0, 0], sizes = [1, 64, 256], strides = [1, 1, 1]} : vector<64x64x256xi1> to vector<1x64x256xi1>
    %squeeze3A_334 = vector.shape_cast %slice3A_333 : vector<1x64x256xi1> to vector<64x256xi1>
    %convert_element_type3A_335 = arith.extui %squeeze3A_334 : vector<64x256xi1> to vector<64x256xi16>
    %slice3A_336 = vector.extract_strided_slice %gt3A_308 {offsets = [9, 0, 0], sizes = [1, 64, 256], strides = [1, 1, 1]} : vector<64x64x256xi1> to vector<1x64x256xi1>
    %squeeze3A_337 = vector.shape_cast %slice3A_336 : vector<1x64x256xi1> to vector<64x256xi1>
    %convert_element_type3A_338 = arith.extui %squeeze3A_337 : vector<64x256xi1> to vector<64x256xi16>
    %slice3A_339 = vector.extract_strided_slice %gt3A_308 {offsets = [10, 0, 0], sizes = [1, 64, 256], strides = [1, 1, 1]} : vector<64x64x256xi1> to vector<1x64x256xi1>
    %squeeze3A_340 = vector.shape_cast %slice3A_339 : vector<1x64x256xi1> to vector<64x256xi1>
    %convert_element_type3A_341 = arith.extui %squeeze3A_340 : vector<64x256xi1> to vector<64x256xi16>
    %slice3A_342 = vector.extract_strided_slice %gt3A_308 {offsets = [11, 0, 0], sizes = [1, 64, 256], strides = [1, 1, 1]} : vector<64x64x256xi1> to vector<1x64x256xi1>
    %squeeze3A_343 = vector.shape_cast %slice3A_342 : vector<1x64x256xi1> to vector<64x256xi1>
    %convert_element_type3A_344 = arith.extui %squeeze3A_343 : vector<64x256xi1> to vector<64x256xi16>
    %slice3A_345 = vector.extract_strided_slice %gt3A_308 {offsets = [12, 0, 0], sizes = [1, 64, 256], strides = [1, 1, 1]} : vector<64x64x256xi1> to vector<1x64x256xi1>
    %squeeze3A_346 = vector.shape_cast %slice3A_345 : vector<1x64x256xi1> to vector<64x256xi1>
    %convert_element_type3A_347 = arith.extui %squeeze3A_346 : vector<64x256xi1> to vector<64x256xi16>
    %slice3A_348 = vector.extract_strided_slice %gt3A_308 {offsets = [13, 0, 0], sizes = [1, 64, 256], strides = [1, 1, 1]} : vector<64x64x256xi1> to vector<1x64x256xi1>
    %squeeze3A_349 = vector.shape_cast %slice3A_348 : vector<1x64x256xi1> to vector<64x256xi1>
    %convert_element_type3A_350 = arith.extui %squeeze3A_349 : vector<64x256xi1> to vector<64x256xi16>
    %slice3A_351 = vector.extract_strided_slice %gt3A_308 {offsets = [14, 0, 0], sizes = [1, 64, 256], strides = [1, 1, 1]} : vector<64x64x256xi1> to vector<1x64x256xi1>
    %squeeze3A_352 = vector.shape_cast %slice3A_351 : vector<1x64x256xi1> to vector<64x256xi1>
    %convert_element_type3A_353 = arith.extui %squeeze3A_352 : vector<64x256xi1> to vector<64x256xi16>
    %slice3A_354 = vector.extract_strided_slice %gt3A_308 {offsets = [15, 0, 0], sizes = [1, 64, 256], strides = [1, 1, 1]} : vector<64x64x256xi1> to vector<1x64x256xi1>
    %squeeze3A_355 = vector.shape_cast %slice3A_354 : vector<1x64x256xi1> to vector<64x256xi1>
    %convert_element_type3A_356 = arith.extui %squeeze3A_355 : vector<64x256xi1> to vector<64x256xi16>
    %slice3A_357 = vector.extract_strided_slice %gt3A_308 {offsets = [16, 0, 0], sizes = [1, 64, 256], strides = [1, 1, 1]} : vector<64x64x256xi1> to vector<1x64x256xi1>
    %squeeze3A_358 = vector.shape_cast %slice3A_357 : vector<1x64x256xi1> to vector<64x256xi1>
    %convert_element_type3A_359 = arith.extui %squeeze3A_358 : vector<64x256xi1> to vector<64x256xi16>
    %slice3A_360 = vector.extract_strided_slice %gt3A_308 {offsets = [17, 0, 0], sizes = [1, 64, 256], strides = [1, 1, 1]} : vector<64x64x256xi1> to vector<1x64x256xi1>
    %squeeze3A_361 = vector.shape_cast %slice3A_360 : vector<1x64x256xi1> to vector<64x256xi1>
    %convert_element_type3A_362 = arith.extui %squeeze3A_361 : vector<64x256xi1> to vector<64x256xi16>
    %slice3A_363 = vector.extract_strided_slice %gt3A_308 {offsets = [18, 0, 0], sizes = [1, 64, 256], strides = [1, 1, 1]} : vector<64x64x256xi1> to vector<1x64x256xi1>
    %squeeze3A_364 = vector.shape_cast %slice3A_363 : vector<1x64x256xi1> to vector<64x256xi1>
    %convert_element_type3A_365 = arith.extui %squeeze3A_364 : vector<64x256xi1> to vector<64x256xi16>
    %slice3A_366 = vector.extract_strided_slice %gt3A_308 {offsets = [19, 0, 0], sizes = [1, 64, 256], strides = [1, 1, 1]} : vector<64x64x256xi1> to vector<1x64x256xi1>
    %squeeze3A_367 = vector.shape_cast %slice3A_366 : vector<1x64x256xi1> to vector<64x256xi1>
    %convert_element_type3A_368 = arith.extui %squeeze3A_367 : vector<64x256xi1> to vector<64x256xi16>
    %slice3A_369 = vector.extract_strided_slice %gt3A_308 {offsets = [20, 0, 0], sizes = [1, 64, 256], strides = [1, 1, 1]} : vector<64x64x256xi1> to vector<1x64x256xi1>
    %squeeze3A_370 = vector.shape_cast %slice3A_369 : vector<1x64x256xi1> to vector<64x256xi1>
    %convert_element_type3A_371 = arith.extui %squeeze3A_370 : vector<64x256xi1> to vector<64x256xi16>
    %slice3A_372 = vector.extract_strided_slice %gt3A_308 {offsets = [21, 0, 0], sizes = [1, 64, 256], strides = [1, 1, 1]} : vector<64x64x256xi1> to vector<1x64x256xi1>
    %squeeze3A_373 = vector.shape_cast %slice3A_372 : vector<1x64x256xi1> to vector<64x256xi1>
    %convert_element_type3A_374 = arith.extui %squeeze3A_373 : vector<64x256xi1> to vector<64x256xi16>
    %slice3A_375 = vector.extract_strided_slice %gt3A_308 {offsets = [22, 0, 0], sizes = [1, 64, 256], strides = [1, 1, 1]} : vector<64x64x256xi1> to vector<1x64x256xi1>
    %squeeze3A_376 = vector.shape_cast %slice3A_375 : vector<1x64x256xi1> to vector<64x256xi1>
    %convert_element_type3A_377 = arith.extui %squeeze3A_376 : vector<64x256xi1> to vector<64x256xi16>
    %slice3A_378 = vector.extract_strided_slice %gt3A_308 {offsets = [23, 0, 0], sizes = [1, 64, 256], strides = [1, 1, 1]} : vector<64x64x256xi1> to vector<1x64x256xi1>
    %squeeze3A_379 = vector.shape_cast %slice3A_378 : vector<1x64x256xi1> to vector<64x256xi1>
    %convert_element_type3A_380 = arith.extui %squeeze3A_379 : vector<64x256xi1> to vector<64x256xi16>
    %slice3A_381 = vector.extract_strided_slice %gt3A_308 {offsets = [24, 0, 0], sizes = [1, 64, 256], strides = [1, 1, 1]} : vector<64x64x256xi1> to vector<1x64x256xi1>
    %squeeze3A_382 = vector.shape_cast %slice3A_381 : vector<1x64x256xi1> to vector<64x256xi1>
    %convert_element_type3A_383 = arith.extui %squeeze3A_382 : vector<64x256xi1> to vector<64x256xi16>
    %slice3A_384 = vector.extract_strided_slice %gt3A_308 {offsets = [25, 0, 0], sizes = [1, 64, 256], strides = [1, 1, 1]} : vector<64x64x256xi1> to vector<1x64x256xi1>
    %squeeze3A_385 = vector.shape_cast %slice3A_384 : vector<1x64x256xi1> to vector<64x256xi1>
    %convert_element_type3A_386 = arith.extui %squeeze3A_385 : vector<64x256xi1> to vector<64x256xi16>
    %slice3A_387 = vector.extract_strided_slice %gt3A_308 {offsets = [26, 0, 0], sizes = [1, 64, 256], strides = [1, 1, 1]} : vector<64x64x256xi1> to vector<1x64x256xi1>
    %squeeze3A_388 = vector.shape_cast %slice3A_387 : vector<1x64x256xi1> to vector<64x256xi1>
    %convert_element_type3A_389 = arith.extui %squeeze3A_388 : vector<64x256xi1> to vector<64x256xi16>
    %slice3A_390 = vector.extract_strided_slice %gt3A_308 {offsets = [27, 0, 0], sizes = [1, 64, 256], strides = [1, 1, 1]} : vector<64x64x256xi1> to vector<1x64x256xi1>
    %squeeze3A_391 = vector.shape_cast %slice3A_390 : vector<1x64x256xi1> to vector<64x256xi1>
    %convert_element_type3A_392 = arith.extui %squeeze3A_391 : vector<64x256xi1> to vector<64x256xi16>
    %slice3A_393 = vector.extract_strided_slice %gt3A_308 {offsets = [28, 0, 0], sizes = [1, 64, 256], strides = [1, 1, 1]} : vector<64x64x256xi1> to vector<1x64x256xi1>
    %squeeze3A_394 = vector.shape_cast %slice3A_393 : vector<1x64x256xi1> to vector<64x256xi1>
    %convert_element_type3A_395 = arith.extui %squeeze3A_394 : vector<64x256xi1> to vector<64x256xi16>
    %slice3A_396 = vector.extract_strided_slice %gt3A_308 {offsets = [29, 0, 0], sizes = [1, 64, 256], strides = [1, 1, 1]} : vector<64x64x256xi1> to vector<1x64x256xi1>
    %squeeze3A_397 = vector.shape_cast %slice3A_396 : vector<1x64x256xi1> to vector<64x256xi1>
    %convert_element_type3A_398 = arith.extui %squeeze3A_397 : vector<64x256xi1> to vector<64x256xi16>
    %slice3A_399 = vector.extract_strided_slice %gt3A_308 {offsets = [30, 0, 0], sizes = [1, 64, 256], strides = [1, 1, 1]} : vector<64x64x256xi1> to vector<1x64x256xi1>
    %squeeze3A_400 = vector.shape_cast %slice3A_399 : vector<1x64x256xi1> to vector<64x256xi1>
    %convert_element_type3A_401 = arith.extui %squeeze3A_400 : vector<64x256xi1> to vector<64x256xi16>
    %slice3A_402 = vector.extract_strided_slice %gt3A_308 {offsets = [31, 0, 0], sizes = [1, 64, 256], strides = [1, 1, 1]} : vector<64x64x256xi1> to vector<1x64x256xi1>
    %squeeze3A_403 = vector.shape_cast %slice3A_402 : vector<1x64x256xi1> to vector<64x256xi1>
    %convert_element_type3A_404 = arith.extui %squeeze3A_403 : vector<64x256xi1> to vector<64x256xi16>
    %slice3A_405 = vector.extract_strided_slice %gt3A_308 {offsets = [32, 0, 0], sizes = [1, 64, 256], strides = [1, 1, 1]} : vector<64x64x256xi1> to vector<1x64x256xi1>
    %squeeze3A_406 = vector.shape_cast %slice3A_405 : vector<1x64x256xi1> to vector<64x256xi1>
    %convert_element_type3A_407 = arith.extui %squeeze3A_406 : vector<64x256xi1> to vector<64x256xi16>
    %slice3A_408 = vector.extract_strided_slice %gt3A_308 {offsets = [33, 0, 0], sizes = [1, 64, 256], strides = [1, 1, 1]} : vector<64x64x256xi1> to vector<1x64x256xi1>
    %squeeze3A_409 = vector.shape_cast %slice3A_408 : vector<1x64x256xi1> to vector<64x256xi1>
    %convert_element_type3A_410 = arith.extui %squeeze3A_409 : vector<64x256xi1> to vector<64x256xi16>
    %slice3A_411 = vector.extract_strided_slice %gt3A_308 {offsets = [34, 0, 0], sizes = [1, 64, 256], strides = [1, 1, 1]} : vector<64x64x256xi1> to vector<1x64x256xi1>
    %squeeze3A_412 = vector.shape_cast %slice3A_411 : vector<1x64x256xi1> to vector<64x256xi1>
    %convert_element_type3A_413 = arith.extui %squeeze3A_412 : vector<64x256xi1> to vector<64x256xi16>
    %slice3A_414 = vector.extract_strided_slice %gt3A_308 {offsets = [35, 0, 0], sizes = [1, 64, 256], strides = [1, 1, 1]} : vector<64x64x256xi1> to vector<1x64x256xi1>
    %squeeze3A_415 = vector.shape_cast %slice3A_414 : vector<1x64x256xi1> to vector<64x256xi1>
    %convert_element_type3A_416 = arith.extui %squeeze3A_415 : vector<64x256xi1> to vector<64x256xi16>
    %slice3A_417 = vector.extract_strided_slice %gt3A_308 {offsets = [36, 0, 0], sizes = [1, 64, 256], strides = [1, 1, 1]} : vector<64x64x256xi1> to vector<1x64x256xi1>
    %squeeze3A_418 = vector.shape_cast %slice3A_417 : vector<1x64x256xi1> to vector<64x256xi1>
    %convert_element_type3A_419 = arith.extui %squeeze3A_418 : vector<64x256xi1> to vector<64x256xi16>
    %slice3A_420 = vector.extract_strided_slice %gt3A_308 {offsets = [37, 0, 0], sizes = [1, 64, 256], strides = [1, 1, 1]} : vector<64x64x256xi1> to vector<1x64x256xi1>
    %squeeze3A_421 = vector.shape_cast %slice3A_420 : vector<1x64x256xi1> to vector<64x256xi1>
    %convert_element_type3A_422 = arith.extui %squeeze3A_421 : vector<64x256xi1> to vector<64x256xi16>
    %slice3A_423 = vector.extract_strided_slice %gt3A_308 {offsets = [38, 0, 0], sizes = [1, 64, 256], strides = [1, 1, 1]} : vector<64x64x256xi1> to vector<1x64x256xi1>
    %squeeze3A_424 = vector.shape_cast %slice3A_423 : vector<1x64x256xi1> to vector<64x256xi1>
    %convert_element_type3A_425 = arith.extui %squeeze3A_424 : vector<64x256xi1> to vector<64x256xi16>
    %slice3A_426 = vector.extract_strided_slice %gt3A_308 {offsets = [39, 0, 0], sizes = [1, 64, 256], strides = [1, 1, 1]} : vector<64x64x256xi1> to vector<1x64x256xi1>
    %squeeze3A_427 = vector.shape_cast %slice3A_426 : vector<1x64x256xi1> to vector<64x256xi1>
    %convert_element_type3A_428 = arith.extui %squeeze3A_427 : vector<64x256xi1> to vector<64x256xi16>
    %slice3A_429 = vector.extract_strided_slice %gt3A_308 {offsets = [40, 0, 0], sizes = [1, 64, 256], strides = [1, 1, 1]} : vector<64x64x256xi1> to vector<1x64x256xi1>
    %squeeze3A_430 = vector.shape_cast %slice3A_429 : vector<1x64x256xi1> to vector<64x256xi1>
    %convert_element_type3A_431 = arith.extui %squeeze3A_430 : vector<64x256xi1> to vector<64x256xi16>
    %slice3A_432 = vector.extract_strided_slice %gt3A_308 {offsets = [41, 0, 0], sizes = [1, 64, 256], strides = [1, 1, 1]} : vector<64x64x256xi1> to vector<1x64x256xi1>
    %squeeze3A_433 = vector.shape_cast %slice3A_432 : vector<1x64x256xi1> to vector<64x256xi1>
    %convert_element_type3A_434 = arith.extui %squeeze3A_433 : vector<64x256xi1> to vector<64x256xi16>
    %slice3A_435 = vector.extract_strided_slice %gt3A_308 {offsets = [42, 0, 0], sizes = [1, 64, 256], strides = [1, 1, 1]} : vector<64x64x256xi1> to vector<1x64x256xi1>
    %squeeze3A_436 = vector.shape_cast %slice3A_435 : vector<1x64x256xi1> to vector<64x256xi1>
    %convert_element_type3A_437 = arith.extui %squeeze3A_436 : vector<64x256xi1> to vector<64x256xi16>
    %slice3A_438 = vector.extract_strided_slice %gt3A_308 {offsets = [43, 0, 0], sizes = [1, 64, 256], strides = [1, 1, 1]} : vector<64x64x256xi1> to vector<1x64x256xi1>
    %squeeze3A_439 = vector.shape_cast %slice3A_438 : vector<1x64x256xi1> to vector<64x256xi1>
    %convert_element_type3A_440 = arith.extui %squeeze3A_439 : vector<64x256xi1> to vector<64x256xi16>
    %slice3A_441 = vector.extract_strided_slice %gt3A_308 {offsets = [44, 0, 0], sizes = [1, 64, 256], strides = [1, 1, 1]} : vector<64x64x256xi1> to vector<1x64x256xi1>
    %squeeze3A_442 = vector.shape_cast %slice3A_441 : vector<1x64x256xi1> to vector<64x256xi1>
    %convert_element_type3A_443 = arith.extui %squeeze3A_442 : vector<64x256xi1> to vector<64x256xi16>
    %slice3A_444 = vector.extract_strided_slice %gt3A_308 {offsets = [45, 0, 0], sizes = [1, 64, 256], strides = [1, 1, 1]} : vector<64x64x256xi1> to vector<1x64x256xi1>
    %squeeze3A_445 = vector.shape_cast %slice3A_444 : vector<1x64x256xi1> to vector<64x256xi1>
    %convert_element_type3A_446 = arith.extui %squeeze3A_445 : vector<64x256xi1> to vector<64x256xi16>
    %slice3A_447 = vector.extract_strided_slice %gt3A_308 {offsets = [46, 0, 0], sizes = [1, 64, 256], strides = [1, 1, 1]} : vector<64x64x256xi1> to vector<1x64x256xi1>
    %squeeze3A_448 = vector.shape_cast %slice3A_447 : vector<1x64x256xi1> to vector<64x256xi1>
    %convert_element_type3A_449 = arith.extui %squeeze3A_448 : vector<64x256xi1> to vector<64x256xi16>
    %slice3A_450 = vector.extract_strided_slice %gt3A_308 {offsets = [47, 0, 0], sizes = [1, 64, 256], strides = [1, 1, 1]} : vector<64x64x256xi1> to vector<1x64x256xi1>
    %squeeze3A_451 = vector.shape_cast %slice3A_450 : vector<1x64x256xi1> to vector<64x256xi1>
    %convert_element_type3A_452 = arith.extui %squeeze3A_451 : vector<64x256xi1> to vector<64x256xi16>
    %slice3A_453 = vector.extract_strided_slice %gt3A_308 {offsets = [48, 0, 0], sizes = [1, 64, 256], strides = [1, 1, 1]} : vector<64x64x256xi1> to vector<1x64x256xi1>
    %squeeze3A_454 = vector.shape_cast %slice3A_453 : vector<1x64x256xi1> to vector<64x256xi1>
    %convert_element_type3A_455 = arith.extui %squeeze3A_454 : vector<64x256xi1> to vector<64x256xi16>
    %slice3A_456 = vector.extract_strided_slice %gt3A_308 {offsets = [49, 0, 0], sizes = [1, 64, 256], strides = [1, 1, 1]} : vector<64x64x256xi1> to vector<1x64x256xi1>
    %squeeze3A_457 = vector.shape_cast %slice3A_456 : vector<1x64x256xi1> to vector<64x256xi1>
    %convert_element_type3A_458 = arith.extui %squeeze3A_457 : vector<64x256xi1> to vector<64x256xi16>
    %slice3A_459 = vector.extract_strided_slice %gt3A_308 {offsets = [50, 0, 0], sizes = [1, 64, 256], strides = [1, 1, 1]} : vector<64x64x256xi1> to vector<1x64x256xi1>
    %squeeze3A_460 = vector.shape_cast %slice3A_459 : vector<1x64x256xi1> to vector<64x256xi1>
    %convert_element_type3A_461 = arith.extui %squeeze3A_460 : vector<64x256xi1> to vector<64x256xi16>
    %slice3A_462 = vector.extract_strided_slice %gt3A_308 {offsets = [51, 0, 0], sizes = [1, 64, 256], strides = [1, 1, 1]} : vector<64x64x256xi1> to vector<1x64x256xi1>
    %squeeze3A_463 = vector.shape_cast %slice3A_462 : vector<1x64x256xi1> to vector<64x256xi1>
    %convert_element_type3A_464 = arith.extui %squeeze3A_463 : vector<64x256xi1> to vector<64x256xi16>
    %slice3A_465 = vector.extract_strided_slice %gt3A_308 {offsets = [52, 0, 0], sizes = [1, 64, 256], strides = [1, 1, 1]} : vector<64x64x256xi1> to vector<1x64x256xi1>
    %squeeze3A_466 = vector.shape_cast %slice3A_465 : vector<1x64x256xi1> to vector<64x256xi1>
    %convert_element_type3A_467 = arith.extui %squeeze3A_466 : vector<64x256xi1> to vector<64x256xi16>
    %slice3A_468 = vector.extract_strided_slice %gt3A_308 {offsets = [53, 0, 0], sizes = [1, 64, 256], strides = [1, 1, 1]} : vector<64x64x256xi1> to vector<1x64x256xi1>
    %squeeze3A_469 = vector.shape_cast %slice3A_468 : vector<1x64x256xi1> to vector<64x256xi1>
    %convert_element_type3A_470 = arith.extui %squeeze3A_469 : vector<64x256xi1> to vector<64x256xi16>
    %slice3A_471 = vector.extract_strided_slice %gt3A_308 {offsets = [54, 0, 0], sizes = [1, 64, 256], strides = [1, 1, 1]} : vector<64x64x256xi1> to vector<1x64x256xi1>
    %squeeze3A_472 = vector.shape_cast %slice3A_471 : vector<1x64x256xi1> to vector<64x256xi1>
    %convert_element_type3A_473 = arith.extui %squeeze3A_472 : vector<64x256xi1> to vector<64x256xi16>
    %slice3A_474 = vector.extract_strided_slice %gt3A_308 {offsets = [55, 0, 0], sizes = [1, 64, 256], strides = [1, 1, 1]} : vector<64x64x256xi1> to vector<1x64x256xi1>
    %squeeze3A_475 = vector.shape_cast %slice3A_474 : vector<1x64x256xi1> to vector<64x256xi1>
    %convert_element_type3A_476 = arith.extui %squeeze3A_475 : vector<64x256xi1> to vector<64x256xi16>
    %slice3A_477 = vector.extract_strided_slice %gt3A_308 {offsets = [56, 0, 0], sizes = [1, 64, 256], strides = [1, 1, 1]} : vector<64x64x256xi1> to vector<1x64x256xi1>
    %squeeze3A_478 = vector.shape_cast %slice3A_477 : vector<1x64x256xi1> to vector<64x256xi1>
    %convert_element_type3A_479 = arith.extui %squeeze3A_478 : vector<64x256xi1> to vector<64x256xi16>
    %slice3A_480 = vector.extract_strided_slice %gt3A_308 {offsets = [57, 0, 0], sizes = [1, 64, 256], strides = [1, 1, 1]} : vector<64x64x256xi1> to vector<1x64x256xi1>
    %squeeze3A_481 = vector.shape_cast %slice3A_480 : vector<1x64x256xi1> to vector<64x256xi1>
    %convert_element_type3A_482 = arith.extui %squeeze3A_481 : vector<64x256xi1> to vector<64x256xi16>
    %slice3A_483 = vector.extract_strided_slice %gt3A_308 {offsets = [58, 0, 0], sizes = [1, 64, 256], strides = [1, 1, 1]} : vector<64x64x256xi1> to vector<1x64x256xi1>
    %squeeze3A_484 = vector.shape_cast %slice3A_483 : vector<1x64x256xi1> to vector<64x256xi1>
    %convert_element_type3A_485 = arith.extui %squeeze3A_484 : vector<64x256xi1> to vector<64x256xi16>
    %slice3A_486 = vector.extract_strided_slice %gt3A_308 {offsets = [59, 0, 0], sizes = [1, 64, 256], strides = [1, 1, 1]} : vector<64x64x256xi1> to vector<1x64x256xi1>
    %squeeze3A_487 = vector.shape_cast %slice3A_486 : vector<1x64x256xi1> to vector<64x256xi1>
    %convert_element_type3A_488 = arith.extui %squeeze3A_487 : vector<64x256xi1> to vector<64x256xi16>
    %slice3A_489 = vector.extract_strided_slice %gt3A_308 {offsets = [60, 0, 0], sizes = [1, 64, 256], strides = [1, 1, 1]} : vector<64x64x256xi1> to vector<1x64x256xi1>
    %squeeze3A_490 = vector.shape_cast %slice3A_489 : vector<1x64x256xi1> to vector<64x256xi1>
    %convert_element_type3A_491 = arith.extui %squeeze3A_490 : vector<64x256xi1> to vector<64x256xi16>
    %slice3A_492 = vector.extract_strided_slice %gt3A_308 {offsets = [61, 0, 0], sizes = [1, 64, 256], strides = [1, 1, 1]} : vector<64x64x256xi1> to vector<1x64x256xi1>
    %squeeze3A_493 = vector.shape_cast %slice3A_492 : vector<1x64x256xi1> to vector<64x256xi1>
    %convert_element_type3A_494 = arith.extui %squeeze3A_493 : vector<64x256xi1> to vector<64x256xi16>
    %slice3A_495 = vector.extract_strided_slice %gt3A_308 {offsets = [62, 0, 0], sizes = [1, 64, 256], strides = [1, 1, 1]} : vector<64x64x256xi1> to vector<1x64x256xi1>
    %squeeze3A_496 = vector.shape_cast %slice3A_495 : vector<1x64x256xi1> to vector<64x256xi1>
    %convert_element_type3A_497 = arith.extui %squeeze3A_496 : vector<64x256xi1> to vector<64x256xi16>
    %slice3A_498 = vector.extract_strided_slice %gt3A_308 {offsets = [63, 0, 0], sizes = [1, 64, 256], strides = [1, 1, 1]} : vector<64x64x256xi1> to vector<1x64x256xi1>
    %squeeze3A_499 = vector.shape_cast %slice3A_498 : vector<1x64x256xi1> to vector<64x256xi1>
    %convert_element_type3A_500 = arith.extui %squeeze3A_499 : vector<64x256xi1> to vector<64x256xi16>
    %add3A_501 = arith.addi %convert_element_type3A_311, %convert_element_type3A_314 : vector<64x256xi16>
    %add3A_502 = arith.addi %convert_element_type3A_317, %convert_element_type3A_320 : vector<64x256xi16>
    %add3A_503 = arith.addi %convert_element_type3A_323, %convert_element_type3A_326 : vector<64x256xi16>
    %add3A_504 = arith.addi %convert_element_type3A_329, %convert_element_type3A_332 : vector<64x256xi16>
    %add3A_505 = arith.addi %convert_element_type3A_335, %convert_element_type3A_338 : vector<64x256xi16>
    %add3A_506 = arith.addi %convert_element_type3A_341, %convert_element_type3A_344 : vector<64x256xi16>
    %add3A_507 = arith.addi %convert_element_type3A_347, %convert_element_type3A_350 : vector<64x256xi16>
    %add3A_508 = arith.addi %convert_element_type3A_353, %convert_element_type3A_356 : vector<64x256xi16>
    %add3A_509 = arith.addi %convert_element_type3A_359, %convert_element_type3A_362 : vector<64x256xi16>
    %add3A_510 = arith.addi %convert_element_type3A_365, %convert_element_type3A_368 : vector<64x256xi16>
    %add3A_511 = arith.addi %convert_element_type3A_371, %convert_element_type3A_374 : vector<64x256xi16>
    %add3A_512 = arith.addi %convert_element_type3A_377, %convert_element_type3A_380 : vector<64x256xi16>
    %add3A_513 = arith.addi %convert_element_type3A_383, %convert_element_type3A_386 : vector<64x256xi16>
    %add3A_514 = arith.addi %convert_element_type3A_389, %convert_element_type3A_392 : vector<64x256xi16>
    %add3A_515 = arith.addi %convert_element_type3A_395, %convert_element_type3A_398 : vector<64x256xi16>
    %add3A_516 = arith.addi %convert_element_type3A_401, %convert_element_type3A_404 : vector<64x256xi16>
    %add3A_517 = arith.addi %convert_element_type3A_407, %convert_element_type3A_410 : vector<64x256xi16>
    %add3A_518 = arith.addi %convert_element_type3A_413, %convert_element_type3A_416 : vector<64x256xi16>
    %add3A_519 = arith.addi %convert_element_type3A_419, %convert_element_type3A_422 : vector<64x256xi16>
    %add3A_520 = arith.addi %convert_element_type3A_425, %convert_element_type3A_428 : vector<64x256xi16>
    %add3A_521 = arith.addi %convert_element_type3A_431, %convert_element_type3A_434 : vector<64x256xi16>
    %add3A_522 = arith.addi %convert_element_type3A_437, %convert_element_type3A_440 : vector<64x256xi16>
    %add3A_523 = arith.addi %convert_element_type3A_443, %convert_element_type3A_446 : vector<64x256xi16>
    %add3A_524 = arith.addi %convert_element_type3A_449, %convert_element_type3A_452 : vector<64x256xi16>
    %add3A_525 = arith.addi %convert_element_type3A_455, %convert_element_type3A_458 : vector<64x256xi16>
    %add3A_526 = arith.addi %convert_element_type3A_461, %convert_element_type3A_464 : vector<64x256xi16>
    %add3A_527 = arith.addi %convert_element_type3A_467, %convert_element_type3A_470 : vector<64x256xi16>
    %add3A_528 = arith.addi %convert_element_type3A_473, %convert_element_type3A_476 : vector<64x256xi16>
    %add3A_529 = arith.addi %convert_element_type3A_479, %convert_element_type3A_482 : vector<64x256xi16>
    %add3A_530 = arith.addi %convert_element_type3A_485, %convert_element_type3A_488 : vector<64x256xi16>
    %add3A_531 = arith.addi %convert_element_type3A_491, %convert_element_type3A_494 : vector<64x256xi16>
    %add3A_532 = arith.addi %convert_element_type3A_497, %convert_element_type3A_500 : vector<64x256xi16>
    %add3A_533 = arith.addi %add3A_501, %add3A_502 : vector<64x256xi16>
    %add3A_534 = arith.addi %add3A_503, %add3A_504 : vector<64x256xi16>
    %add3A_535 = arith.addi %add3A_505, %add3A_506 : vector<64x256xi16>
    %add3A_536 = arith.addi %add3A_507, %add3A_508 : vector<64x256xi16>
    %add3A_537 = arith.addi %add3A_509, %add3A_510 : vector<64x256xi16>
    %add3A_538 = arith.addi %add3A_511, %add3A_512 : vector<64x256xi16>
    %add3A_539 = arith.addi %add3A_513, %add3A_514 : vector<64x256xi16>
    %add3A_540 = arith.addi %add3A_515, %add3A_516 : vector<64x256xi16>
    %add3A_541 = arith.addi %add3A_517, %add3A_518 : vector<64x256xi16>
    %add3A_542 = arith.addi %add3A_519, %add3A_520 : vector<64x256xi16>
    %add3A_543 = arith.addi %add3A_521, %add3A_522 : vector<64x256xi16>
    %add3A_544 = arith.addi %add3A_523, %add3A_524 : vector<64x256xi16>
    %add3A_545 = arith.addi %add3A_525, %add3A_526 : vector<64x256xi16>
    %add3A_546 = arith.addi %add3A_527, %add3A_528 : vector<64x256xi16>
    %add3A_547 = arith.addi %add3A_529, %add3A_530 : vector<64x256xi16>
    %add3A_548 = arith.addi %add3A_531, %add3A_532 : vector<64x256xi16>
    %add3A_549 = arith.addi %add3A_533, %add3A_534 : vector<64x256xi16>
    %add3A_550 = arith.addi %add3A_535, %add3A_536 : vector<64x256xi16>
    %add3A_551 = arith.addi %add3A_537, %add3A_538 : vector<64x256xi16>
    %add3A_552 = arith.addi %add3A_539, %add3A_540 : vector<64x256xi16>
    %add3A_553 = arith.addi %add3A_541, %add3A_542 : vector<64x256xi16>
    %add3A_554 = arith.addi %add3A_543, %add3A_544 : vector<64x256xi16>
    %add3A_555 = arith.addi %add3A_545, %add3A_546 : vector<64x256xi16>
    %add3A_556 = arith.addi %add3A_547, %add3A_548 : vector<64x256xi16>
    %add3A_557 = arith.addi %add3A_549, %add3A_550 : vector<64x256xi16>
    %add3A_558 = arith.addi %add3A_551, %add3A_552 : vector<64x256xi16>
    %add3A_559 = arith.addi %add3A_553, %add3A_554 : vector<64x256xi16>
    %add3A_560 = arith.addi %add3A_555, %add3A_556 : vector<64x256xi16>
    %add3A_561 = arith.addi %add3A_557, %add3A_558 : vector<64x256xi16>
    %add3A_562 = arith.addi %add3A_559, %add3A_560 : vector<64x256xi16>
    %add3A_563 = arith.addi %add3A_561, %add3A_562 : vector<64x256xi16>
    %convert_element_type3A_564 = arith.extsi %add3A_563 : vector<64x256xi16> to vector<64x256xi32>
    %reduce_sum3A_565 = arith.constant dense<0> : vector<256xi32>
    %reduce_sum3A_566 = vector.multi_reduction <add>, %convert_element_type3A_564, %reduce_sum3A_565 [0] : vector<64x256xi32> to vector<256xi32>
    %broadcast_in_dim3A_567 = vector.shape_cast %reduce_sum3A_566 : vector<256xi32> to vector<1x256xi32>
    %add3A_568 = arith.addi %broadcast_in_dim3A_283, %broadcast_in_dim3A_567 : vector<1x256xi32>
    %lt3A = arith.constant 0 : i32
    %lt3A_569 = vector.broadcast %lt3A : i32 to vector<1x256xi32>
    %lt3A_570 = arith.cmpi slt, %or3A, %lt3A_569 : vector<1x256xi32>
    %xor3A_571 = arith.constant -2147483648 : i32
    %xor3A_572 = vector.broadcast %xor3A_571 : i32 to vector<1x256xi32>
    %xor3A_573 = arith.xori %or3A, %xor3A_572 : vector<1x256xi32>
    %not3A = arith.constant dense<-1> : vector<1x256xi32>
    %not3A_574 = arith.xori %xor3A_573, %not3A : vector<1x256xi32>
    %select_n3A_575 = arith.select %lt3A_570, %not3A_574, %or3A : vector<1x256xi1>, vector<1x256xi32>
    %bitcast_convert_type3A_576 = tpu.bitcast %select_n3A_575 : vector<1x256xi32> -> vector<1x256xf32>
    %broadcast_in_dim3A_577 = vector.shape_cast %bitcast_convert_type3A_576 : vector<1x256xf32> to vector<1x1x1x256xf32>
    %swap3A = arith.constant 0 : index
    %swap3A_578 = arith.constant 0 : index
    %swap3A_579 = arith.constant 0 : index
    %swap3A_580 = arith.constant 0 : index
    %swap3A_581 = vector.load %arg3[%swap3A, %swap3A_578, %swap3A_579, %swap3A_580] : memref<1x1x1x256xf32, #tpu.memory_space<vmem>>, vector<1x1x1x256xf32>
    tpu.vector_store %arg3[%swap3A, %swap3A_578, %swap3A_579, %swap3A_580], %broadcast_in_dim3A_577 {strides = array<i32>} : memref<1x1x1x256xf32, #tpu.memory_space<vmem>>, vector<1x1x1x256xf32>,
    %sub3A_582 = arith.constant 64 : i32
    %sub3A_583 = vector.broadcast %sub3A_582 : i32 to vector<1x256xi32>
    %sub3A_584 = arith.subi %sub3A_583, %add3A_568 : vector<1x256xi32>
    %broadcast_in_dim3A_585 = vector.shape_cast %sub3A_584 : vector<1x256xi32> to vector<1x1x1x256xi32>
    %swap3A_586 = arith.constant 0 : index
    %swap3A_587 = arith.constant 0 : index
    %swap3A_588 = arith.constant 0 : index
    %swap3A_589 = arith.constant 0 : index
    %swap3A_590 = vector.load %arg4[%swap3A_586, %swap3A_587, %swap3A_588, %swap3A_589] : memref<1x1x1x256xi32, #tpu.memory_space<vmem>>, vector<1x1x1x256xi32>
    tpu.vector_store %arg4[%swap3A_586, %swap3A_587, %swap3A_588, %swap3A_589], %broadcast_in_dim3A_585 {strides = array<i32>} : memref<1x1x1x256xi32, #tpu.memory_space<vmem>>, vector<1x1x1x256xi32>,
    return
  }
  func.func @transform_0(%arg0: i32, %arg1: i32) -> (i32, i32, i32) {
    %c0_i32 = arith.constant 0 : i32
    %c0_i32_0 = arith.constant 0 : i32
    return %arg0, %c0_i32, %arg1 : i32, i32, i32
  }
  func.func @transform_1(%arg0: i32, %arg1: i32) -> (i32, i32, i32, i32) {
    %c0_i32 = arith.constant 0 : i32
    %c0_i32_0 = arith.constant 0 : i32
    %c0_i32_1 = arith.constant 0 : i32
    return %arg0, %arg1, %c0_i32, %c0_i32_0 : i32, i32, i32, i32
  }
  func.func @transform_2(%arg0: i32, %arg1: i32) -> (i32, i32, i32, i32) {
    %c0_i32 = arith.constant 0 : i32
    %c0_i32_0 = arith.constant 0 : i32
    %c0_i32_1 = arith.constant 0 : i32
    return %arg0, %arg1, %c0_i32, %c0_i32_0 : i32, i32, i32, i32
  }
}

</mosaic_0001>

<sc_bundles>
// kernel: kernel.4.cloned.1.call-start
scs
__scs_entry_jumppad:
0x0: {  	(pc) =	sbr.rel $0x88, $3  }
0x1: {  	(tag) =	ssettag $0x0;
	lr =	simm.s32 $0x1  }
0x2: {  	[smem:$0x3FA0] =	sst lr;
	_ =	strace $0xD0000000  }
0x3: {  	_ = 	snop  }
0x4: {  	_ = 	snop  }
0x5: {  	_ = 	snop  }
0x6: {  	_ = 	snop  }
0x7: {  	_ = 	snop  }
__scs_overlays_trampoline_lowered:
0x8: {  	[smem:$0x3FAF] =	sst s0  }
0x9: {  	[smem:$0x3FB0] =	sst s1  }
0xa: {  	[smem:$0x3FB1] =	sst s2  }
0xb: {  	[smem:$0x3FB2] =	sst s3  }
0xc: {  	[smem:$0x3FB3] =	sst s4  }
0xd: {  	[smem:$0x3FB4] =	sst s5  }
0xe: {  	[smem:$0x3FB5] =	sst s6  }
0xf: {  	[smem:$0x3FB6] =	sst s7  }
0x10: {  	[smem:$0x3FB7] =	sst s8  }
0x11: {  	[smem:$0x3FB8] =	sst s9;
	s0 =	simm.s32 @!p0 $0x0  }
0x12: {  	s1 =	sld [smem:$0x3F9E];
	s0 =	simm.s32 @p0 $0x1  }
0x13: {  	[smem:$0x3FB9] =	sst s0;
	s0 =	simm.s32 @!p1 $0x0  }
0x14: {  	s2 =	sld [smem:$0x3F9D];
	s0 =	simm.s32 @p1 $0x1  }
0x15: {  	[smem:$0x3FBA] =	sst s0;
	s0 =	simm.s32 @!p2 $0x0  }
0x16: {  	s3 =	sld [smem:$0x3FDB];
	s0 =	simm.s32 @p2 $0x1  }
0x17: {  	s4 =	simm.s32 $0x1BF5;
	[smem:$0x3FBC] =	sst s0  }
0x18: {  	s0 =	sld [smem:$0x3F9F];
	_ =	swait.ge [sflag:s4], $0x0  }
0x19: {  	s7 =	sld [smem:$0x3FA0]  }
0x1a: {  	s8 =	sadd.s32 $0xFFFFE003, lr  }
0x1b: {  	s9 =	sadd.s32 $0xFFFFFEF7, lr;
	s5 =	simm.s32 $0xFFFFFFFF;
	p2 =	slt.u32 s8, $0xFFFFF086  }
0x1c: {  	p1 =	slt.u32 s9, $0xF7A;
	s5 =	simm.s32 @!p2 $0x0  }
0x1d: {  	s5 =	simm.s32 @p1 $0x1;
	p0 =	seq.s32 s7, s2  }
0x1e: {  	s7 =	smul.u32 @!p0 $0xF7A, s2;
	p2 =	seq.s32 @!p0 s5, $0x0  }
0x1f: {  	s9 =	smul.u32 $0xF7A, s1;
	s8 =	simm.s32 @!p0 $0x1BF5;
	p2 =	por !p2, p0  }
0x20: {  	[sflag:s8] =	ssyncset.s32 @!p0 $0xFFFFF086;
	s6 =	sadd.s32 @!p0 s3, s7;
	s7 =	simm.s32 @!p0 $0x108  }
0x21: {  	s3 =	sadd.s32 s3, s9;
	s6 =	sadd.s32 @!p0 $0x88, s6;
	s7 =	simm.s32 @p2 $0x1082  }
0x22: {  	[simem:s7], [sflag:s8] =	dma.local @!p0 [hbm:s6], $0xF7A  }
0x23: {  	s9 =	sor.u32 $0xD0000000, s2;
	s6 =	simm.s32 $0x108;
	_ =	swait.ge @!p0 [sflag:s8], $0x0  }
0x24: {  	s3 =	sadd.s32 $0x88, s3;
	s6 =	simm.s32 @!p1 $0x1082;
	[sflag:s4] =	ssyncset.s32 $0xFFFFF086  }
0x25: {  	[simem:s6], [sflag:s4] =	dma.local [hbm:s3], $0xF7A  }
0x26: {  	[smem:$0x3FA0] =	sst s1;
	(tag) =	ssettag s2;
	_ =	strace s9  }
0x27: {  	s1 =	sld [smem:$0x3FB0]  }
0x28: {  	s2 =	sld [smem:$0x3FB1]  }
0x29: {  	s4 =	sld [smem:$0x3FB3]  }
0x2a: {  	p0 =	seq.s32 s5, $0x0;
	s5 =	sld [smem:$0x3FB4]  }
0x2b: {  	s6 =	sld [smem:$0x3FB5]  }
0x2c: {  	s7 =	sld [smem:$0x3FB6]  }
0x2d: {  	s3 =	simm.s32 $0x108;
	s8 =	sld [smem:$0x3FB7]  }
0x2e: {  	s3 =	simm.s32 @!p0 $0x1082;
	s9 =	sld [smem:$0x3FB8]  }
0x2f: {  	lr =	sadd.s32 s0, s3;
	s0 =	sld [smem:$0x3FAF]  }
0x30: {  	s3 =	sld [smem:$0x3FB2]  }
0x31: {  	[smem:$0x3FBB] =	sst s10  }
0x32: {  	s10 =	sld [smem:$0x3FB9];
	_ =	sdelay $0x3  }
0x33: {  	p0 =	seq.s32 s10, $0x1;
	s10 =	sld [smem:$0x3FBB];
	_ =	sdelay $0x3  }
0x34: {  	[smem:$0x3FBB] =	sst s10  }
0x35: {  	s10 =	sld [smem:$0x3FBA];
	_ =	sdelay $0x3  }
0x36: {  	p1 =	seq.s32 s10, $0x1;
	s10 =	sld [smem:$0x3FBB];
	_ =	sdelay $0x3  }
0x37: {  	[smem:$0x3FBB] =	sst s10  }
0x38: {  	s10 =	sld [smem:$0x3FBC]  }
0x39: {  	_ = 	snop;
	(pc) =	sbr.ind lr, $3  }
0x3a: {  	_ = 	snop  }
0x3b: {  	_ = 	snop  }
0x3c: {  	p2 =	seq.s32 s10, $0x1;
	s10 =	sld [smem:$0x3FBB]  }
0x3d: {  	_ =	shalt  }
0x3e: {  	_ =	shalt  }
0x3f: {  	_ =	shalt  }
0x40: {  	_ =	shalt  }
0x41: {  	_ =	shalt  }
0x42: {  	_ =	shalt  }
0x43: {  	_ =	shalt  }
0x44: {  	_ =	shalt  }
0x45: {  	_ =	shalt  }
0x46: {  	_ =	shalt  }
0x47: {  	_ =	shalt  }
0x48: {  	_ =	shalt  }
0x49: {  	_ =	shalt  }
0x4a: {  	_ =	shalt  }
0x4b: {  	_ =	shalt  }
0x4c: {  	_ =	shalt  }
0x4d: {  	_ =	shalt  }
0x4e: {  	_ =	shalt  }
0x4f: {  	_ =	shalt  }
0x50: {  	_ =	shalt  }
0x51: {  	_ =	shalt  }
0x52: {  	_ =	shalt  }
0x53: {  	_ =	shalt  }
0x54: {  	_ =	shalt  }
0x55: {  	_ =	shalt  }
0x56: {  	_ =	shalt  }
0x57: {  	_ =	shalt  }
0x58: {  	_ =	shalt  }
0x59: {  	_ =	shalt  }
0x5a: {  	_ =	shalt  }
0x5b: {  	_ =	shalt  }
0x5c: {  	_ =	shalt  }
0x5d: {  	_ =	shalt  }
0x5e: {  	_ =	shalt  }
0x5f: {  	_ =	shalt  }
0x60: {  	_ =	shalt  }
0x61: {  	_ =	shalt  }
0x62: {  	_ =	shalt  }
0x63: {  	_ =	shalt  }
0x64: {  	_ =	shalt  }
0x65: {  	_ =	shalt  }
0x66: {  	_ =	shalt  }
0x67: {  	_ =	shalt  }
0x68: {  	_ =	shalt  }
0x69: {  	_ =	shalt  }
0x6a: {  	_ =	shalt  }
0x6b: {  	_ =	shalt  }
0x6c: {  	_ =	shalt  }
0x6d: {  	_ =	shalt  }
0x6e: {  	_ =	shalt  }
0x6f: {  	_ =	shalt  }
0x70: {  	_ =	shalt  }
0x71: {  	_ =	shalt  }
0x72: {  	_ =	shalt  }
0x73: {  	_ =	shalt  }
0x74: {  	_ =	shalt  }
0x75: {  	_ =	shalt  }
0x76: {  	_ =	shalt  }
0x77: {  	_ =	shalt  }
0x78: {  	_ =	shalt  }
0x79: {  	_ =	shalt  }
0x7a: {  	_ =	shalt  }
0x7b: {  	_ =	shalt  }
0x7c: {  	_ =	shalt  }
0x7d: {  	_ =	shalt  }
0x7e: {  	_ =	shalt  }
0x7f: {  	_ =	shalt  }
0x80: {  	_ =	shalt  }
0x81: {  	_ =	shalt  }
0x82: {  	_ =	shalt  }
0x83: {  	_ =	shalt  }
0x84: {  	_ =	shalt  }
0x85: {  	_ =	shalt  }
0x86: {  	_ =	shalt  }
0x87: {  	_ =	shalt  }
.Lfunc_end0:
.L_simem_size_0:
called_computation_lowered:
.L_overlay_start_0:
0x88: {  	s2 =	sld [smem:$0x3FD9]  }
0x89: {  	s3 =	sld [smem:$0x3FFE];
	_ =	sdelay $0x1  }
0x8a: {  	s1 =	srdreg.scid  }
0x8b: {  	s0 =	sand.u32 $0x1, s1  }
0x8c: {  	s17 =	sshll.u32 s0, $0xA;
	s2 =	sadd.s32 s3, s2  }
0x8d: {  	s2 =	sadd.s32 s2, s17  }
0x8e: {  	[smem:$0x3FC7] =	sst s2  }
0x8f: {  	_ = 	snop  }
0x90: {  	s2 =	sld [smem:$0x3FC9]  }
0x91: {  	s18 =	sld [smem:$0x3FD0];
	(tm) =	ssettm $0x1  }
0x92: {  	s4 =	sld [smem:$0x3FFB];
	_ =	sdelay $0x3  }
0x93: {  	_ =	strace s4  }
0x94: {  	s4 =	sld [smem:$0x3FFC];
	_ =	sdelay $0x3  }
0x95: {  	_ =	strace s4  }
0x96: {  	s4 =	sld [smem:$0x3FFD];
	_ =	sdelay $0x3  }
0x97: {  	_ =	strace s4  }
0x98: {  	_ =	strace $0x8FFFFFFF  }
0x99: {  	s19 =	sld [smem:$0x3FDB];
	_ =	sdelay $0x1  }
0x9a: {  	s5 =	simm.s32 $_scs_section_size  }
0x9b: {  	s6 =	simm.s32 $_size__tile_overlayer_lowered;
	s7 =	simm.s32 $_tile_overlayer_lowered  }
0x9c: {  	s22 =	simm.s32 $0x1BFF;
	s21 =	sshll.u32 s7, $0x1;
	s4 =	sadd.s32 s5, s19  }
0x9d: {  	s8 =	simm.s32 $0x0;
	s20 =	sshll.u32 s6, $0x1;
	s6 =	sadd.s32 s21, s4  }
0x9e: {  	[timem:s8], [sflag:s22] =	dma.local [hbm:s6], s20  }
0x9f: {  	_ =	swait.ge [sflag:s22], s20  }
0xa0: {  	s5 =	ssub.s32 $0x0, s20;
	[sflag:s22] =	ssyncset.done $0x0  }
0xa1: {  	[sflag:s22] =	ssyncadd.s32 s5;
	_ =	sdelay $0x1  }
0xa2: {  	s23 =	simm.s32 $0x1B8B  }
0xa3: {  	_ =	swait.ge [sflag:s23], $0x1  }
0xa4: {  	[sflag:s23] =	ssyncset.done $0x0  }
0xa5: {  	s25 =	simm.s32 $0x1B8E;
	s24 =	sld [smem:$0x3FFE];
	[sflag:s23] =	ssyncadd.s32 $0xFFFFFFFF  }
0xa6: {  	s26 =	simm.s32 $execute0_lowered;
	[smem:$0x3FD2] =	sst s25  }
0xa7: {  	s6 =	sshll.u32 s26, $0x1;
	_ =	strace $0x80000046;
	[dreg:$0x1] =	wrdreg $0xFFFFFFFF  }
0xa8: {  	s28 =	simm.s32 $_size_execute0_lowered;
	s4 =	sadd.s32 s4, s6;
	[dreg:$0x0] =	wrdreg $0x0  }
0xa9: {  	s6 =	sshll.u32 s28, $0x1;
	[dreg:$0x2] =	wrdreg s4  }
0xaa: {  	[dreg:$0x3] =	wrdreg s6  }
0xab: {  	[dreg:$0x4] =	wrdreg $0xC0  }
0xac: {  	_ =	task [dreg:s8], $0x5FFFF  }
0xad: {  	[dreg:$0x1] =	wrdreg $0xFFFFFFFF  }
0xae: {  	[dreg:$0x0] =	wrdreg $0x60  }
0xaf: {  	[dreg:$0x2] =	wrdreg s2  }
0xb0: {  	[dreg:$0x3] =	wrdreg s24  }
0xb1: {  	[dreg:$0x4] =	wrdreg s18  }
0xb2: {  	[dreg:$0x5] =	wrdreg $0x9  }
0xb3: {  	_ =	task.clear_ibuf [dreg:s8], $0x6FFFF;
	_ =	strace $0x90000046  }
0xb4: {  	s29 =	simm.s32 $0x9;
	_ =	strace $0x80000048  }
0xb5: {  	_ =	swait.ge [sflag:s29], $0x1  }
0xb6: {  	[sflag:s29] =	ssyncadd.s32 $0xFFFFFFFF  }
0xb7: {  	_ =	strace $0x90000048  }
0xb8: {  	_ =	sfence  }
0xb9: {  	s30 =	sld [smem:$0x0];
	_ =	sdelay $0x2  }
0xba: {  	s31 =	sshll.u32 s1, $0xD;
	s1 =	sshrl.u32 s1, $0x2  }
0xbb: {  	s3 =	sand.u32 $0x4000, s31;
	s1 =	sadd.s32 s1, s30  }
0xbc: {  	s0 =	sor.u32 s3, s0;
	s1 =	sshll.u32 s1, $0x11  }
0xbd: {  	s0 =	sor.u32 s1, s0  }
0xbe: {  	s0 =	sadd.s32 $0x8F2B, s0  }
0xbf: {  	[sflag:s0] =	ssyncadd.remote.s32 $0x1  }
0xc0: {  	_ =	sfence.sel $0xFFFF  }
0xc1: {  	[dreg:$0x0] =	wrdreg $0xFFFFFFFF;
	(pc) =	sbr.abs _section_cstart, $3  }
0xc2: {  	[dreg:$0x1] =	wrdreg $0xFFFFFFFF  }
0xc3: {  	_ =	task.clear_ibuf [dreg:s8], $0x2FFFF;
	_ =	strace $0x9FFFFFFF  }
0xc4: {  	(tm) =	ssettm $0x7FFFFFFF  }
0xc5: {  	_ =	shalt  }
tec
execute0_lowered:
.L_overlay_start_1:
0x0: {  	(tag) =	ssettag $0x1  }
0x1: {  	s4 =	rddreg [dreg:$0x0]  }
0x2: {  	s0 =	srdreg.scid;
	s5 =	rddreg [dreg:$0x1]  }
0x3: {  	s2 =	stileid.u32;
	s8 =	rddreg [dreg:$0x2]  }
0x4: {  	s20 =	simm.s32 $0x3;
	s22 =	simm.s32 $0x400;
	s23 =	simm.s32 $0x2000  }
0x5: {  	s28 =	simm.s32 $0x10800;
	s29 =	simm.s32 $0x10C00;
	s30 =	simm.s32 $0x11000  }
0x6: {  	s31 =	simm.s32 $0x11400;
	s19 =	simm.s32 $0x2;
	s0 =	sand.u32 $0x1, s0  }
0x7: {  	s21 =	simm.s32 $0x0;
	s3 =	sand.u32 $0x7, s2;
	s1 =	sshll.u32 s0, $0x4  }
0x8: {  	p1 =	sne.s32 s3, $0x0;
	s7 =	sshll.u32 s3, $0x7;
	s0 =	ssub.s32 $0x2, s0  }
0x9: {  	s1 =	sor.u32 s2, s1;
	s2 =	simm.s32 $0x1;
	s10 =	sshrl.u32 s0, $0x1  }
0xa: {  	p0 =	seq.s32 s1, $0x0;
	s6 =	sshrl.u32 s1, $0x3;
	s1 =	sshll.u32 s1, $0xA  }
0xb: {  	s0 =	ssub.s32 s0, s10;
	p0 =	por !p1, !p0;
	s10 =	sadd.s32 s8, s1  }
0xc: {  	s18 =	smax.u32 s0, $0x1;
	s0 =	simm.s32 $0x11C00;
	p0 =	por !p0, !p0  }
0xd: {  	s1 =	sadd.s32 $0x80, s10;
	s26 =	sadd.s32 $0x100, s10;
	s13 =	sadd.s32 $0x180, s10  }
0xe: {  	s14 =	sadd.s32 $0x200, s10;
	s15 =	sadd.s32 $0x280, s10;
	s2 =	simm.s32 @!p0 $0x0  }
0xf: {  	s16 =	sadd.s32 $0x300, s10;
	s6 =	ssub.s32 s6, s2;
	s2 =	simm.s32 $0x0  }
0x10: {  	s17 =	sadd.s32 $0x380, s10;
	s24 =	sshll.u32 s6, $0xA;
	[smem:$0x7FF] =	sst s2  }
0x11: {  	s6 =	sshll.u32 s6, $0x16;
	s3 =	sor.u32 s7, s24;
	_ =	strace $0x80000047  }
0x12: {  	s25 =	sshrl.u32 s6, $0x3;
	s7 =	sadd.s32 s4, s7;
	[dreg:$0x7] =	wrdreg s1  }
0x13: {  	[dreg:$0x8] =	wrdreg s26;
	s24 =	simm.s32 $0x8000;
	s9 =	sshrl.u32 s3, $0x3  }
0x14: {  	s26 =	simm.s32 $0x10400;
	s4 =	sadd.s32 s25, s7;
	s5 =	sadd.s32 s9, s5  }
0x15: {  	s1 =	simm.s32 $0x11800;
	[dreg:$0x6] =	wrdreg s4;
	s9 =	sadd.s32 $0xA00, s5  }
0x16: {  	v0 =	vlaneseq.u32;
	s3 =	simm.s32 $0x1;
	s5 =	sadd.s32 $0xC00, s5;
	[dreg:$0x4] =	wrdreg s9  }
0x17: {  	v1 =	vimm.s32 $0x0;
	v0 =	vmul.u32 $0x40, v0;
	s25 =	simm.s32 $0x10000;
	[dreg:$0x5] =	wrdreg s5;
	s9 =	sor.u32 $0x80000, s6  }
.LBB2_1:
0x18: {  	s4 =	rddreg [dreg:$0x4];
	s5 =	simm.s32 $0x12000  }
0x19: {  	[tilespmem:s5], [sflag:$0x3] =	stream.linear.gather [hbm4b:s4+s2], $0x80, $0x38;
	[tilespmem:$0x12100] =	vst v63  }
0x1a: {  	_ =	swait.ge [sflag:s20], $0x80  }
0x1b: {  	[sflag:s20] =	ssyncset.done $0x0  }
0x1c: {  	s11 =	simm.s32 $0x12080;
	s8 =	rddreg [dreg:$0x5];
	[sflag:s20] =	ssyncadd.s32 $0xFFFFFF80  }
0x1d: {  	[tilespmem:s11], [sflag:$0x3] =	stream.linear.gather [hbm4b:s8+s2], $0x80, $0x38;
	[tilespmem:$0x12100] =	vst v63  }
0x1e: {  	_ =	swait.ge [sflag:s20], $0x80  }
0x1f: {  	[sflag:s20] =	ssyncset.done $0x0  }
0x20: {  	[sflag:s20] =	ssyncadd.s32 $0xFFFFFF80  }
0x21: {  	v2 =	vld [tilespmem:$0x12000]  }
0x22: {  	v3 =	vld [tilespmem:$0x12010]  }
0x23: {  	v4 =	vld [tilespmem:$0x12020]  }
0x24: {  	v5 =	vld [tilespmem:$0x12030]  }
0x25: {  	v6 =	vld [tilespmem:$0x12040]  }
0x26: {  	v7 =	vld [tilespmem:$0x12050]  }
0x27: {  	v8 =	vld [tilespmem:$0x12060]  }
0x28: {  	v9 =	vld [tilespmem:$0x12070]  }
0x29: {  	v18 =	vld [tilespmem:$0x120F0]  }
0x2a: {  	v28 =	vld [tilespmem:$0x120E0]  }
0x2b: {  	v27 =	vld [tilespmem:$0x120D0]  }
0x2c: {  	v30 =	vld [tilespmem:$0x120B0]  }
0x2d: {  	v25 =	vld [tilespmem:$0x12090]  }
0x2e: {  	v23 =	vld [tilespmem:$0x12080]  }
0x2f: {  	v17 =	vmov v0;
	v14 =	vmov v0;
	v13 =	vmov v0;
	s4 =	simm.s32 $0x0;
	s12 =	rddreg [dreg:$0x6];
	v26 =	vld [tilespmem:$0x120A0]  }
0x30: {  	v12 =	vmovc v0;
	v11 =	vmovc v0;
	v10 =	vmov v0;
	v16 =	vmov v0;
	v15 =	vmov v0;
	v29 =	vld [tilespmem:$0x120C0];
	[tilespmem:s2], [sflag:$0x1] =	stream.strided.gather [hbm4b:s12+s22], $0x8000, s23, s22, $0x38  }
.LBB2_2:
0x31: {  	s5 =	sshll.u32 s4, $0x13  }
0x32: {  	s8 =	sor.u32 s5, s6  }
0x33: {  	_ =	swait.ge [sflag:s3], $0x8000;
	s8 =	sshrl.u32 s8, $0x3  }
0x34: {  	[sflag:s3] =	ssyncset.done $0x0;
	s8 =	sadd.s32 s8, s7  }
0x35: {  	[sflag:s3] =	ssyncadd.s32 $0xFFFF8000;
	s8 =	sadd.s32 $0x8000, s8  }
0x36: {  	[tilespmem:s24], [sflag:$0x2] =	stream.strided.gather [hbm4b:s8+s22], $0x8000, s23, s22, $0x38;
	[tilespmem:$0x12100] =	vst v63  }
0x37: {  	s11 =	simm.s32 $0x100;
	s8 =	simm.s32 $0xFFFFFFFC  }
.LBB2_3:
0x38: {  	v22 =	vld [tilespmem:s11+$0xFFFFFF00]  }
0x39: {  	v21 =	vld [tilespmem:s11+$0xFFFFFF10]  }
0x3a: {  	v19 =	vld [tilespmem:s11+$0xFFFFFF20];
	vm1 =	vgt.s32 v23, $0x0;
	v31 =	vimm.s32 $0x0;
	vm14 =	vgt.s32 v25, $0x0  }
0x3b: {  	v20 =	vld [tilespmem:s11+$0xFFFFFF30];
	vm4 =	vgt.s32 v26, $0x0;
	v32 =	vimm.s32 $0x0;
	vm8 =	vgt.s32 v30, $0x0  }
0x3c: {  	v61 =	vimm.s32 $0x0;
	v33 =	vimm.s32 $0x0;
	v34 =	vimm.s32 $0x0  }
0x3d: {  	v35 =	vimm.s32 $0x0;
	v49 =	vimm.s32 $0x0;
	v50 =	vimm.s32 $0x0  }
0x3e: {  	v58 =	vimm.s32 $0x0;
	v59 =	vimm.s32 $0x0;
	vm0 =	veq.f32 v22, v2  }
0x3f: {  	vm2 =	vgt.f32 v22, v2;
	vm12 =	vgt.f32 v21, v3;
	vm13 =	veq.f32 v21, v3  }
0x40: {  	vm3 =	veq.f32 v19, v4;
	vm15 =	vgt.f32 v19, v4;
	vm7 =	veq.f32 v20, v5  }
0x41: {  	vm9 =	vgt.f32 v20, v5;
	vm1 =	vmand vm1, vm0;
	v24 =	vsel vm0, $0xFFFFFFFF, v1  }
0x42: {  	vm4 =	vmand vm4, vm3;
	v60 =	vsel vm7, $0xFFFFFFFF, v1;
	vm11 =	vmor vm2, vm1  }
0x43: {  	v36 =	vadd.s32 v24, v23;
	vm2 =	vmand vm14, vm13;
	vm6 =	vmor vm15, vm4  }
0x44: {  	vm1 =	vmand vm8, vm7;
	v39 =	vadd.s32 v60, v30;
	vm15 =	vgt.s32 v27, $0x0  }
0x45: {  	v23 =	vld [tilespmem:s11+$0xFFFFFF40];
	vm7 =	vgt.s32 v18, $0x0;
	v60 =	vimm.s32 $0x0;
	v31 =	vsel vm11, $0xFFFFFFFF, v31  }
0x46: {  	v24 =	vld [tilespmem:s11+$0xFFFFFF50];
	vm0 =	vmor vm12, vm2;
	vm10 =	vmor vm9, vm1;
	[tilespmem:$0x1FED0] =	vst v31;
	v31 =	vsel vm13, $0xFFFFFFFF, v1  }
0x47: {  	v32 =	vsel vm0, $0xFFFFFFFF, v32;
	v37 =	vadd.s32 v31, v25;
	v25 =	vimm.s32 $0x0  }
0x48: {  	vm13 =	vgt.s32 v29, $0x0;
	v31 =	vsel vm3, $0xFFFFFFFF, v1;
	v25 =	vsel vm6, $0xFFFFFFFF, v25  }
0x49: {  	v38 =	vadd.s32 v31, v26;
	v26 =	vimm.s32 $0x0;
	v31 =	vimm.s32 $0x0  }
0x4a: {  	[tilespmem:$0x1FEF0] =	vst v25;
	v25 =	vld [tilespmem:s11+$0xFFFFFF60];
	v26 =	vsel vm10, $0xFFFFFFFF, v26;
	vm11 =	vgt.f32 v23, v6;
	vm12 =	veq.f32 v23, v6  }
0x4b: {  	vm14 =	veq.f32 v24, v7;
	vm8 =	vgt.f32 v24, v7;
	vm2 =	vmand vm13, vm12  }
0x4c: {  	[tilespmem:$0x1FF00] =	vst v26;
	v26 =	vld [tilespmem:s11+$0xFFFFFF70];
	v30 =	vsel vm12, $0xFFFFFFFF, v1;
	vm4 =	vmand vm15, vm14;
	vm0 =	vmor vm11, vm2  }
0x4d: {  	v40 =	vadd.s32 v30, v29;
	vm9 =	vmor vm8, vm4;
	v29 =	vimm.s32 $0x0  }
0x4e: {  	v30 =	vld [tilespmem:s11+$0xFFFFFF80];
	vm11 =	vgt.s32 v28, $0x0;
	v31 =	vsel vm0, $0xFFFFFFFF, v31;
	v29 =	vsel vm9, $0xFFFFFFFF, v29  }
0x4f: {  	vm9 =	vgt.s32 v36, $0x0;
	[tilespmem:$0x1FF20] =	vst v29;
	v29 =	vsel vm14, $0xFFFFFFFF, v1;
	vm10 =	veq.f32 v25, v8  }
0x50: {  	vm12 =	vgt.f32 v25, v8;
	v41 =	vadd.s32 v29, v27;
	v27 =	vimm.s32 $0x0  }
0x51: {  	[tilespmem:$0x1FF10] =	vst v31;
	vm1 =	vmand vm11, vm10;
	v31 =	vsel vm10, $0xFFFFFFFF, v1;
	vm14 =	vgt.f32 v26, v9  }
0x52: {  	vm15 =	veq.f32 v26, v9;
	vm13 =	vmor vm12, vm1;
	v42 =	vadd.s32 v31, v28  }
0x53: {  	v29 =	vld [tilespmem:s11+$0xFFFFFFB0];
	vm2 =	vmand vm7, vm15;
	vm8 =	veq.f32 v30, v2;
	vm10 =	vgt.f32 v30, v2  }
0x54: {  	v31 =	vld [tilespmem:s11+$0xFFFFFF90];
	v43 =	vsel vm15, $0xFFFFFFFF, v1;
	v27 =	vsel vm13, $0xFFFFFFFF, v27;
	vm0 =	vmor vm14, vm2  }
0x55: {  	v28 =	vld [tilespmem:s11+$0xFFFFFFA0];
	vm11 =	vmand vm9, vm8;
	v44 =	vsel vm8, $0xFFFFFFFF, v1;
	vm14 =	vgt.s32 v37, $0x0  }
0x56: {  	vm8 =	vgt.s32 v38, $0x0;
	v43 =	vadd.s32 v43, v18;
	[tilespmem:$0x1FF30] =	vst v27;
	v27 =	vimm.s32 $0x0  }
0x57: {  	v18 =	vld [tilespmem:s11+$0x10];
	vm6 =	vgt.s32 v43, $0x0;
	v44 =	vadd.s32 v44, v36;
	v27 =	vsel vm0, $0xFFFFFFFF, v27  }
0x58: {  	vm0 =	vmor vm10, vm11;
	vm11 =	vgt.f32 v29, v5;
	[tilespmem:$0x1FF40] =	vst v27;
	v27 =	vimm.s32 $0x0  }
0x59: {  	v27 =	vsel vm0, $0xFFFFFFFF, v27;
	vm12 =	vgt.f32 v31, v3;
	vm13 =	veq.f32 v31, v3  }
0x5a: {  	vm15 =	veq.f32 v28, v4;
	vm9 =	vgt.f32 v28, v4;
	vm2 =	vmand vm14, vm13  }
0x5b: {  	vm10 =	vmand vm8, vm15;
	v45 =	vsel vm13, $0xFFFFFFFF, v1;
	v46 =	vsel vm15, $0xFFFFFFFF, v1  }
0x5c: {  	[tilespmem:$0x1FF50] =	vst v27;
	v27 =	vld [tilespmem:s11+$0xFFFFFFC0];
	vm13 =	vgt.s32 v39, $0x0;
	vm15 =	vgt.s32 v40, $0x0;
	vm3 =	veq.f32 v18, v3  }
0x5d: {  	vm0 =	vmor vm12, vm2;
	vm12 =	veq.f32 v29, v5;
	v45 =	vadd.s32 v45, v37  }
0x5e: {  	[tilespmem:$0x1FEE0] =	vst v32;
	v53 =	vadd.s32 v46, v38;
	v32 =	vsel vm0, $0xFFFFFFFF, v61;
	vm0 =	vmor vm9, vm10  }
0x5f: {  	vm2 =	vmand vm13, vm12;
	v47 =	vsel vm12, $0xFFFFFFFF, v1;
	[tilespmem:$0x1FF60] =	vst v32;
	v32 =	vld [tilespmem:s11+$0xFFFFFFD0];
	v33 =	vsel vm0, $0xFFFFFFFF, v33  }
0x60: {  	vm12 =	vgt.s32 v41, $0x0;
	vm0 =	vmor vm11, vm2;
	v55 =	vadd.s32 v47, v39;
	[tilespmem:$0x1FF70] =	vst v33;
	v33 =	vld [tilespmem:s11+$0xFFFFFFE0]  }
0x61: {  	v34 =	vsel vm0, $0xFFFFFFFF, v34;
	vm14 =	veq.f32 v27, v6;
	vm8 =	vgt.f32 v27, v6  }
0x62: {  	[tilespmem:$0x1FF80] =	vst v34;
	v34 =	vld [tilespmem:s11+$0xFFFFFFF0];
	vm9 =	vmand vm15, vm14;
	v48 =	vsel vm14, $0xFFFFFFFF, v1;
	vm14 =	vgt.s32 v42, $0x0  }
0x63: {  	v38 =	vld [tilespmem:s11+$0x40];
	vm0 =	vmor vm8, vm9;
	vm8 =	vgt.s32 v44, $0x0;
	v57 =	vadd.s32 v48, v40  }
0x64: {  	v36 =	vld [tilespmem:s11+$0x20];
	v35 =	vsel vm0, $0xFFFFFFFF, v35;
	vm10 =	vgt.f32 v32, v7;
	vm11 =	veq.f32 v32, v7  }
0x65: {  	[tilespmem:$0x1FF90] =	vst v35;
	vm2 =	vmand vm12, vm11;
	v35 =	vld [tilespmem:s11+$0x0];
	vm13 =	veq.f32 v33, v8;
	vm4 =	vgt.f32 v33, v8  }
0x66: {  	v62 =	vsel vm11, $0xFFFFFFFF, v1;
	vm11 =	vgt.s32 v45, $0x0;
	vm0 =	vmor vm10, vm2  }
0x67: {  	vm15 =	vmand vm14, vm13;
	v63 =	vsel vm13, $0xFFFFFFFF, v1;
	vm5 =	veq.f32 v34, v9  }
0x68: {  	vm7 =	vgt.f32 v34, v9;
	vm14 =	veq.f32 v38, v6;
	vm1 =	vmand vm6, vm5  }
0x69: {  	v51 =	vsel vm5, $0xFFFFFFFF, v1;
	vm5 =	veq.f32 v36, v4;
	vm6 =	vgt.s32 v53, $0x0  }
0x6a: {  	vm13 =	vmor vm7, vm1;
	vm7 =	vgt.f32 v36, v4;
	vm1 =	veq.f32 v35, v2  }
0x6b: {  	vm9 =	vmand vm8, vm1;
	v52 =	vsel vm1, $0xFFFFFFFF, v1;
	vm1 =	vmand vm6, vm5  }
0x6c: {  	v37 =	vld [tilespmem:s11+$0x30];
	v49 =	vsel vm0, $0xFFFFFFFF, v49;
	vm0 =	vmor vm4, vm15;
	vm1 =	vmor vm7, vm1  }
0x6d: {  	vm15 =	vmand vm11, vm3;
	vm4 =	vgt.f32 v18, v3;
	[tilespmem:$0x1FFA0] =	vst v49;
	v39 =	vsel vm1, $0xFFFFFFFF, v58  }
0x6e: {  	v50 =	vsel vm0, $0xFFFFFFFF, v50;
	vm11 =	vmor vm4, vm15;
	v56 =	vsel vm5, $0xFFFFFFFF, v1;
	[tilespmem:$0x1FFC0] =	vst v39;
	v39 =	vld [tilespmem:s11+$0x50]  }
0x6f: {  	vm15 =	vgt.s32 v57, $0x0;
	v49 =	vadd.s32 v62, v41;
	[tilespmem:$0x1FFB0] =	vst v50;
	v50 =	vadd.s32 v63, v42  }
0x70: {  	vm10 =	vgt.f32 v35, v2;
	vm8 =	vgt.s32 v55, $0x0;
	vm5 =	vmand vm15, vm14  }
0x71: {  	v40 =	vld [tilespmem:s11+$0x60];
	vm6 =	vgt.f32 v38, v6;
	vm12 =	vmor vm10, vm9;
	vm1 =	veq.f32 v37, v5  }
0x72: {  	vm10 =	vgt.f32 v37, v5;
	vm0 =	vmor vm6, vm5;
	vm9 =	vmand vm8, vm1  }
0x73: {  	vm8 =	vmor vm10, vm9;
	vm9 =	vgt.s32 v49, $0x0;
	vm7 =	veq.f32 v39, v7  }
0x74: {  	v58 =	vsel vm1, $0xFFFFFFFF, v1;
	vm10 =	vgt.f32 v39, v7;
	vm1 =	vmand vm9, vm7  }
0x75: {  	v41 =	vld [tilespmem:s11+$0x70];
	v46 =	vsel vm0, $0xFFFFFFFF, v59;
	v59 =	vsel vm14, $0xFFFFFFFF, v1;
	vm1 =	vmor vm10, vm1  }
0x76: {  	vm14 =	vgt.s32 v50, $0x0;
	v42 =	vsel vm1, $0xFFFFFFFF, v60;
	vm1 =	veq.f32 v40, v8  }
0x77: {  	v54 =	vsel vm3, $0xFFFFFFFF, v1;
	vm9 =	vgt.f32 v40, v8;
	[tilespmem:$0x1FFE0] =	vst v42;
	v42 =	vld [tilespmem:s11+$0x80];
	vm15 =	vmand vm14, vm1  }
0x78: {  	v61 =	vimm.s32 $0x0;
	v47 =	vadd.s32 v54, v45;
	vm0 =	vmor vm9, vm15  }
0x79: {  	v51 =	vadd.s32 v51, v43;
	v43 =	vld [tilespmem:s11+$0x90];
	v48 =	vadd.s32 v56, v53;
	[tilespmem:$0x1FFD0] =	vst v46;
	v46 =	vsel vm0, $0xFFFFFFFF, v61  }
0x7a: {  	vm10 =	veq.f32 v41, v9;
	vm14 =	vgt.s32 v51, $0x0;
	[tilespmem:$0x1FFF0] =	vst v46;
	v46 =	vadd.s32 v52, v44;
	v44 =	vld [tilespmem:s11+$0xA0]  }
0x7b: {  	v62 =	vld [tilespmem:$0x1FED0];
	v60 =	vsel vm7, $0xFFFFFFFF, v1;
	vm15 =	vmand vm14, vm10;
	vm9 =	vgt.s32 v47, $0x0  }
0x7c: {  	v61 =	vsel vm1, $0xFFFFFFFF, v1;
	vm6 =	vgt.s32 v46, $0x0;
	vm5 =	veq.f32 v42, v2  }
0x7d: {  	v52 =	vsel vm10, $0xFFFFFFFF, v1;
	vm7 =	vgt.f32 v42, v2;
	vm1 =	vmand vm6, vm5  }
0x7e: {  	vm6 =	vgt.f32 v43, v3;
	vm14 =	vmor vm7, vm1;
	vm1 =	veq.f32 v43, v3  }
0x7f: {  	vm7 =	vgt.s32 v48, $0x0;
	vm10 =	vmand vm9, vm1;
	vm0 =	veq.f32 v44, v4  }
0x80: {  	vm9 =	vmor vm6, vm10;
	vm10 =	vmand vm7, vm0;
	vm7 =	vnez.u8 v62;
	_ =	sdelay $0x5  }
0x81: {  	[tilespmem:v15+s25+$0x0] =	vst.idx.msk vm7, v22;
	v22 =	vld [tilespmem:$0x1FEE0];
	_ =	sdelay $0x3  }
0x82: {  	vm4 =	vgt.f32 v41, v9  }
0x83: {  	vm15 =	vmor vm4, vm15;
	vm4 =	vnez.u8 v22;
	_ =	sdelay $0x1  }
0x84: {  	v45 =	vld [tilespmem:s11+$0xB0]  }
0x85: {  	v63 =	vld [tilespmem:$0x1FF00]  }
0x86: {  	v62 =	vld [tilespmem:$0x1FEF0]  }
0x87: {  	v22 =	vsel vm4, $0x1, v1  }
0x88: {  	v55 =	vadd.s32 v58, v55;
	[tilespmem:v16+s26+$0x0] =	vst.idx.msk vm4, v21;
	v16 =	vadd.s32 v22, v16;
	v22 =	vld [tilespmem:$0x1FF10]  }
0x89: {  	vm2 =	vgt.s32 v55, $0x0;
	v54 =	vsel vm5, $0xFFFFFFFF, v1  }
0x8a: {  	vm5 =	vnez.u8 v63;
	v53 =	vsel vm1, $0xFFFFFFFF, v1;
	vm6 =	vgt.f32 v44, v4  }
0x8b: {  	vm1 =	veq.f32 v45, v5;
	vm10 =	vmor vm6, vm10;
	vm4 =	vnez.u8 v62  }
0x8c: {  	v56 =	vsel vm7, $0x1, v1;
	vm6 =	vmand vm2, vm1;
	vm7 =	vgt.f32 v45, v5  }
0x8d: {  	vm7 =	vmor vm7, vm6;
	vm6 =	vnez.u8 v22;
	_ =	sdelay $0x3  }
0x8e: {  	[tilespmem:v10+s28+$0x0] =	vst.idx.msk vm4, v19  }
0x8f: {  	[tilespmem:v11+s29+$0x0] =	vst.idx.msk vm5, v20  }
0x90: {  	[tilespmem:v12+s30+$0x0] =	vst.idx.msk vm6, v23;
	v23 =	vld [tilespmem:$0x1FF20];
	_ =	sdelay $0x4  }
0x91: {  	vm2 =	vnez.u8 v23;
	_ =	sdelay $0x5  }
0x92: {  	[tilespmem:v13+s31+$0x0] =	vst.idx.msk vm2, v24;
	v24 =	vld [tilespmem:$0x1FF30];
	_ =	sdelay $0x4  }
0x93: {  	v23 =	vsel vm2, $0x1, v1;
	vm2 =	vnez.u8 v24;
	_ =	sdelay $0x4  }
0x94: {  	v58 =	vld [tilespmem:s11+$0xC0]  }
0x95: {  	[tilespmem:v14+s1+$0x0] =	vst.idx.msk vm2, v25;
	v25 =	vld [tilespmem:$0x1FF40];
	_ =	sdelay $0x1  }
0x96: {  	v15 =	vadd.s32 v56, v15  }
0x97: {  	v56 =	vsel vm5, $0x1, v1;
	v62 =	vsel vm4, $0x1, v1;
	v20 =	vadd.s32 v59, v57  }
0x98: {  	v19 =	vsel vm1, $0xFFFFFFFF, v1;
	vm5 =	veq.f32 v58, v6;
	vm4 =	vgt.s32 v20, $0x0  }
0x99: {  	v22 =	vsel vm6, $0x1, v1;
	vm1 =	vmand vm4, vm5;
	vm4 =	vnez.u8 v25  }
0x9a: {  	v12 =	vadd.s32 v22, v12;
	v22 =	vld [tilespmem:$0x1FF50];
	_ =	sdelay $0x4  }
0x9b: {  	v25 =	vsel vm4, $0x1, v1;
	[tilespmem:v17+s0+$0x0] =	vst.idx.msk vm4, v26;
	vm4 =	vnez.u8 v22  }
0x9c: {  	v13 =	vadd.s32 v23, v13;
	v23 =	vld [tilespmem:$0x1FF60];
	_ =	sdelay $0x4  }
0x9d: {  	v22 =	vsel vm4, $0x1, v1;
	[tilespmem:v15+s25+$0x0] =	vst.idx.msk vm4, v30;
	vm4 =	vnez.u8 v23;
	_ =	sdelay $0x4  }
0x9e: {  	v23 =	vsel vm4, $0x1, v1  }
0x9f: {  	v15 =	vadd.s32 v22, v15;
	v22 =	vadd.s32 v23, v16;
	[tilespmem:v16+s26+$0x0] =	vst.idx.msk vm4, v31;
	v16 =	vld [tilespmem:$0x1FF70];
	_ =	sdelay $0x3  }
0xa0: {  	vm6 =	vgt.f32 v58, v6;
	v24 =	vsel vm2, $0x1, v1;
	v23 =	vld [tilespmem:$0x1FF80]  }
0xa1: {  	vm6 =	vmor vm6, vm1;
	v14 =	vadd.s32 v24, v14;
	v24 =	vld [tilespmem:$0x1FF90];
	vm1 =	vnez.u8 v16  }
0xa2: {  	v10 =	vadd.s32 v62, v10;
	_ =	sdelay $0x2  }
0xa3: {  	vm3 =	vnez.u8 v23  }
0xa4: {  	v11 =	vadd.s32 v56, v11;
	vm4 =	vnez.u8 v24;
	v16 =	vsel vm1, $0x1, v1  }
0xa5: {  	v16 =	vadd.s32 v16, v10;
	[tilespmem:v10+s28+$0x0] =	vst.idx.msk vm1, v28;
	v10 =	vld [tilespmem:$0x1FFA0]  }
0xa6: {  	v17 =	vadd.s32 v25, v17;
	v25 =	vld [tilespmem:$0x1FFB0];
	_ =	sdelay $0x2  }
0xa7: {  	v31 =	vld [tilespmem:s11+$0xD0];
	v24 =	vsel vm4, $0x1, v1;
	[tilespmem:v11+s29+$0x0] =	vst.idx.msk vm3, v29  }
0xa8: {  	v24 =	vadd.s32 v24, v12;
	[tilespmem:v12+s30+$0x0] =	vst.idx.msk vm4, v27;
	v12 =	vld [tilespmem:$0x1FFC0];
	vm1 =	vnez.u8 v10  }
0xa9: {  	vm2 =	vnez.u8 v25  }
0xaa: {  	v59 =	vadd.s32 v52, v51;
	v26 =	vsel vm13, $0x1, v1;
	v23 =	vsel vm3, $0x1, v1  }
0xab: {  	v23 =	vadd.s32 v23, v11;
	v28 =	vadd.s32 v60, v49;
	v60 =	vld [tilespmem:s11+$0xF0];
	v11 =	vsel vm12, $0x1, v1  }
0xac: {  	v21 =	vsel vm0, $0xFFFFFFFF, v1;
	v26 =	vadd.s32 v26, v17;
	[tilespmem:v15+s25+$0x0] =	vst.idx.msk vm12, v35;
	v11 =	vadd.s32 v11, v15;
	v15 =	vld [tilespmem:$0x1FFD0]  }
0xad: {  	[tilespmem:v22+s26+$0x0] =	vst.idx.msk vm11, v18;
	vm0 =	veq.f32 v31, v7;
	vm3 =	vgt.s32 v28, $0x0;
	vm4 =	vnez.u8 v12  }
0xae: {  	v29 =	vsel vm11, $0x1, v1;
	vm3 =	vmand vm3, vm0;
	v10 =	vsel vm1, $0x1, v1;
	[tilespmem:v13+s31+$0x0] =	vst.idx.msk vm1, v32  }
0xaf: {  	v10 =	vadd.s32 v10, v13;
	v13 =	vsel vm5, $0xFFFFFFFF, v1;
	vm5 =	vgt.f32 v31, v7;
	[tilespmem:v14+s1+$0x0] =	vst.idx.msk vm2, v33  }
0xb0: {  	vm11 =	veq.f32 v60, v9;
	[tilespmem:v17+s0+$0x0] =	vst.idx.msk vm13, v34;
	vm13 =	vmor vm5, vm3;
	vm5 =	vgt.s32 v59, $0x0  }
0xb1: {  	v56 =	vld [tilespmem:s11+$0xE0];
	v17 =	vsel vm0, $0xFFFFFFFF, v1;
	vm0 =	vmand vm5, vm11;
	vm5 =	vnez.u8 v15  }
0xb2: {  	v12 =	vsel vm4, $0x1, v1  }
0xb3: {  	v12 =	vadd.s32 v12, v16;
	[tilespmem:v16+s28+$0x0] =	vst.idx.msk vm4, v36;
	v16 =	vld [tilespmem:$0x1FFE0]  }
0xb4: {  	v25 =	vsel vm2, $0x1, v1  }
0xb5: {  	v57 =	vadd.s32 v61, v50;
	v30 =	vadd.s32 v19, v55;
	v25 =	vadd.s32 v25, v14  }
0xb6: {  	v22 =	vadd.s32 v29, v22;
	vm1 =	veq.f32 v56, v8;
	[tilespmem:v23+s29+$0x0] =	vst.idx.msk vm8, v37;
	v15 =	vsel vm5, $0x1, v1  }
0xb7: {  	vm4 =	vgt.f32 v60, v9;
	[tilespmem:v24+s30+$0x0] =	vst.idx.msk vm5, v38;
	v24 =	vadd.s32 v15, v24;
	v15 =	vld [tilespmem:$0x1FFF0]  }
0xb8: {  	v14 =	vsel vm8, $0x1, v1;
	vm8 =	vmor vm4, vm0;
	vm4 =	vnez.u8 v16  }
0xb9: {  	vm12 =	vgt.f32 v56, v8;
	v18 =	vsel vm1, $0xFFFFFFFF, v1;
	vm3 =	vgt.s32 v57, $0x0  }
0xba: {  	v29 =	vadd.s32 v13, v20;
	v14 =	vadd.s32 v14, v23;
	vm3 =	vmand vm3, vm1  }
0xbb: {  	[tilespmem:v11+s25+$0x0] =	vst.idx.msk vm14, v42;
	v23 =	vadd.s32 v54, v46;
	v27 =	vadd.s32 v17, v28;
	v16 =	vsel vm4, $0x1, v1  }
0xbc: {  	[tilespmem:v22+s26+$0x0] =	vst.idx.msk vm9, v43;
	v13 =	vsel vm13, $0x1, v1;
	v61 =	vadd.s32 v16, v10;
	vm5 =	vnez.u8 v15  }
0xbd: {  	[tilespmem:v12+s28+$0x0] =	vst.idx.msk vm10, v44;
	v28 =	vadd.s32 v18, v57;
	v17 =	vsel vm11, $0xFFFFFFFF, v1;
	vm12 =	vmor vm12, vm3  }
0xbe: {  	v18 =	vadd.s32 v17, v59;
	[tilespmem:v10+s31+$0x0] =	vst.idx.msk vm4, v39;
	v10 =	vsel vm15, $0x1, v1;
	v15 =	vsel vm5, $0x1, v1  }
0xbf: {  	s8 =	sadd.s32 $0x4, s8;
	v19 =	vsel vm8, $0x1, v1;
	[tilespmem:v14+s29+$0x0] =	vst.idx.msk vm7, v45;
	v63 =	vadd.s32 v10, v26;
	v62 =	vadd.s32 v15, v25  }
0xc0: {  	p0 =	slt.u32 s8, $0xFC;
	v13 =	vadd.s32 v13, v61;
	v10 =	vsel vm14, $0x1, v1;
	[tilespmem:v24+s30+$0x0] =	vst.idx.msk vm6, v58;
	v17 =	vadd.s32 v19, v63  }
.Ltmp0:
0xc1: {  	[tilespmem:v61+s31+$0x0] =	vst.idx.msk vm13, v31;
	v15 =	vadd.s32 v10, v11;
	v10 =	vsel vm9, $0x1, v1;
	v11 =	vsel vm7, $0x1, v1;
	(pc) =	sbr.rel @p0 .LBB2_3-.Ltmp0, $4  }
0xc2: {  	v16 =	vadd.s32 v10, v22;
	v10 =	vsel vm10, $0x1, v1;
	v11 =	vadd.s32 v11, v14;
	[tilespmem:v25+s1+$0x0] =	vst.idx.msk vm5, v40  }
0xc3: {  	v14 =	vsel vm12, $0x1, v1;
	v10 =	vadd.s32 v10, v12;
	v12 =	vsel vm6, $0x1, v1;
	[tilespmem:v26+s0+$0x0] =	vst.idx.msk vm15, v41  }
0xc4: {  	v14 =	vadd.s32 v14, v62;
	v12 =	vadd.s32 v12, v24;
	[tilespmem:v62+s1+$0x0] =	vst.idx.msk vm12, v56  }
0xc5: {  	s11 =	sadd.s32 $0x200, s11;
	v25 =	vadd.s32 v53, v47;
	v26 =	vadd.s32 v21, v48;
	[tilespmem:v63+s0+$0x0] =	vst.idx.msk vm8, v60  }
0xc6: {  	p0 =	seq.s32 s4, $0x7;
	_ =	swait.ge [sflag:s19], $0x8000  }
0xc7: {  	s5 =	sadd.s32 @!p0 s5, s9;
	[sflag:s19] =	ssyncset.done $0x0  }
0xc8: {  	s8 =	simm.s32 @!p0 $0x400;
	s11 =	simm.s32 @!p0 $0x2000;
	s5 =	sshrl.u32 @!p0 s5, $0x3  }
0xc9: {  	s12 =	simm.s32 @!p0 $0x0;
	[sflag:s19] =	ssyncadd.s32 $0xFFFF8000;
	s5 =	sadd.s32 @!p0 s5, s7  }
0xca: {  	[tilespmem:s12], [sflag:$0x1] =	stream.strided.gather @!p0 [hbm4b:s5+s8], $0x8000, s11, s8, $0x38;
	[tilespmem:$0x12100] =	vst v63  }
0xcb: {  	s5 =	simm.s32 $0xFFFFFFFC;
	s8 =	simm.s32 $0x8100  }
.LBB2_5:
0xcc: {  	v22 =	vld [tilespmem:s8+$0xFFFFFF00]  }
0xcd: {  	v21 =	vld [tilespmem:s8+$0xFFFFFF10]  }
0xce: {  	v19 =	vld [tilespmem:s8+$0xFFFFFF20];
	vm1 =	vgt.s32 v23, $0x0;
	v31 =	vimm.s32 $0x0;
	vm14 =	vgt.s32 v25, $0x0  }
0xcf: {  	v20 =	vld [tilespmem:s8+$0xFFFFFF30];
	vm4 =	vgt.s32 v26, $0x0;
	v32 =	vimm.s32 $0x0;
	vm8 =	vgt.s32 v30, $0x0  }
0xd0: {  	v61 =	vimm.s32 $0x0;
	v33 =	vimm.s32 $0x0;
	v34 =	vimm.s32 $0x0  }
0xd1: {  	v35 =	vimm.s32 $0x0;
	v49 =	vimm.s32 $0x0;
	v50 =	vimm.s32 $0x0  }
0xd2: {  	v58 =	vimm.s32 $0x0;
	v59 =	vimm.s32 $0x0;
	vm0 =	veq.f32 v22, v2  }
0xd3: {  	vm2 =	vgt.f32 v22, v2;
	vm12 =	vgt.f32 v21, v3;
	vm13 =	veq.f32 v21, v3  }
0xd4: {  	vm3 =	veq.f32 v19, v4;
	vm15 =	vgt.f32 v19, v4;
	vm7 =	veq.f32 v20, v5  }
0xd5: {  	vm9 =	vgt.f32 v20, v5;
	vm1 =	vmand vm1, vm0;
	v24 =	vsel vm0, $0xFFFFFFFF, v1  }
0xd6: {  	vm4 =	vmand vm4, vm3;
	v60 =	vsel vm7, $0xFFFFFFFF, v1;
	vm11 =	vmor vm2, vm1  }
0xd7: {  	v36 =	vadd.s32 v24, v23;
	vm2 =	vmand vm14, vm13;
	vm6 =	vmor vm15, vm4  }
0xd8: {  	vm1 =	vmand vm8, vm7;
	v39 =	vadd.s32 v60, v30;
	vm15 =	vgt.s32 v27, $0x0  }
0xd9: {  	v23 =	vld [tilespmem:s8+$0xFFFFFF40];
	vm7 =	vgt.s32 v18, $0x0;
	v60 =	vimm.s32 $0x0;
	v31 =	vsel vm11, $0xFFFFFFFF, v31  }
0xda: {  	v24 =	vld [tilespmem:s8+$0xFFFFFF50];
	vm0 =	vmor vm12, vm2;
	vm10 =	vmor vm9, vm1;
	[tilespmem:$0x1FDA0] =	vst v31;
	v31 =	vsel vm13, $0xFFFFFFFF, v1  }
0xdb: {  	v32 =	vsel vm0, $0xFFFFFFFF, v32;
	v37 =	vadd.s32 v31, v25;
	v25 =	vimm.s32 $0x0  }
0xdc: {  	vm13 =	vgt.s32 v29, $0x0;
	v31 =	vsel vm3, $0xFFFFFFFF, v1;
	v25 =	vsel vm6, $0xFFFFFFFF, v25  }
0xdd: {  	v38 =	vadd.s32 v31, v26;
	v26 =	vimm.s32 $0x0;
	v31 =	vimm.s32 $0x0  }
0xde: {  	[tilespmem:$0x1FDC0] =	vst v25;
	v25 =	vld [tilespmem:s8+$0xFFFFFF60];
	v26 =	vsel vm10, $0xFFFFFFFF, v26;
	vm11 =	vgt.f32 v23, v6;
	vm12 =	veq.f32 v23, v6  }
0xdf: {  	vm14 =	veq.f32 v24, v7;
	vm8 =	vgt.f32 v24, v7;
	vm2 =	vmand vm13, vm12  }
0xe0: {  	[tilespmem:$0x1FDD0] =	vst v26;
	v26 =	vld [tilespmem:s8+$0xFFFFFF70];
	v30 =	vsel vm12, $0xFFFFFFFF, v1;
	vm4 =	vmand vm15, vm14;
	vm0 =	vmor vm11, vm2  }
0xe1: {  	v40 =	vadd.s32 v30, v29;
	vm9 =	vmor vm8, vm4;
	v29 =	vimm.s32 $0x0  }
0xe2: {  	v30 =	vld [tilespmem:s8+$0xFFFFFF80];
	vm11 =	vgt.s32 v28, $0x0;
	v31 =	vsel vm0, $0xFFFFFFFF, v31;
	v29 =	vsel vm9, $0xFFFFFFFF, v29  }
0xe3: {  	vm9 =	vgt.s32 v36, $0x0;
	[tilespmem:$0x1FDF0] =	vst v29;
	v29 =	vsel vm14, $0xFFFFFFFF, v1;
	vm10 =	veq.f32 v25, v8  }
0xe4: {  	vm12 =	vgt.f32 v25, v8;
	v41 =	vadd.s32 v29, v27;
	v27 =	vimm.s32 $0x0  }
0xe5: {  	[tilespmem:$0x1FDE0] =	vst v31;
	vm1 =	vmand vm11, vm10;
	v31 =	vsel vm10, $0xFFFFFFFF, v1;
	vm14 =	vgt.f32 v26, v9  }
0xe6: {  	vm15 =	veq.f32 v26, v9;
	vm13 =	vmor vm12, vm1;
	v42 =	vadd.s32 v31, v28  }
0xe7: {  	v29 =	vld [tilespmem:s8+$0xFFFFFFB0];
	vm2 =	vmand vm7, vm15;
	vm8 =	veq.f32 v30, v2;
	vm10 =	vgt.f32 v30, v2  }
0xe8: {  	v31 =	vld [tilespmem:s8+$0xFFFFFF90];
	v43 =	vsel vm15, $0xFFFFFFFF, v1;
	v27 =	vsel vm13, $0xFFFFFFFF, v27;
	vm0 =	vmor vm14, vm2  }
0xe9: {  	v28 =	vld [tilespmem:s8+$0xFFFFFFA0];
	vm11 =	vmand vm9, vm8;
	v44 =	vsel vm8, $0xFFFFFFFF, v1;
	vm14 =	vgt.s32 v37, $0x0  }
0xea: {  	vm8 =	vgt.s32 v38, $0x0;
	v43 =	vadd.s32 v43, v18;
	[tilespmem:$0x1FE00] =	vst v27;
	v27 =	vimm.s32 $0x0  }
0xeb: {  	v18 =	vld [tilespmem:s8+$0x10];
	vm6 =	vgt.s32 v43, $0x0;
	v44 =	vadd.s32 v44, v36;
	v27 =	vsel vm0, $0xFFFFFFFF, v27  }
0xec: {  	vm0 =	vmor vm10, vm11;
	vm11 =	vgt.f32 v29, v5;
	[tilespmem:$0x1FE10] =	vst v27;
	v27 =	vimm.s32 $0x0  }
0xed: {  	v27 =	vsel vm0, $0xFFFFFFFF, v27;
	vm12 =	vgt.f32 v31, v3;
	vm13 =	veq.f32 v31, v3  }
0xee: {  	vm15 =	veq.f32 v28, v4;
	vm9 =	vgt.f32 v28, v4;
	vm2 =	vmand vm14, vm13  }
0xef: {  	vm10 =	vmand vm8, vm15;
	v45 =	vsel vm13, $0xFFFFFFFF, v1;
	v46 =	vsel vm15, $0xFFFFFFFF, v1  }
0xf0: {  	[tilespmem:$0x1FE20] =	vst v27;
	v27 =	vld [tilespmem:s8+$0xFFFFFFC0];
	vm13 =	vgt.s32 v39, $0x0;
	vm15 =	vgt.s32 v40, $0x0;
	vm3 =	veq.f32 v18, v3  }
0xf1: {  	vm0 =	vmor vm12, vm2;
	vm12 =	veq.f32 v29, v5;
	v45 =	vadd.s32 v45, v37  }
0xf2: {  	[tilespmem:$0x1FDB0] =	vst v32;
	v53 =	vadd.s32 v46, v38;
	v32 =	vsel vm0, $0xFFFFFFFF, v61;
	vm0 =	vmor vm9, vm10  }
0xf3: {  	vm2 =	vmand vm13, vm12;
	v47 =	vsel vm12, $0xFFFFFFFF, v1;
	[tilespmem:$0x1FE30] =	vst v32;
	v32 =	vld [tilespmem:s8+$0xFFFFFFD0];
	v33 =	vsel vm0, $0xFFFFFFFF, v33  }
0xf4: {  	vm12 =	vgt.s32 v41, $0x0;
	vm0 =	vmor vm11, vm2;
	v55 =	vadd.s32 v47, v39;
	[tilespmem:$0x1FE40] =	vst v33;
	v33 =	vld [tilespmem:s8+$0xFFFFFFE0]  }
0xf5: {  	v34 =	vsel vm0, $0xFFFFFFFF, v34;
	vm14 =	veq.f32 v27, v6;
	vm8 =	vgt.f32 v27, v6  }
0xf6: {  	[tilespmem:$0x1FE50] =	vst v34;
	v34 =	vld [tilespmem:s8+$0xFFFFFFF0];
	vm9 =	vmand vm15, vm14;
	v48 =	vsel vm14, $0xFFFFFFFF, v1;
	vm14 =	vgt.s32 v42, $0x0  }
0xf7: {  	v38 =	vld [tilespmem:s8+$0x40];
	vm0 =	vmor vm8, vm9;
	vm8 =	vgt.s32 v44, $0x0;
	v57 =	vadd.s32 v48, v40  }
0xf8: {  	v36 =	vld [tilespmem:s8+$0x20];
	v35 =	vsel vm0, $0xFFFFFFFF, v35;
	vm10 =	vgt.f32 v32, v7;
	vm11 =	veq.f32 v32, v7  }
0xf9: {  	[tilespmem:$0x1FE60] =	vst v35;
	vm2 =	vmand vm12, vm11;
	v35 =	vld [tilespmem:s8+$0x0];
	vm13 =	veq.f32 v33, v8;
	vm4 =	vgt.f32 v33, v8  }
0xfa: {  	v62 =	vsel vm11, $0xFFFFFFFF, v1;
	vm11 =	vgt.s32 v45, $0x0;
	vm0 =	vmor vm10, vm2  }
0xfb: {  	vm15 =	vmand vm14, vm13;
	v63 =	vsel vm13, $0xFFFFFFFF, v1;
	vm5 =	veq.f32 v34, v9  }
0xfc: {  	vm7 =	vgt.f32 v34, v9;
	vm14 =	veq.f32 v38, v6;
	vm1 =	vmand vm6, vm5  }
0xfd: {  	v51 =	vsel vm5, $0xFFFFFFFF, v1;
	vm5 =	veq.f32 v36, v4;
	vm6 =	vgt.s32 v53, $0x0  }
0xfe: {  	vm13 =	vmor vm7, vm1;
	vm7 =	vgt.f32 v36, v4;
	vm1 =	veq.f32 v35, v2  }
0xff: {  	vm9 =	vmand vm8, vm1;
	v52 =	vsel vm1, $0xFFFFFFFF, v1;
	vm1 =	vmand vm6, vm5  }
0x100: {  	v37 =	vld [tilespmem:s8+$0x30];
	v49 =	vsel vm0, $0xFFFFFFFF, v49;
	vm0 =	vmor vm4, vm15;
	vm1 =	vmor vm7, vm1  }
0x101: {  	vm15 =	vmand vm11, vm3;
	vm4 =	vgt.f32 v18, v3;
	[tilespmem:$0x1FE70] =	vst v49;
	v39 =	vsel vm1, $0xFFFFFFFF, v58  }
0x102: {  	v50 =	vsel vm0, $0xFFFFFFFF, v50;
	vm11 =	vmor vm4, vm15;
	v56 =	vsel vm5, $0xFFFFFFFF, v1;
	[tilespmem:$0x1FE90] =	vst v39;
	v39 =	vld [tilespmem:s8+$0x50]  }
0x103: {  	vm15 =	vgt.s32 v57, $0x0;
	v49 =	vadd.s32 v62, v41;
	[tilespmem:$0x1FE80] =	vst v50;
	v50 =	vadd.s32 v63, v42  }
0x104: {  	vm10 =	vgt.f32 v35, v2;
	vm8 =	vgt.s32 v55, $0x0;
	vm5 =	vmand vm15, vm14  }
0x105: {  	v40 =	vld [tilespmem:s8+$0x60];
	vm6 =	vgt.f32 v38, v6;
	vm12 =	vmor vm10, vm9;
	vm1 =	veq.f32 v37, v5  }
0x106: {  	vm10 =	vgt.f32 v37, v5;
	vm0 =	vmor vm6, vm5;
	vm9 =	vmand vm8, vm1  }
0x107: {  	vm8 =	vmor vm10, vm9;
	vm9 =	vgt.s32 v49, $0x0;
	vm7 =	veq.f32 v39, v7  }
0x108: {  	v58 =	vsel vm1, $0xFFFFFFFF, v1;
	vm10 =	vgt.f32 v39, v7;
	vm1 =	vmand vm9, vm7  }
0x109: {  	v41 =	vld [tilespmem:s8+$0x70];
	v46 =	vsel vm0, $0xFFFFFFFF, v59;
	v59 =	vsel vm14, $0xFFFFFFFF, v1;
	vm1 =	vmor vm10, vm1  }
0x10a: {  	vm14 =	vgt.s32 v50, $0x0;
	v42 =	vsel vm1, $0xFFFFFFFF, v60;
	vm1 =	veq.f32 v40, v8  }
0x10b: {  	v54 =	vsel vm3, $0xFFFFFFFF, v1;
	vm9 =	vgt.f32 v40, v8;
	[tilespmem:$0x1FEB0] =	vst v42;
	v42 =	vld [tilespmem:s8+$0x80];
	vm15 =	vmand vm14, vm1  }
0x10c: {  	v61 =	vimm.s32 $0x0;
	v47 =	vadd.s32 v54, v45;
	vm0 =	vmor vm9, vm15  }
0x10d: {  	v51 =	vadd.s32 v51, v43;
	v43 =	vld [tilespmem:s8+$0x90];
	v48 =	vadd.s32 v56, v53;
	[tilespmem:$0x1FEA0] =	vst v46;
	v46 =	vsel vm0, $0xFFFFFFFF, v61  }
0x10e: {  	vm10 =	veq.f32 v41, v9;
	vm14 =	vgt.s32 v51, $0x0;
	[tilespmem:$0x1FEC0] =	vst v46;
	v46 =	vadd.s32 v52, v44;
	v44 =	vld [tilespmem:s8+$0xA0]  }
0x10f: {  	v62 =	vld [tilespmem:$0x1FDA0];
	v60 =	vsel vm7, $0xFFFFFFFF, v1;
	vm15 =	vmand vm14, vm10;
	vm9 =	vgt.s32 v47, $0x0  }
0x110: {  	v61 =	vsel vm1, $0xFFFFFFFF, v1;
	vm6 =	vgt.s32 v46, $0x0;
	vm5 =	veq.f32 v42, v2  }
0x111: {  	v52 =	vsel vm10, $0xFFFFFFFF, v1;
	vm7 =	vgt.f32 v42, v2;
	vm1 =	vmand vm6, vm5  }
0x112: {  	vm6 =	vgt.f32 v43, v3;
	vm14 =	vmor vm7, vm1;
	vm1 =	veq.f32 v43, v3  }
0x113: {  	vm7 =	vgt.s32 v48, $0x0;
	vm10 =	vmand vm9, vm1;
	vm0 =	veq.f32 v44, v4  }
0x114: {  	vm9 =	vmor vm6, vm10;
	vm10 =	vmand vm7, vm0;
	vm7 =	vnez.u8 v62;
	_ =	sdelay $0x5  }
0x115: {  	[tilespmem:v15+s25+$0x0] =	vst.idx.msk vm7, v22;
	v22 =	vld [tilespmem:$0x1FDB0];
	_ =	sdelay $0x3  }
0x116: {  	vm4 =	vgt.f32 v41, v9  }
0x117: {  	vm15 =	vmor vm4, vm15;
	vm4 =	vnez.u8 v22;
	_ =	sdelay $0x1  }
0x118: {  	v45 =	vld [tilespmem:s8+$0xB0]  }
0x119: {  	v63 =	vld [tilespmem:$0x1FDD0]  }
0x11a: {  	v62 =	vld [tilespmem:$0x1FDC0]  }
0x11b: {  	v22 =	vsel vm4, $0x1, v1  }
0x11c: {  	v55 =	vadd.s32 v58, v55;
	[tilespmem:v16+s26+$0x0] =	vst.idx.msk vm4, v21;
	v16 =	vadd.s32 v22, v16;
	v22 =	vld [tilespmem:$0x1FDE0]  }
0x11d: {  	vm2 =	vgt.s32 v55, $0x0;
	v54 =	vsel vm5, $0xFFFFFFFF, v1  }
0x11e: {  	vm5 =	vnez.u8 v63;
	v53 =	vsel vm1, $0xFFFFFFFF, v1;
	vm6 =	vgt.f32 v44, v4  }
0x11f: {  	vm1 =	veq.f32 v45, v5;
	vm10 =	vmor vm6, vm10;
	vm4 =	vnez.u8 v62  }
0x120: {  	v56 =	vsel vm7, $0x1, v1;
	vm6 =	vmand vm2, vm1;
	vm7 =	vgt.f32 v45, v5  }
0x121: {  	vm7 =	vmor vm7, vm6;
	vm6 =	vnez.u8 v22;
	_ =	sdelay $0x3  }
0x122: {  	[tilespmem:v10+s28+$0x0] =	vst.idx.msk vm4, v19  }
0x123: {  	[tilespmem:v11+s29+$0x0] =	vst.idx.msk vm5, v20  }
0x124: {  	[tilespmem:v12+s30+$0x0] =	vst.idx.msk vm6, v23;
	v23 =	vld [tilespmem:$0x1FDF0];
	_ =	sdelay $0x4  }
0x125: {  	vm2 =	vnez.u8 v23;
	_ =	sdelay $0x5  }
0x126: {  	[tilespmem:v13+s31+$0x0] =	vst.idx.msk vm2, v24;
	v24 =	vld [tilespmem:$0x1FE00];
	_ =	sdelay $0x4  }
0x127: {  	v23 =	vsel vm2, $0x1, v1;
	vm2 =	vnez.u8 v24;
	_ =	sdelay $0x4  }
0x128: {  	v58 =	vld [tilespmem:s8+$0xC0]  }
0x129: {  	[tilespmem:v14+s1+$0x0] =	vst.idx.msk vm2, v25;
	v25 =	vld [tilespmem:$0x1FE10];
	_ =	sdelay $0x1  }
0x12a: {  	v15 =	vadd.s32 v56, v15  }
0x12b: {  	v56 =	vsel vm5, $0x1, v1;
	v62 =	vsel vm4, $0x1, v1;
	v20 =	vadd.s32 v59, v57  }
0x12c: {  	v19 =	vsel vm1, $0xFFFFFFFF, v1;
	vm5 =	veq.f32 v58, v6;
	vm4 =	vgt.s32 v20, $0x0  }
0x12d: {  	v22 =	vsel vm6, $0x1, v1;
	vm1 =	vmand vm4, vm5;
	vm4 =	vnez.u8 v25  }
0x12e: {  	v12 =	vadd.s32 v22, v12;
	v22 =	vld [tilespmem:$0x1FE20];
	_ =	sdelay $0x4  }
0x12f: {  	v25 =	vsel vm4, $0x1, v1;
	[tilespmem:v17+s0+$0x0] =	vst.idx.msk vm4, v26;
	vm4 =	vnez.u8 v22  }
0x130: {  	v13 =	vadd.s32 v23, v13;
	v23 =	vld [tilespmem:$0x1FE30];
	_ =	sdelay $0x4  }
0x131: {  	v22 =	vsel vm4, $0x1, v1;
	[tilespmem:v15+s25+$0x0] =	vst.idx.msk vm4, v30;
	vm4 =	vnez.u8 v23;
	_ =	sdelay $0x4  }
0x132: {  	v23 =	vsel vm4, $0x1, v1  }
0x133: {  	v15 =	vadd.s32 v22, v15;
	v22 =	vadd.s32 v23, v16;
	[tilespmem:v16+s26+$0x0] =	vst.idx.msk vm4, v31;
	v16 =	vld [tilespmem:$0x1FE40];
	_ =	sdelay $0x3  }
0x134: {  	vm6 =	vgt.f32 v58, v6;
	v24 =	vsel vm2, $0x1, v1;
	v23 =	vld [tilespmem:$0x1FE50]  }
0x135: {  	vm6 =	vmor vm6, vm1;
	v14 =	vadd.s32 v24, v14;
	v24 =	vld [tilespmem:$0x1FE60];
	vm1 =	vnez.u8 v16  }
0x136: {  	v10 =	vadd.s32 v62, v10;
	_ =	sdelay $0x2  }
0x137: {  	vm3 =	vnez.u8 v23  }
0x138: {  	v11 =	vadd.s32 v56, v11;
	vm4 =	vnez.u8 v24;
	v16 =	vsel vm1, $0x1, v1  }
0x139: {  	v16 =	vadd.s32 v16, v10;
	[tilespmem:v10+s28+$0x0] =	vst.idx.msk vm1, v28;
	v10 =	vld [tilespmem:$0x1FE70]  }
0x13a: {  	v17 =	vadd.s32 v25, v17;
	v25 =	vld [tilespmem:$0x1FE80];
	_ =	sdelay $0x2  }
0x13b: {  	v31 =	vld [tilespmem:s8+$0xD0];
	v24 =	vsel vm4, $0x1, v1;
	[tilespmem:v11+s29+$0x0] =	vst.idx.msk vm3, v29  }
0x13c: {  	v24 =	vadd.s32 v24, v12;
	[tilespmem:v12+s30+$0x0] =	vst.idx.msk vm4, v27;
	v12 =	vld [tilespmem:$0x1FE90];
	vm1 =	vnez.u8 v10  }
0x13d: {  	vm2 =	vnez.u8 v25  }
0x13e: {  	v59 =	vadd.s32 v52, v51;
	v26 =	vsel vm13, $0x1, v1;
	v23 =	vsel vm3, $0x1, v1  }
0x13f: {  	v23 =	vadd.s32 v23, v11;
	v28 =	vadd.s32 v60, v49;
	v60 =	vld [tilespmem:s8+$0xF0];
	v11 =	vsel vm12, $0x1, v1  }
0x140: {  	v21 =	vsel vm0, $0xFFFFFFFF, v1;
	v26 =	vadd.s32 v26, v17;
	[tilespmem:v15+s25+$0x0] =	vst.idx.msk vm12, v35;
	v11 =	vadd.s32 v11, v15;
	v15 =	vld [tilespmem:$0x1FEA0]  }
0x141: {  	[tilespmem:v22+s26+$0x0] =	vst.idx.msk vm11, v18;
	vm0 =	veq.f32 v31, v7;
	vm3 =	vgt.s32 v28, $0x0;
	vm4 =	vnez.u8 v12  }
0x142: {  	v29 =	vsel vm11, $0x1, v1;
	vm3 =	vmand vm3, vm0;
	v10 =	vsel vm1, $0x1, v1;
	[tilespmem:v13+s31+$0x0] =	vst.idx.msk vm1, v32  }
0x143: {  	v10 =	vadd.s32 v10, v13;
	v13 =	vsel vm5, $0xFFFFFFFF, v1;
	vm5 =	vgt.f32 v31, v7;
	[tilespmem:v14+s1+$0x0] =	vst.idx.msk vm2, v33  }
0x144: {  	vm11 =	veq.f32 v60, v9;
	[tilespmem:v17+s0+$0x0] =	vst.idx.msk vm13, v34;
	vm13 =	vmor vm5, vm3;
	vm5 =	vgt.s32 v59, $0x0  }
0x145: {  	v56 =	vld [tilespmem:s8+$0xE0];
	v17 =	vsel vm0, $0xFFFFFFFF, v1;
	vm0 =	vmand vm5, vm11;
	vm5 =	vnez.u8 v15  }
0x146: {  	v12 =	vsel vm4, $0x1, v1  }
0x147: {  	v12 =	vadd.s32 v12, v16;
	[tilespmem:v16+s28+$0x0] =	vst.idx.msk vm4, v36;
	v16 =	vld [tilespmem:$0x1FEB0]  }
0x148: {  	v25 =	vsel vm2, $0x1, v1  }
0x149: {  	v57 =	vadd.s32 v61, v50;
	v30 =	vadd.s32 v19, v55;
	v25 =	vadd.s32 v25, v14  }
0x14a: {  	v22 =	vadd.s32 v29, v22;
	vm1 =	veq.f32 v56, v8;
	[tilespmem:v23+s29+$0x0] =	vst.idx.msk vm8, v37;
	v15 =	vsel vm5, $0x1, v1  }
0x14b: {  	vm4 =	vgt.f32 v60, v9;
	[tilespmem:v24+s30+$0x0] =	vst.idx.msk vm5, v38;
	v24 =	vadd.s32 v15, v24;
	v15 =	vld [tilespmem:$0x1FEC0]  }
0x14c: {  	v14 =	vsel vm8, $0x1, v1;
	vm8 =	vmor vm4, vm0;
	vm4 =	vnez.u8 v16  }
0x14d: {  	vm12 =	vgt.f32 v56, v8;
	v18 =	vsel vm1, $0xFFFFFFFF, v1;
	vm3 =	vgt.s32 v57, $0x0  }
0x14e: {  	v29 =	vadd.s32 v13, v20;
	v14 =	vadd.s32 v14, v23;
	vm3 =	vmand vm3, vm1  }
0x14f: {  	[tilespmem:v11+s25+$0x0] =	vst.idx.msk vm14, v42;
	v23 =	vadd.s32 v54, v46;
	v27 =	vadd.s32 v17, v28;
	v16 =	vsel vm4, $0x1, v1  }
0x150: {  	[tilespmem:v22+s26+$0x0] =	vst.idx.msk vm9, v43;
	v13 =	vsel vm13, $0x1, v1;
	v61 =	vadd.s32 v16, v10;
	vm5 =	vnez.u8 v15  }
0x151: {  	[tilespmem:v12+s28+$0x0] =	vst.idx.msk vm10, v44;
	v28 =	vadd.s32 v18, v57;
	v17 =	vsel vm11, $0xFFFFFFFF, v1;
	vm12 =	vmor vm12, vm3  }
0x152: {  	v18 =	vadd.s32 v17, v59;
	[tilespmem:v10+s31+$0x0] =	vst.idx.msk vm4, v39;
	v10 =	vsel vm15, $0x1, v1;
	v15 =	vsel vm5, $0x1, v1  }
0x153: {  	s5 =	sadd.s32 $0x4, s5;
	v19 =	vsel vm8, $0x1, v1;
	[tilespmem:v14+s29+$0x0] =	vst.idx.msk vm7, v45;
	v63 =	vadd.s32 v10, v26;
	v62 =	vadd.s32 v15, v25  }
0x154: {  	p0 =	slt.u32 s5, $0xFC;
	v13 =	vadd.s32 v13, v61;
	v10 =	vsel vm14, $0x1, v1;
	[tilespmem:v24+s30+$0x0] =	vst.idx.msk vm6, v58;
	v17 =	vadd.s32 v19, v63  }
.Ltmp1:
0x155: {  	[tilespmem:v61+s31+$0x0] =	vst.idx.msk vm13, v31;
	v15 =	vadd.s32 v10, v11;
	v10 =	vsel vm9, $0x1, v1;
	v11 =	vsel vm7, $0x1, v1;
	(pc) =	sbr.rel @p0 .LBB2_5-.Ltmp1, $4  }
0x156: {  	v16 =	vadd.s32 v10, v22;
	v10 =	vsel vm10, $0x1, v1;
	v11 =	vadd.s32 v11, v14;
	[tilespmem:v25+s1+$0x0] =	vst.idx.msk vm5, v40  }
0x157: {  	v14 =	vsel vm12, $0x1, v1;
	v10 =	vadd.s32 v10, v12;
	v12 =	vsel vm6, $0x1, v1;
	[tilespmem:v26+s0+$0x0] =	vst.idx.msk vm15, v41  }
0x158: {  	v14 =	vadd.s32 v14, v62;
	v12 =	vadd.s32 v12, v24;
	[tilespmem:v62+s1+$0x0] =	vst.idx.msk vm12, v56  }
0x159: {  	s8 =	sadd.s32 $0x200, s8;
	v25 =	vadd.s32 v53, v47;
	v26 =	vadd.s32 v21, v48;
	[tilespmem:v63+s0+$0x0] =	vst.idx.msk vm8, v60  }
0x15a: {  	s4 =	sadd.s32 $0x1, s4  }
0x15b: {  	p0 =	sne.s32 s4, $0x8  }
.Ltmp2:
0x15c: {  	_ = 	snop;
	(pc) =	sbr.rel @p0 .LBB2_2-.Ltmp2, $1  }
0x15d: {  	_ =	sdelay $0x3  }
0x15e: {  	[hbm4b:s10+s2] =	stream.linear.scatter [tilespmem:s25], [sflag:$0x3], $0x400, $0x38;
	[tilespmem:$0x12100] =	vst v63  }
0x15f: {  	_ =	swait.ge [sflag:s20], $0x400  }
0x160: {  	[sflag:s20] =	ssyncset.done $0x0  }
0x161: {  	s4 =	rddreg [dreg:$0x7];
	[sflag:s20] =	ssyncadd.s32 $0xFFFFFC00  }
0x162: {  	[hbm4b:s4+s2] =	stream.linear.scatter [tilespmem:s26], [sflag:$0x3], $0x400, $0x38;
	[tilespmem:$0x12100] =	vst v63  }
0x163: {  	_ =	swait.ge [sflag:s20], $0x400  }
0x164: {  	[sflag:s20] =	ssyncset.done $0x0  }
0x165: {  	s12 =	rddreg [dreg:$0x8];
	[sflag:s20] =	ssyncadd.s32 $0xFFFFFC00  }
0x166: {  	[hbm4b:s12+s2] =	stream.linear.scatter [tilespmem:s28], [sflag:$0x3], $0x400, $0x38;
	[tilespmem:$0x12100] =	vst v63  }
0x167: {  	_ =	swait.ge [sflag:s20], $0x400  }
0x168: {  	[sflag:s20] =	ssyncset.done $0x0  }
0x169: {  	[sflag:s20] =	ssyncadd.s32 $0xFFFFFC00  }
0x16a: {  	[hbm4b:s13+s2] =	stream.linear.scatter [tilespmem:s29], [sflag:$0x3], $0x400, $0x38;
	[tilespmem:$0x12100] =	vst v63  }
0x16b: {  	_ =	swait.ge [sflag:s20], $0x400  }
0x16c: {  	[sflag:s20] =	ssyncset.done $0x0  }
0x16d: {  	[sflag:s20] =	ssyncadd.s32 $0xFFFFFC00  }
0x16e: {  	[hbm4b:s14+s2] =	stream.linear.scatter [tilespmem:s30], [sflag:$0x3], $0x400, $0x38;
	[tilespmem:$0x12100] =	vst v63  }
0x16f: {  	_ =	swait.ge [sflag:s20], $0x400  }
0x170: {  	[sflag:s20] =	ssyncset.done $0x0  }
0x171: {  	[sflag:s20] =	ssyncadd.s32 $0xFFFFFC00  }
0x172: {  	[hbm4b:s15+s2] =	stream.linear.scatter [tilespmem:s31], [sflag:$0x3], $0x400, $0x38;
	[tilespmem:$0x12100] =	vst v63  }
0x173: {  	_ =	swait.ge [sflag:s20], $0x400  }
0x174: {  	[sflag:s20] =	ssyncset.done $0x0  }
0x175: {  	[sflag:s20] =	ssyncadd.s32 $0xFFFFFC00  }
0x176: {  	[hbm4b:s16+s2] =	stream.linear.scatter [tilespmem:s1], [sflag:$0x3], $0x400, $0x38;
	[tilespmem:$0x12100] =	vst v63  }
0x177: {  	s21 =	sadd.s32 $0x1, s21;
	_ =	swait.ge [sflag:s20], $0x400  }
0x178: {  	p0 =	sne.s32 s21, s18;
	[sflag:s20] =	ssyncset.done $0x0  }
.Ltmp3:
0x179: {  	[sflag:s20] =	ssyncadd.s32 $0xFFFFFC00;
	(pc) =	sbr.rel @p0 .LBB2_1-.Ltmp3, $4  }
0x17a: {  	[hbm4b:s17+s2] =	stream.linear.scatter [tilespmem:s0], [sflag:$0x3], $0x400, $0x38;
	[tilespmem:$0x12100] =	vst v63  }
0x17b: {  	_ =	swait.ge [sflag:s20], $0x400  }
0x17c: {  	[sflag:s20] =	ssyncset.done $0x0  }
0x17d: {  	[sflag:s20] =	ssyncadd.s32 $0xFFFFFC00  }
0x17e: {  	_ =	sfence.sel $0x180000  }
0x17f: {  	[bflag:$0x0] =	sbarrier.arrive $0xFFFF  }
0x180: {  	_ =	strace $0x90000047  }
0x181: {  	s0 =	stileid.u32;
	[bflag:$0x2] =	sbarrier.arrive $0xFFFF  }
0x182: {  	p0 =	sne.s32 s0, $0x0;
	s0 =	rddreg [dreg:$0x3]  }
0x183: {  	s0 =	sadd.s32 @!p0 $0x100000, s0  }
0x184: {  	[sflag:s0] =	ssyncadd.tile.s32 @!p0 $0x1;
	_ =	shalt  }
.Lfunc_end2:
_tile_overlayer_lowered:
.L_overlay_start_2:
0x185: {  	(tag) =	ssettag $0x2  }
0x186: {  	s0 =	rddreg [dreg:$0x0];
	s2 =	stileid.u32  }
0x187: {  	s1 =	rddreg [dreg:$0x1];
	p0 =	sne.s32 s2, $0x0  }
0x188: {  	s3 =	rddreg [dreg:$0x2];
	[bflag:$0x3] =	sbarrier.arrive $0xFFFF;
	s2 =	simm.s32 @!p0 $0x1C03  }
0x189: {  	[timem:s3], [sflag:s2] =	dma.local @!p0 [hbm:s0], s1  }
0x18a: {  	s0 =	simm.s32 @!p0 $0x3  }
0x18b: {  	_ =	swait.ge @!p0 [sflag:s0], s1  }
0x18c: {  	s1 =	ssub.s32 @!p0 $0x0, s1;
	[sflag:s0] =	ssyncset.done @!p0 $0x0  }
0x18d: {  	[sflag:s0] =	ssyncadd.s32 @!p0 s1  }
0x18e: {  	[bflag:$0x3] =	sbarrier.arrive $0xFFFF  }
0x18f: {  	_ =	shalt  }

</sc_bundles>
